<compile_context>
chip_gen: v7x
topology: tpu7x:2x2x1
jax: 0.10.2.dev20260603
libtpu: 0.0.44.dev20260713+nightly
codegen_flags: <defaults>
</compile_context>

<pallas_src>
import functools

import jax
import jax.numpy as jnp
from jax import lax
from jax.experimental import pallas as pl
from jax.experimental.pallas import tpu as pltpu
from jax.experimental.pallas import tpu_sc as plsc

N = 10000
E = 320000
D = 128
NTILES = 16
CHUNK = 128
DEPTH = 2
EPT = E // NTILES
EPT_PAD = 20480
NCHUNK = EPT_PAD // CHUNK
IBLK = 16
NBLK = NCHUNK // IBLK
ROWS = 640
ACCR = N + 8

_f32 = jnp.float32


def _sc_body(xt, si, di, zf, sums, *refs):
    idx_s, idx_d = refs[0], refs[1]
    idxbs = refs[2:2 + DEPTH]
    rows = refs[2 + DEPTH:2 + 2 * DEPTH]
    acc = refs[2 + 2 * DEPTH]
    sem_g = refs[3 + 2 * DEPTH:3 + 3 * DEPTH]
    sem_s = refs[3 + 3 * DEPTH:3 + 4 * DEPTH]
    c = lax.axis_index("c")
    s = lax.axis_index("s")
    base = jnp.minimum(s * ROWS, N - ROWS)

    pltpu.sync_copy(zf.at[pl.ds(base, ROWS)], acc.at[pl.ds(base, ROWS)])
    plsc.subcore_barrier()

    @pl.loop(0, NBLK)
    def _(blk):
        pltpu.sync_copy(si.at[c, s, pl.ds(blk * IBLK, IBLK)], idx_s)
        pltpu.sync_copy(di.at[c, s, pl.ds(blk * IBLK, IBLK)], idx_d)

        @pl.loop(0, IBLK // DEPTH)
        def _(p):
            for b in range(DEPTH):
                for k in range(CHUNK // 16):
                    idxbs[b][pl.ds(k * 16, 16)] = (
                        idx_d[DEPTH * p + b, pl.ds(k * 16, 16)])
            gs = [pltpu.async_copy(xt.at[idx_s.at[DEPTH * p + b]],
                                   rows[b], sem_g[b])
                  for b in range(DEPTH)]
            ss = []
            for b in range(DEPTH):
                gs[b].wait()
                ss.append(pltpu.async_copy(rows[b], acc.at[idxbs[b]],
                                           sem_s[b], add=True))
            for b in range(DEPTH):
                ss[b].wait()

    plsc.subcore_barrier()
    obase = c * N + base
    pltpu.sync_copy(acc.at[pl.ds(base, ROWS)], sums.at[pl.ds(obase, ROWS)])


def _make_sc():
    return pl.kernel(
        _sc_body,
        out_type=[jax.ShapeDtypeStruct((2 * N, D), _f32)],
        mesh=plsc.VectorSubcoreMesh(core_axis_name="c", subcore_axis_name="s",
                                    num_cores=2, num_subcores=NTILES),
        scratch_types=(
            [pltpu.VMEM((IBLK, CHUNK), jnp.int32),
             pltpu.VMEM((IBLK, CHUNK), jnp.int32)]
            + [pltpu.VMEM((CHUNK,), jnp.int32)] * DEPTH
            + [pltpu.VMEM((CHUNK, D), _f32)] * DEPTH
            + [pltpu.VMEM_SHARED((ACCR, D), _f32)]
            + [pltpu.SemaphoreType.DMA] * (2 * DEPTH)
        ),
    )


_make_sc = functools.lru_cache(_make_sc)


def _cnt_body(di, zf, ones_h, cnts, idx_d, idxb0, idxb1, ones_v, cacc,
              sem_s0, sem_s1):
    c = lax.axis_index("c")
    s = lax.axis_index("s")
    base = jnp.minimum(s * ROWS, N - ROWS)

    pltpu.sync_copy(zf.at[pl.ds(base, ROWS)], cacc.at[pl.ds(base, ROWS)])
    pltpu.sync_copy(ones_h, ones_v)
    plsc.subcore_barrier()

    @pl.loop(0, NBLK)
    def _(blk):
        pltpu.sync_copy(di.at[c, s, pl.ds(blk * IBLK, IBLK)], idx_d)

        @pl.loop(0, IBLK // 2)
        def _(p):
            for k in range(CHUNK // 16):
                idxb0[pl.ds(k * 16, 16)] = idx_d[2 * p, pl.ds(k * 16, 16)]
                idxb1[pl.ds(k * 16, 16)] = idx_d[2 * p + 1, pl.ds(k * 16, 16)]
            s0 = pltpu.async_copy(ones_v, cacc.at[idxb0], sem_s0, add=True)
            s1 = pltpu.async_copy(ones_v, cacc.at[idxb1], sem_s1, add=True)
            s0.wait()
            s1.wait()

    plsc.subcore_barrier()
    obase = c * N + base
    pltpu.sync_copy(cacc.at[pl.ds(base, ROWS)], cnts.at[pl.ds(obase, ROWS)])


def _make_cnt():
    return pl.kernel(
        _cnt_body,
        out_type=[jax.ShapeDtypeStruct((2 * N, D), _f32)],
        mesh=plsc.VectorSubcoreMesh(core_axis_name="c", subcore_axis_name="s",
                                    num_cores=2, num_subcores=NTILES),
        scratch_types=[
            pltpu.VMEM((IBLK, CHUNK), jnp.int32),
            pltpu.VMEM((CHUNK,), jnp.int32),
            pltpu.VMEM((CHUNK,), jnp.int32),
            pltpu.VMEM((CHUNK, D), _f32),
            pltpu.VMEM_SHARED((ACCR, D), _f32),
            pltpu.SemaphoreType.DMA,
            pltpu.SemaphoreType.DMA,
        ],
    )


_make_cnt = functools.lru_cache(_make_cnt)


def _tc_body(with_post, *refs):
    if with_post:
        (x, sm, cnt, Ws, bs, Wd, bd, Wu, bu, g, be, Wp, bp, out) = refs
    else:
        (x, sm, cnt, Ws, bs, Wd, bd, Wu, bu, g, be, out) = refs
    c = jnp.maximum(cnt[:, 0:1], 1.0)
    aggr = sm[...] / c
    hv = jnp.dot(x[...], Wd[...], preferred_element_type=_f32) + bd[...]
    hu = jnp.dot(aggr, Ws[...], preferred_element_type=_f32) + bs[...]
    y = jnp.dot(jnp.concatenate([hv, hu], axis=1), Wu[...],
                preferred_element_type=_f32) + bu[...]
    m = jnp.mean(y, axis=0, keepdims=True)
    v = jnp.mean((y - m) ** 2, axis=0, keepdims=True)
    y = (y - m) / jnp.sqrt(v + 1.0) * g[...] + be[...]
    y = jnp.where(y >= 0, y, 0.01 * y)
    if with_post:
        y = jnp.dot(y, Wp[...], preferred_element_type=_f32) + bp[...]
    out[...] = y


def _full(a):
    return pl.BlockSpec(a.shape, lambda i: (0,) * a.ndim)


def _half(half, w):
    return pl.BlockSpec((N, w), lambda i: (half, 0))


def _tc_stage(with_post, half, x, sm, cnt, *args):
    width = 16 if with_post else D
    in_specs = ([_full(x), _half(half, D), _half(half, D)]
                + [_full(a) for a in args])
    return pl.pallas_call(
        functools.partial(_tc_body, with_post),
        grid=(1,),
        out_shape=jax.ShapeDtypeStruct((N, width), _f32),
        in_specs=in_specs,
        out_specs=pl.BlockSpec((N, width), lambda i: (0, 0)),
    )(x, sm, cnt, *args)


def kernel(x_n0, x_n1, edge_index_a, edge_index_b, W1a_src, b1a_src, W1a_dst, b1a_dst, W1a_upd, b1a_upd, W1b_src, b1b_src, W1b_dst, b1b_dst, W1b_upd, b1b_upd, W2a_src, b2a_src, W2a_dst, b2a_dst, W2a_upd, b2a_upd, W2b_src, b2b_src, W2b_dst, b2b_dst, W2b_upd, b2b_upd, g_bn1_n0, be_bn1_n0, g_bn1_n1, be_bn1_n1, g_bn2_n0, be_bn2_n0, g_bn2_n1, be_bn2_n1, W_post_n0, b_post_n0, W_post_n1, b_post_n1):
    def padidx(v, fill):
        v = v.astype(jnp.int32).reshape(NTILES, EPT)
        return jnp.pad(v, ((0, 0), (0, EPT_PAD - EPT)), constant_values=fill)

    si = jnp.stack([padidx(edge_index_a[0], 0),
                    padidx(edge_index_b[0] + N, 0)]
                   ).reshape(2, NTILES, NCHUNK, CHUNK)
    di = jnp.stack([padidx(edge_index_a[1], N),
                    padidx(edge_index_b[1], N)]
                   ).reshape(2, NTILES, NCHUNK, CHUNK)
    zf = jnp.zeros((N, D), _f32)
    row = lambda v: v.reshape(1, -1)

    xt1 = jnp.concatenate([x_n0, x_n1], axis=0)
    (sums1,) = _make_sc()(xt1, si, di, zf)
    (cnts,) = _make_cnt()(di, zf, jnp.ones((CHUNK, D), _f32))

    h1 = _tc_stage(False, 0, x_n1, sums1, cnts,
                   W1a_src, row(b1a_src), W1a_dst, row(b1a_dst),
                   W1a_upd, row(b1a_upd), row(g_bn1_n1), row(be_bn1_n1))
    h0 = _tc_stage(False, 1, x_n0, sums1, cnts,
                   W1b_src, row(b1b_src), W1b_dst, row(b1b_dst),
                   W1b_upd, row(b1b_upd), row(g_bn1_n0), row(be_bn1_n0))

    xt2 = jnp.concatenate([h0, h1], axis=0)
    (sums2,) = _make_sc()(xt2, si, di, zf)

    out1 = _tc_stage(True, 0, h1, sums2, cnts,
                     W2a_src, row(b2a_src), W2a_dst, row(b2a_dst),
                     W2a_upd, row(b2a_upd), row(g_bn2_n1), row(be_bn2_n1),
                     W_post_n1, row(b_post_n1))
    out0 = _tc_stage(True, 1, h0, sums2, cnts,
                     W2b_src, row(b2b_src), W2b_dst, row(b2b_dst),
                     W2b_upd, row(b2b_upd), row(g_bn2_n0), row(be_bn2_n0),
                     W_post_n0, row(b_post_n0))
    return out0, out1

# --- scband reference (transcript-rebuilt; emitter-appended) ---
"""Pipeline reference for scband-hetero-gnn-4947802325202 (READ-ONLY COPY).

The authoritative reference and input builder live on the scoring server;
editing this copy changes nothing except your own understanding.
"""

import jax, jax.numpy as jnp
import numpy as np

N0 = 10000
N1 = 10000
E = 320000
D = 128
H = 128
L = 16

def _lin_params(key, fan_in, fan_out):
    k1, k2 = jax.random.split(key)
    lim = 1.0 / np.sqrt(fan_in)
    W = jax.random.uniform(k1, (fan_in, fan_out), minval=-lim, maxval=lim, dtype=jnp.float32)
    b = jax.random.uniform(k2, (fan_out,), minval=-lim, maxval=lim, dtype=jnp.float32)
    return W, b

def setup_inputs(seed=0):
    key = jax.random.key(seed)
    ks = jax.random.split(key, 32)
    inp = {}
    inp["x_n0"] = jax.random.normal(ks[0], (N0, D), dtype=jnp.float32)
    inp["x_n1"] = jax.random.normal(ks[1], (N1, D), dtype=jnp.float32)
    inp["edge_index_a"] = jnp.stack([jax.random.randint(ks[2], (E,), 0, N0), jax.random.randint(ks[3], (E,), 0, N1)])
    inp["edge_index_b"] = jnp.stack([jax.random.randint(ks[4], (E,), 0, N1), jax.random.randint(ks[5], (E,), 0, N0)])
    i = 6
    for l, din in (("1", D), ("2", H)):
        for mt in ("a", "b"):
            W, b = _lin_params(ks[i], din, H); i += 1
            inp["W" + l + mt + "_src"] = W; inp["b" + l + mt + "_src"] = b
            W, b = _lin_params(ks[i], din, H); i += 1
            inp["W" + l + mt + "_dst"] = W; inp["b" + l + mt + "_dst"] = b
            W, b = _lin_params(ks[i], 2 * H, H); i += 1
            inp["W" + l + mt + "_upd"] = W; inp["b" + l + mt + "_upd"] = b
    for l in ("1", "2"):
        for nt in ("n0", "n1"):
            inp["g_bn" + l + "_" + nt] = jnp.ones((H,), jnp.float32)
            inp["be_bn" + l + "_" + nt] = jnp.zeros((H,), jnp.float32)
    for nt in ("n0", "n1"):
        W, b = _lin_params(ks[i], H, L); i += 1
        inp["W_post_" + nt] = W; inp["b_post_" + nt] = b
    return inp

def _conv(x_src, x_dst, edge_index, Ws, bs, Wd, bd, Wu, bu, num_dst):
    src = edge_index[0]; dst = edge_index[1]
    msg = jnp.take(x_src, src, axis=0)
    summed = jax.ops.segment_sum(msg, dst, num_segments=num_dst)
    cnt = jax.ops.segment_sum(jnp.ones((src.shape[0],), jnp.float32), dst, num_segments=num_dst)
    aggr = summed / jnp.maximum(cnt, 1.0)[:, None]
    hv = x_dst @ Wd + bd
    hu = aggr @ Ws + bs
    return jnp.concatenate([hv, hu], axis=1) @ Wu + bu

def _bn(x, g, b):
    m = jnp.mean(x, axis=0); v = jnp.var(x, axis=0)
    return (x - m) / jnp.sqrt(v + 1.0) * g + b

def _lrelu(x):
    return jnp.where(x >= 0, x, 0.01 * x)

def _forward(p, ea, eb):
    h1 = _conv(p["x_n0"], p["x_n1"], ea, p["W1a_src"], p["b1a_src"], p["W1a_dst"], p["b1a_dst"], p["W1a_upd"], p["b1a_upd"], N1)
    h0 = _conv(p["x_n1"], p["x_n0"], eb, p["W1b_src"], p["b1b_src"], p["W1b_dst"], p["b1b_dst"], p["W1b_upd"], p["b1b_upd"], N0)
    h0 = _lrelu(_bn(h0, p["g_bn1_n0"], p["be_bn1_n0"]))
    h1 = _lrelu(_bn(h1, p["g_bn1_n1"], p["be_bn1_n1"]))
    g1 = _conv(h0, h1, ea, p["W2a_src"], p["b2a_src"], p["W2a_dst"], p["b2a_dst"], p["W2a_upd"], p["b2a_upd"], N1)
    g0 = _conv(h1, h0, eb, p["W2b_src"], p["b2b_src"], p["W2b_dst"], p["b2b_dst"], p["W2b_upd"], p["b2b_upd"], N0)
    g0 = _lrelu(_bn(g0, p["g_bn2_n0"], p["be_bn2_n0"]))
    g1 = _lrelu(_bn(g1, p["g_bn2_n1"], p["be_bn2_n1"]))
    out0 = g0 @ p["W_post_n0"] + p["b_post_n0"]
    out1 = g1 @ p["W_post_n1"] + p["b_post_n1"]
    return out0, out1

def reference(x_n0, x_n1, edge_index_a, edge_index_b,
              W1a_src, b1a_src, W1a_dst, b1a_dst, W1a_upd, b1a_upd,
              W1b_src, b1b_src, W1b_dst, b1b_dst, W1b_upd, b1b_upd,
              W2a_src, b2a_src, W2a_dst, b2a_dst, W2a_upd, b2a_upd,
              W2b_src, b2b_src, W2b_dst, b2b_dst, W2b_upd, b2b_upd,
              g_bn1_n0, be_bn1_n0, g_bn1_n1, be_bn1_n1,
              g_bn2_n0, be_bn2_n0, g_bn2_n1, be_bn2_n1,
              W_post_n0, b_post_n0, W_post_n1, b_post_n1):
    inp = dict(locals())
    ea = inp.pop("edge_index_a")
    eb = inp.pop("edge_index_b")
    return _forward(inp, ea, eb)

if __name__ == "__main__":
    import jax
    _d = setup_inputs()
    print(jax.jit(kernel)(*tuple(_d.values())))

</pallas_src>

<mosaic_0001>
#map = affine_map<(d0, d1) -> (0, 0, 0, 0)>
#map1 = affine_map<(d0, d1) -> (0, 0)>
module attributes {stable_mosaic.version = 14 : i64} {
  func.func @_cnt_body(%arg0: i32, %arg1: i32, %arg2: memref<2x16x160x128xi32, #tpu.memory_space<hbm>>, %arg3: memref<10000x128xf32, #tpu.memory_space<hbm>>, %arg4: memref<128x128xf32, #tpu.memory_space<hbm>>, %arg5: memref<20000x128xf32, #tpu.memory_space<hbm>>, %arg6: memref<16x128xi32, #tpu.memory_space<vmem>>, %arg7: memref<128xi32, #tpu.memory_space<vmem>>, %arg8: memref<128xi32, #tpu.memory_space<vmem>>, %arg9: memref<128x128xf32, #tpu.memory_space<vmem>>, %arg10: memref<10008x128xf32, #tpu.memory_space<vmem_shared>>, %arg11: memref<!tpu.dma_semaphore, #tpu.memory_space<semaphore_mem>>, %arg12: memref<!tpu.dma_semaphore, #tpu.memory_space<semaphore_mem>>) attributes {dimension_semantics = [#tpu.dimension_semantics<core_parallel>, #tpu.dimension_semantics<subcore_parallel>], iteration_bounds = array<i64: 2, 16>, scalar_prefetch = 0 : i64, scratch_operands = 7 : i64, tpu.core_type = #tpu.core_type<sc_vector_subcore>, window_params = [{transform_indices = #map}, {transform_indices = #map1}, {transform_indices = #map1}, {transform_indices = #map1}]} {
    %mul3A = arith.constant 640 : i32
    %mul3A_0 = arith.muli %arg1, %mul3A : i32
    %min3A = arith.constant 9360 : i32
    %min3A_1 = arith.minsi %mul3A_0, %min3A : i32
    "tpu.region"() ({
      %run_scoped3A = tpu.sem_alloc : memref<!tpu.dma_semaphore, #tpu.memory_space<semaphore_mem>>
      %dma_start3A = arith.constant 0 : i32
      %dma_start3A_9 = tpu.memref_slice %arg10[%min3A_1, %dma_start3A] : memref<10008x128xf32, #tpu.memory_space<vmem_shared>> -> memref<640x128xf32, #tpu.memory_space<vmem_shared>>
      %dma_start3A_10 = arith.constant 0 : i32
      %dma_start3A_11 = tpu.memref_slice %arg3[%min3A_1, %dma_start3A_10] : memref<10000x128xf32, #tpu.memory_space<hbm>> -> memref<640x128xf32, #tpu.memory_space<hbm>>
      tpu.enqueue_dma source(%dma_start3A_11 : memref<640x128xf32, #tpu.memory_space<hbm>>) target(%dma_start3A_9 : memref<640x128xf32, #tpu.memory_space<vmem_shared>>) target_semaphore(%run_scoped3A : memref<!tpu.dma_semaphore, #tpu.memory_space<semaphore_mem>>)
      %dma_wait3A = arith.constant 0 : i32
      %dma_wait3A_12 = tpu.memref_slice %arg10[%min3A_1, %dma_wait3A] : memref<10008x128xf32, #tpu.memory_space<vmem_shared>> -> memref<640x128xf32, #tpu.memory_space<vmem_shared>>
      %dma_wait3A_13 = arith.constant 0 : i32
      %dma_wait3A_14 = tpu.memref_slice %arg3[%min3A_1, %dma_wait3A_13] : memref<10000x128xf32, #tpu.memory_space<hbm>> -> memref<640x128xf32, #tpu.memory_space<hbm>>
      tpu.wait_dma2 semaphore(%run_scoped3A : memref<!tpu.dma_semaphore, #tpu.memory_space<semaphore_mem>>) src(%dma_wait3A_14 : memref<640x128xf32, #tpu.memory_space<hbm>>) dst(%dma_wait3A_12 : memref<640x128xf32, #tpu.memory_space<vmem_shared>>)
      tpu.yield
    }) : () -> ()
    "tpu.region"() ({
      %run_scoped3A = tpu.sem_alloc : memref<!tpu.dma_semaphore, #tpu.memory_space<semaphore_mem>>
      tpu.enqueue_dma source(%arg4 : memref<128x128xf32, #tpu.memory_space<hbm>>) target(%arg9 : memref<128x128xf32, #tpu.memory_space<vmem>>) target_semaphore(%run_scoped3A : memref<!tpu.dma_semaphore, #tpu.memory_space<semaphore_mem>>)
      tpu.wait_dma2 semaphore(%run_scoped3A : memref<!tpu.dma_semaphore, #tpu.memory_space<semaphore_mem>>) src(%arg4 : memref<128x128xf32, #tpu.memory_space<hbm>>) dst(%arg9 : memref<128x128xf32, #tpu.memory_space<vmem>>)
      tpu.yield
    }) : () -> ()
    %barrier3A = arith.constant 0 : index
    tpu.barrier barrier_id(%barrier3A)
    %scan3A = arith.constant 0 : i32
    %scan3A_2 = arith.constant 10 : i32
    %scan3A_3 = arith.addi %scan3A, %scan3A_2 : i32
    %scan3A_4 = arith.constant 1 : i32
    scf.for %scan3A_9 = %scan3A to %scan3A_3 step %scan3A_4  : i32 {
      %mul3A_10 = arith.constant 1 : i32
      %mul3A_11 = arith.muli %scan3A_9, %mul3A_10 : i32
      %add3A_12 = arith.constant 0 : i32
      %add3A_13 = arith.addi %add3A_12, %mul3A_11 : i32
      %mul3A_14 = arith.constant 16 : i32
      %mul3A_15 = arith.muli %add3A_13, %mul3A_14 : i32
      "tpu.region"() ({
        %run_scoped3A = tpu.sem_alloc : memref<!tpu.dma_semaphore, #tpu.memory_space<semaphore_mem>>
        %dma_start3A = arith.constant 0 : i32
        %dma_start3A_21 = tpu.memref_slice %arg2[%arg0, %arg1, %mul3A_15, %dma_start3A] : memref<2x16x160x128xi32, #tpu.memory_space<hbm>> -> memref<1x1x16x128xi32, #tpu.memory_space<hbm>>
        %dma_start3A_22 = tpu.memref_squeeze %dma_start3A_21 : memref<1x1x16x128xi32, #tpu.memory_space<hbm>> -> memref<16x128xi32, #tpu.memory_space<hbm>>
        %dma_start3A_23 = arith.constant 0 : i32
        %dma_start3A_24 = tpu.memref_slice %arg2[%arg0, %arg1, %mul3A_15, %dma_start3A_23] : memref<2x16x160x128xi32, #tpu.memory_space<hbm>> -> memref<1x1x16x128xi32, #tpu.memory_space<hbm>>
        %dma_start3A_25 = tpu.memref_squeeze %dma_start3A_24 : memref<1x1x16x128xi32, #tpu.memory_space<hbm>> -> memref<16x128xi32, #tpu.memory_space<hbm>>
        tpu.enqueue_dma source(%dma_start3A_25 : memref<16x128xi32, #tpu.memory_space<hbm>>) target(%arg6 : memref<16x128xi32, #tpu.memory_space<vmem>>) target_semaphore(%run_scoped3A : memref<!tpu.dma_semaphore, #tpu.memory_space<semaphore_mem>>)
        %dma_wait3A = arith.constant 0 : i32
        %dma_wait3A_26 = tpu.memref_slice %arg2[%arg0, %arg1, %mul3A_15, %dma_wait3A] : memref<2x16x160x128xi32, #tpu.memory_space<hbm>> -> memref<1x1x16x128xi32, #tpu.memory_space<hbm>>
        %dma_wait3A_27 = tpu.memref_squeeze %dma_wait3A_26 : memref<1x1x16x128xi32, #tpu.memory_space<hbm>> -> memref<16x128xi32, #tpu.memory_space<hbm>>
        %dma_wait3A_28 = arith.constant 0 : i32
        %dma_wait3A_29 = tpu.memref_slice %arg2[%arg0, %arg1, %mul3A_15, %dma_wait3A_28] : memref<2x16x160x128xi32, #tpu.memory_space<hbm>> -> memref<1x1x16x128xi32, #tpu.memory_space<hbm>>
        %dma_wait3A_30 = tpu.memref_squeeze %dma_wait3A_29 : memref<1x1x16x128xi32, #tpu.memory_space<hbm>> -> memref<16x128xi32, #tpu.memory_space<hbm>>
        tpu.wait_dma2 semaphore(%run_scoped3A : memref<!tpu.dma_semaphore, #tpu.memory_space<semaphore_mem>>) src(%dma_wait3A_30 : memref<16x128xi32, #tpu.memory_space<hbm>>) dst(%arg6 : memref<16x128xi32, #tpu.memory_space<vmem>>)
        tpu.yield
      }) : () -> ()
      %scan3A_16 = arith.constant 0 : i32
      %scan3A_17 = arith.constant 8 : i32
      %scan3A_18 = arith.addi %scan3A_16, %scan3A_17 : i32
      %scan3A_19 = arith.constant 1 : i32
      scf.for %scan3A_21 = %scan3A_16 to %scan3A_18 step %scan3A_19  : i32 {
        %mul3A_22 = arith.constant 1 : i32
        %mul3A_23 = arith.muli %scan3A_21, %mul3A_22 : i32
        %add3A_24 = arith.constant 0 : i32
        %add3A_25 = arith.addi %add3A_24, %mul3A_23 : i32
        %mul3A_26 = arith.constant 2 : i32
        %mul3A_27 = arith.muli %mul3A_26, %add3A_25 : i32
        %get3A = arith.index_cast %mul3A_27 : i32 to index
        %get3A_28 = arith.constant 0 : index
        %get3A_29 = tpu.vector_load %arg6[%get3A, %get3A_28] {strides = array<i32>} : memref<16x128xi32, #tpu.memory_space<vmem>>, vector<1x16xi32>,
        %get3A_30 = vector.shape_cast %get3A_29 : vector<1x16xi32> to vector<16xi32>
        %swap3A = arith.constant 0 : index
        %swap3A_31 = tpu.vector_load %arg7[%swap3A] {strides = array<i32>} : memref<128xi32, #tpu.memory_space<vmem>>, vector<16xi32>,
        %swap3A_32 = vector.shape_cast %swap3A_31 : vector<16xi32> to vector<16xi32>
        %swap3A_33 = vector.shape_cast %get3A_30 : vector<16xi32> to vector<16xi32>
        tpu.vector_store %arg7[%swap3A], %swap3A_33 {strides = array<i32>} : memref<128xi32, #tpu.memory_space<vmem>>, vector<16xi32>,
        %mul3A_34 = arith.constant 2 : i32
        %mul3A_35 = arith.muli %mul3A_34, %add3A_25 : i32
        %add3A_36 = arith.constant 1 : i32
        %add3A_37 = arith.addi %mul3A_35, %add3A_36 : i32
        %get3A_38 = arith.index_cast %add3A_37 : i32 to index
        %get3A_39 = arith.constant 0 : index
        %get3A_40 = tpu.vector_load %arg6[%get3A_38, %get3A_39] {strides = array<i32>} : memref<16x128xi32, #tpu.memory_space<vmem>>, vector<1x16xi32>,
        %get3A_41 = vector.shape_cast %get3A_40 : vector<1x16xi32> to vector<16xi32>
        %swap3A_42 = arith.constant 0 : index
        %swap3A_43 = tpu.vector_load %arg8[%swap3A_42] {strides = array<i32>} : memref<128xi32, #tpu.memory_space<vmem>>, vector<16xi32>,
        %swap3A_44 = vector.shape_cast %swap3A_43 : vector<16xi32> to vector<16xi32>
        %swap3A_45 = vector.shape_cast %get3A_41 : vector<16xi32> to vector<16xi32>
        tpu.vector_store %arg8[%swap3A_42], %swap3A_45 {strides = array<i32>} : memref<128xi32, #tpu.memory_space<vmem>>, vector<16xi32>,
        %mul3A_46 = arith.constant 2 : i32
        %mul3A_47 = arith.muli %mul3A_46, %add3A_25 : i32
        %get3A_48 = arith.index_cast %mul3A_47 : i32 to index
        %get3A_49 = arith.constant 16 : index
        %get3A_50 = tpu.vector_load %arg6[%get3A_48, %get3A_49] {strides = array<i32>} : memref<16x128xi32, #tpu.memory_space<vmem>>, vector<1x16xi32>,
        %get3A_51 = vector.shape_cast %get3A_50 : vector<1x16xi32> to vector<16xi32>
        %swap3A_52 = arith.constant 16 : index
        %swap3A_53 = tpu.vector_load %arg7[%swap3A_52] {strides = array<i32>} : memref<128xi32, #tpu.memory_space<vmem>>, vector<16xi32>,
        %swap3A_54 = vector.shape_cast %swap3A_53 : vector<16xi32> to vector<16xi32>
        %swap3A_55 = vector.shape_cast %get3A_51 : vector<16xi32> to vector<16xi32>
        tpu.vector_store %arg7[%swap3A_52], %swap3A_55 {strides = array<i32>} : memref<128xi32, #tpu.memory_space<vmem>>, vector<16xi32>,
        %mul3A_56 = arith.constant 2 : i32
        %mul3A_57 = arith.muli %mul3A_56, %add3A_25 : i32
        %add3A_58 = arith.constant 1 : i32
        %add3A_59 = arith.addi %mul3A_57, %add3A_58 : i32
        %get3A_60 = arith.index_cast %add3A_59 : i32 to index
        %get3A_61 = arith.constant 16 : index
        %get3A_62 = tpu.vector_load %arg6[%get3A_60, %get3A_61] {strides = array<i32>} : memref<16x128xi32, #tpu.memory_space<vmem>>, vector<1x16xi32>,
        %get3A_63 = vector.shape_cast %get3A_62 : vector<1x16xi32> to vector<16xi32>
        %swap3A_64 = arith.constant 16 : index
        %swap3A_65 = tpu.vector_load %arg8[%swap3A_64] {strides = array<i32>} : memref<128xi32, #tpu.memory_space<vmem>>, vector<16xi32>,
        %swap3A_66 = vector.shape_cast %swap3A_65 : vector<16xi32> to vector<16xi32>
        %swap3A_67 = vector.shape_cast %get3A_63 : vector<16xi32> to vector<16xi32>
        tpu.vector_store %arg8[%swap3A_64], %swap3A_67 {strides = array<i32>} : memref<128xi32, #tpu.memory_space<vmem>>, vector<16xi32>,
        %mul3A_68 = arith.constant 2 : i32
        %mul3A_69 = arith.muli %mul3A_68, %add3A_25 : i32
        %get3A_70 = arith.index_cast %mul3A_69 : i32 to index
        %get3A_71 = arith.constant 32 : index
        %get3A_72 = tpu.vector_load %arg6[%get3A_70, %get3A_71] {strides = array<i32>} : memref<16x128xi32, #tpu.memory_space<vmem>>, vector<1x16xi32>,
        %get3A_73 = vector.shape_cast %get3A_72 : vector<1x16xi32> to vector<16xi32>
        %swap3A_74 = arith.constant 32 : index
        %swap3A_75 = tpu.vector_load %arg7[%swap3A_74] {strides = array<i32>} : memref<128xi32, #tpu.memory_space<vmem>>, vector<16xi32>,
        %swap3A_76 = vector.shape_cast %swap3A_75 : vector<16xi32> to vector<16xi32>
        %swap3A_77 = vector.shape_cast %get3A_73 : vector<16xi32> to vector<16xi32>
        tpu.vector_store %arg7[%swap3A_74], %swap3A_77 {strides = array<i32>} : memref<128xi32, #tpu.memory_space<vmem>>, vector<16xi32>,
        %mul3A_78 = arith.constant 2 : i32
        %mul3A_79 = arith.muli %mul3A_78, %add3A_25 : i32
        %add3A_80 = arith.constant 1 : i32
        %add3A_81 = arith.addi %mul3A_79, %add3A_80 : i32
        %get3A_82 = arith.index_cast %add3A_81 : i32 to index
        %get3A_83 = arith.constant 32 : index
        %get3A_84 = tpu.vector_load %arg6[%get3A_82, %get3A_83] {strides = array<i32>} : memref<16x128xi32, #tpu.memory_space<vmem>>, vector<1x16xi32>,
        %get3A_85 = vector.shape_cast %get3A_84 : vector<1x16xi32> to vector<16xi32>
        %swap3A_86 = arith.constant 32 : index
        %swap3A_87 = tpu.vector_load %arg8[%swap3A_86] {strides = array<i32>} : memref<128xi32, #tpu.memory_space<vmem>>, vector<16xi32>,
        %swap3A_88 = vector.shape_cast %swap3A_87 : vector<16xi32> to vector<16xi32>
        %swap3A_89 = vector.shape_cast %get3A_85 : vector<16xi32> to vector<16xi32>
        tpu.vector_store %arg8[%swap3A_86], %swap3A_89 {strides = array<i32>} : memref<128xi32, #tpu.memory_space<vmem>>, vector<16xi32>,
        %mul3A_90 = arith.constant 2 : i32
        %mul3A_91 = arith.muli %mul3A_90, %add3A_25 : i32
        %get3A_92 = arith.index_cast %mul3A_91 : i32 to index
        %get3A_93 = arith.constant 48 : index
        %get3A_94 = tpu.vector_load %arg6[%get3A_92, %get3A_93] {strides = array<i32>} : memref<16x128xi32, #tpu.memory_space<vmem>>, vector<1x16xi32>,
        %get3A_95 = vector.shape_cast %get3A_94 : vector<1x16xi32> to vector<16xi32>
        %swap3A_96 = arith.constant 48 : index
        %swap3A_97 = tpu.vector_load %arg7[%swap3A_96] {strides = array<i32>} : memref<128xi32, #tpu.memory_space<vmem>>, vector<16xi32>,
        %swap3A_98 = vector.shape_cast %swap3A_97 : vector<16xi32> to vector<16xi32>
        %swap3A_99 = vector.shape_cast %get3A_95 : vector<16xi32> to vector<16xi32>
        tpu.vector_store %arg7[%swap3A_96], %swap3A_99 {strides = array<i32>} : memref<128xi32, #tpu.memory_space<vmem>>, vector<16xi32>,
        %mul3A_100 = arith.constant 2 : i32
        %mul3A_101 = arith.muli %mul3A_100, %add3A_25 : i32
        %add3A_102 = arith.constant 1 : i32
        %add3A_103 = arith.addi %mul3A_101, %add3A_102 : i32
        %get3A_104 = arith.index_cast %add3A_103 : i32 to index
        %get3A_105 = arith.constant 48 : index
        %get3A_106 = tpu.vector_load %arg6[%get3A_104, %get3A_105] {strides = array<i32>} : memref<16x128xi32, #tpu.memory_space<vmem>>, vector<1x16xi32>,
        %get3A_107 = vector.shape_cast %get3A_106 : vector<1x16xi32> to vector<16xi32>
        %swap3A_108 = arith.constant 48 : index
        %swap3A_109 = tpu.vector_load %arg8[%swap3A_108] {strides = array<i32>} : memref<128xi32, #tpu.memory_space<vmem>>, vector<16xi32>,
        %swap3A_110 = vector.shape_cast %swap3A_109 : vector<16xi32> to vector<16xi32>
        %swap3A_111 = vector.shape_cast %get3A_107 : vector<16xi32> to vector<16xi32>
        tpu.vector_store %arg8[%swap3A_108], %swap3A_111 {strides = array<i32>} : memref<128xi32, #tpu.memory_space<vmem>>, vector<16xi32>,
        %mul3A_112 = arith.constant 2 : i32
        %mul3A_113 = arith.muli %mul3A_112, %add3A_25 : i32
        %get3A_114 = arith.index_cast %mul3A_113 : i32 to index
        %get3A_115 = arith.constant 64 : index
        %get3A_116 = tpu.vector_load %arg6[%get3A_114, %get3A_115] {strides = array<i32>} : memref<16x128xi32, #tpu.memory_space<vmem>>, vector<1x16xi32>,
        %get3A_117 = vector.shape_cast %get3A_116 : vector<1x16xi32> to vector<16xi32>
        %swap3A_118 = arith.constant 64 : index
        %swap3A_119 = tpu.vector_load %arg7[%swap3A_118] {strides = array<i32>} : memref<128xi32, #tpu.memory_space<vmem>>, vector<16xi32>,
        %swap3A_120 = vector.shape_cast %swap3A_119 : vector<16xi32> to vector<16xi32>
        %swap3A_121 = vector.shape_cast %get3A_117 : vector<16xi32> to vector<16xi32>
        tpu.vector_store %arg7[%swap3A_118], %swap3A_121 {strides = array<i32>} : memref<128xi32, #tpu.memory_space<vmem>>, vector<16xi32>,
        %mul3A_122 = arith.constant 2 : i32
        %mul3A_123 = arith.muli %mul3A_122, %add3A_25 : i32
        %add3A_124 = arith.constant 1 : i32
        %add3A_125 = arith.addi %mul3A_123, %add3A_124 : i32
        %get3A_126 = arith.index_cast %add3A_125 : i32 to index
        %get3A_127 = arith.constant 64 : index
        %get3A_128 = tpu.vector_load %arg6[%get3A_126, %get3A_127] {strides = array<i32>} : memref<16x128xi32, #tpu.memory_space<vmem>>, vector<1x16xi32>,
        %get3A_129 = vector.shape_cast %get3A_128 : vector<1x16xi32> to vector<16xi32>
        %swap3A_130 = arith.constant 64 : index
        %swap3A_131 = tpu.vector_load %arg8[%swap3A_130] {strides = array<i32>} : memref<128xi32, #tpu.memory_space<vmem>>, vector<16xi32>,
        %swap3A_132 = vector.shape_cast %swap3A_131 : vector<16xi32> to vector<16xi32>
        %swap3A_133 = vector.shape_cast %get3A_129 : vector<16xi32> to vector<16xi32>
        tpu.vector_store %arg8[%swap3A_130], %swap3A_133 {strides = array<i32>} : memref<128xi32, #tpu.memory_space<vmem>>, vector<16xi32>,
        %mul3A_134 = arith.constant 2 : i32
        %mul3A_135 = arith.muli %mul3A_134, %add3A_25 : i32
        %get3A_136 = arith.index_cast %mul3A_135 : i32 to index
        %get3A_137 = arith.constant 80 : index
        %get3A_138 = tpu.vector_load %arg6[%get3A_136, %get3A_137] {strides = array<i32>} : memref<16x128xi32, #tpu.memory_space<vmem>>, vector<1x16xi32>,
        %get3A_139 = vector.shape_cast %get3A_138 : vector<1x16xi32> to vector<16xi32>
        %swap3A_140 = arith.constant 80 : index
        %swap3A_141 = tpu.vector_load %arg7[%swap3A_140] {strides = array<i32>} : memref<128xi32, #tpu.memory_space<vmem>>, vector<16xi32>,
        %swap3A_142 = vector.shape_cast %swap3A_141 : vector<16xi32> to vector<16xi32>
        %swap3A_143 = vector.shape_cast %get3A_139 : vector<16xi32> to vector<16xi32>
        tpu.vector_store %arg7[%swap3A_140], %swap3A_143 {strides = array<i32>} : memref<128xi32, #tpu.memory_space<vmem>>, vector<16xi32>,
        %mul3A_144 = arith.constant 2 : i32
        %mul3A_145 = arith.muli %mul3A_144, %add3A_25 : i32
        %add3A_146 = arith.constant 1 : i32
        %add3A_147 = arith.addi %mul3A_145, %add3A_146 : i32
        %get3A_148 = arith.index_cast %add3A_147 : i32 to index
        %get3A_149 = arith.constant 80 : index
        %get3A_150 = tpu.vector_load %arg6[%get3A_148, %get3A_149] {strides = array<i32>} : memref<16x128xi32, #tpu.memory_space<vmem>>, vector<1x16xi32>,
        %get3A_151 = vector.shape_cast %get3A_150 : vector<1x16xi32> to vector<16xi32>
        %swap3A_152 = arith.constant 80 : index
        %swap3A_153 = tpu.vector_load %arg8[%swap3A_152] {strides = array<i32>} : memref<128xi32, #tpu.memory_space<vmem>>, vector<16xi32>,
        %swap3A_154 = vector.shape_cast %swap3A_153 : vector<16xi32> to vector<16xi32>
        %swap3A_155 = vector.shape_cast %get3A_151 : vector<16xi32> to vector<16xi32>
        tpu.vector_store %arg8[%swap3A_152], %swap3A_155 {strides = array<i32>} : memref<128xi32, #tpu.memory_space<vmem>>, vector<16xi32>,
        %mul3A_156 = arith.constant 2 : i32
        %mul3A_157 = arith.muli %mul3A_156, %add3A_25 : i32
        %get3A_158 = arith.index_cast %mul3A_157 : i32 to index
        %get3A_159 = arith.constant 96 : index
        %get3A_160 = tpu.vector_load %arg6[%get3A_158, %get3A_159] {strides = array<i32>} : memref<16x128xi32, #tpu.memory_space<vmem>>, vector<1x16xi32>,
        %get3A_161 = vector.shape_cast %get3A_160 : vector<1x16xi32> to vector<16xi32>
        %swap3A_162 = arith.constant 96 : index
        %swap3A_163 = tpu.vector_load %arg7[%swap3A_162] {strides = array<i32>} : memref<128xi32, #tpu.memory_space<vmem>>, vector<16xi32>,
        %swap3A_164 = vector.shape_cast %swap3A_163 : vector<16xi32> to vector<16xi32>
        %swap3A_165 = vector.shape_cast %get3A_161 : vector<16xi32> to vector<16xi32>
        tpu.vector_store %arg7[%swap3A_162], %swap3A_165 {strides = array<i32>} : memref<128xi32, #tpu.memory_space<vmem>>, vector<16xi32>,
        %mul3A_166 = arith.constant 2 : i32
        %mul3A_167 = arith.muli %mul3A_166, %add3A_25 : i32
        %add3A_168 = arith.constant 1 : i32
        %add3A_169 = arith.addi %mul3A_167, %add3A_168 : i32
        %get3A_170 = arith.index_cast %add3A_169 : i32 to index
        %get3A_171 = arith.constant 96 : index
        %get3A_172 = tpu.vector_load %arg6[%get3A_170, %get3A_171] {strides = array<i32>} : memref<16x128xi32, #tpu.memory_space<vmem>>, vector<1x16xi32>,
        %get3A_173 = vector.shape_cast %get3A_172 : vector<1x16xi32> to vector<16xi32>
        %swap3A_174 = arith.constant 96 : index
        %swap3A_175 = tpu.vector_load %arg8[%swap3A_174] {strides = array<i32>} : memref<128xi32, #tpu.memory_space<vmem>>, vector<16xi32>,
        %swap3A_176 = vector.shape_cast %swap3A_175 : vector<16xi32> to vector<16xi32>
        %swap3A_177 = vector.shape_cast %get3A_173 : vector<16xi32> to vector<16xi32>
        tpu.vector_store %arg8[%swap3A_174], %swap3A_177 {strides = array<i32>} : memref<128xi32, #tpu.memory_space<vmem>>, vector<16xi32>,
        %mul3A_178 = arith.constant 2 : i32
        %mul3A_179 = arith.muli %mul3A_178, %add3A_25 : i32
        %get3A_180 = arith.index_cast %mul3A_179 : i32 to index
        %get3A_181 = arith.constant 112 : index
        %get3A_182 = tpu.vector_load %arg6[%get3A_180, %get3A_181] {strides = array<i32>} : memref<16x128xi32, #tpu.memory_space<vmem>>, vector<1x16xi32>,
        %get3A_183 = vector.shape_cast %get3A_182 : vector<1x16xi32> to vector<16xi32>
        %swap3A_184 = arith.constant 112 : index
        %swap3A_185 = tpu.vector_load %arg7[%swap3A_184] {strides = array<i32>} : memref<128xi32, #tpu.memory_space<vmem>>, vector<16xi32>,
        %swap3A_186 = vector.shape_cast %swap3A_185 : vector<16xi32> to vector<16xi32>
        %swap3A_187 = vector.shape_cast %get3A_183 : vector<16xi32> to vector<16xi32>
        tpu.vector_store %arg7[%swap3A_184], %swap3A_187 {strides = array<i32>} : memref<128xi32, #tpu.memory_space<vmem>>, vector<16xi32>,
        %mul3A_188 = arith.constant 2 : i32
        %mul3A_189 = arith.muli %mul3A_188, %add3A_25 : i32
        %add3A_190 = arith.constant 1 : i32
        %add3A_191 = arith.addi %mul3A_189, %add3A_190 : i32
        %get3A_192 = arith.index_cast %add3A_191 : i32 to index
        %get3A_193 = arith.constant 112 : index
        %get3A_194 = tpu.vector_load %arg6[%get3A_192, %get3A_193] {strides = array<i32>} : memref<16x128xi32, #tpu.memory_space<vmem>>, vector<1x16xi32>,
        %get3A_195 = vector.shape_cast %get3A_194 : vector<1x16xi32> to vector<16xi32>
        %swap3A_196 = arith.constant 112 : index
        %swap3A_197 = tpu.vector_load %arg8[%swap3A_196] {strides = array<i32>} : memref<128xi32, #tpu.memory_space<vmem>>, vector<16xi32>,
        %swap3A_198 = vector.shape_cast %swap3A_197 : vector<16xi32> to vector<16xi32>
        %swap3A_199 = vector.shape_cast %get3A_195 : vector<16xi32> to vector<16xi32>
        tpu.vector_store %arg8[%swap3A_196], %swap3A_199 {strides = array<i32>} : memref<128xi32, #tpu.memory_space<vmem>>, vector<16xi32>,
        %dma_start3A = arith.constant 0 : i32
        %dma_start3A_200 = arith.constant 0 : i32
        %dma_start3A_201 = tpu.memref_slice %arg10[%dma_start3A, %dma_start3A_200] : memref<10008x128xf32, #tpu.memory_space<vmem_shared>> -> memref<10008x128xf32, #tpu.memory_space<vmem_shared>>
        tpu.enqueue_indirect_dma source(%arg9 : memref<128x128xf32, #tpu.memory_space<vmem>>) target(%dma_start3A_201 : memref<10008x128xf32, #tpu.memory_space<vmem_shared>>) offsets(%arg7 : memref<128xi32, #tpu.memory_space<vmem>>) semaphore(%arg11 : memref<!tpu.dma_semaphore, #tpu.memory_space<semaphore_mem>>) {add = true}
        %dma_start3A_202 = arith.constant 0 : i32
        %dma_start3A_203 = arith.constant 0 : i32
        %dma_start3A_204 = tpu.memref_slice %arg10[%dma_start3A_202, %dma_start3A_203] : memref<10008x128xf32, #tpu.memory_space<vmem_shared>> -> memref<10008x128xf32, #tpu.memory_space<vmem_shared>>
        tpu.enqueue_indirect_dma source(%arg9 : memref<128x128xf32, #tpu.memory_space<vmem>>) target(%dma_start3A_204 : memref<10008x128xf32, #tpu.memory_space<vmem_shared>>) offsets(%arg8 : memref<128xi32, #tpu.memory_space<vmem>>) semaphore(%arg12 : memref<!tpu.dma_semaphore, #tpu.memory_space<semaphore_mem>>) {add = true}
        %dma_wait3A = arith.constant 0 : i32
        %dma_wait3A_205 = arith.constant 0 : i32
        %dma_wait3A_206 = tpu.memref_slice %arg10[%dma_wait3A, %dma_wait3A_205] : memref<10008x128xf32, #tpu.memory_space<vmem_shared>> -> memref<10008x128xf32, #tpu.memory_space<vmem_shared>>
        tpu.wait_indirect_dma semaphore(%arg11 : memref<!tpu.dma_semaphore, #tpu.memory_space<semaphore_mem>>) src(%arg9 : memref<128x128xf32, #tpu.memory_space<vmem>>) dst(%dma_wait3A_206 : memref<10008x128xf32, #tpu.memory_space<vmem_shared>>)
        %dma_wait3A_207 = arith.constant 0 : i32
        %dma_wait3A_208 = arith.constant 0 : i32
        %dma_wait3A_209 = tpu.memref_slice %arg10[%dma_wait3A_207, %dma_wait3A_208] : memref<10008x128xf32, #tpu.memory_space<vmem_shared>> -> memref<10008x128xf32, #tpu.memory_space<vmem_shared>>
        tpu.wait_indirect_dma semaphore(%arg12 : memref<!tpu.dma_semaphore, #tpu.memory_space<semaphore_mem>>) src(%arg9 : memref<128x128xf32, #tpu.memory_space<vmem>>) dst(%dma_wait3A_209 : memref<10008x128xf32, #tpu.memory_space<vmem_shared>>)
      }
      %scan3A_20 = arith.constant 8 : i32
    }
    %scan3A_5 = arith.constant 10 : i32
    %barrier3A_6 = arith.constant 0 : index
    tpu.barrier barrier_id(%barrier3A_6)
    %mul3A_7 = arith.constant 10000 : i32
    %mul3A_8 = arith.muli %arg0, %mul3A_7 : i32
    %add3A = arith.addi %mul3A_8, %min3A_1 : i32
    "tpu.region"() ({
      %run_scoped3A = tpu.sem_alloc : memref<!tpu.dma_semaphore, #tpu.memory_space<semaphore_mem>>
      %dma_start3A = arith.constant 0 : i32
      %dma_start3A_9 = tpu.memref_slice %arg5[%add3A, %dma_start3A] : memref<20000x128xf32, #tpu.memory_space<hbm>> -> memref<640x128xf32, #tpu.memory_space<hbm>>
      %dma_start3A_10 = arith.constant 0 : i32
      %dma_start3A_11 = tpu.memref_slice %arg10[%min3A_1, %dma_start3A_10] : memref<10008x128xf32, #tpu.memory_space<vmem_shared>> -> memref<640x128xf32, #tpu.memory_space<vmem_shared>>
      tpu.enqueue_dma source(%dma_start3A_11 : memref<640x128xf32, #tpu.memory_space<vmem_shared>>) target(%dma_start3A_9 : memref<640x128xf32, #tpu.memory_space<hbm>>) target_semaphore(%run_scoped3A : memref<!tpu.dma_semaphore, #tpu.memory_space<semaphore_mem>>)
      %dma_wait3A = arith.constant 0 : i32
      %dma_wait3A_12 = tpu.memref_slice %arg5[%add3A, %dma_wait3A] : memref<20000x128xf32, #tpu.memory_space<hbm>> -> memref<640x128xf32, #tpu.memory_space<hbm>>
      %dma_wait3A_13 = arith.constant 0 : i32
      %dma_wait3A_14 = tpu.memref_slice %arg10[%min3A_1, %dma_wait3A_13] : memref<10008x128xf32, #tpu.memory_space<vmem_shared>> -> memref<640x128xf32, #tpu.memory_space<vmem_shared>>
      tpu.wait_dma2 semaphore(%run_scoped3A : memref<!tpu.dma_semaphore, #tpu.memory_space<semaphore_mem>>) src(%dma_wait3A_14 : memref<640x128xf32, #tpu.memory_space<vmem_shared>>) dst(%dma_wait3A_12 : memref<640x128xf32, #tpu.memory_space<hbm>>)
      tpu.yield
    }) : () -> ()
    return
  }
}

#map = affine_map<(d0, d1) -> (0, 0)>
#map1 = affine_map<(d0, d1) -> (0, 0, 0, 0)>
module attributes {stable_mosaic.version = 14 : i64} {
  func.func @_sc_body(%arg0: i32, %arg1: i32, %arg2: memref<20000x128xf32, #tpu.memory_space<hbm>>, %arg3: memref<2x16x160x128xi32, #tpu.memory_space<hbm>>, %arg4: memref<2x16x160x128xi32, #tpu.memory_space<hbm>>, %arg5: memref<10000x128xf32, #tpu.memory_space<hbm>>, %arg6: memref<20000x128xf32, #tpu.memory_space<hbm>>, %arg7: memref<16x128xi32, #tpu.memory_space<vmem>>, %arg8: memref<16x128xi32, #tpu.memory_space<vmem>>, %arg9: memref<128xi32, #tpu.memory_space<vmem>>, %arg10: memref<128xi32, #tpu.memory_space<vmem>>, %arg11: memref<128x128xf32, #tpu.memory_space<vmem>>, %arg12: memref<128x128xf32, #tpu.memory_space<vmem>>, %arg13: memref<10008x128xf32, #tpu.memory_space<vmem_shared>>, %arg14: memref<!tpu.dma_semaphore, #tpu.memory_space<semaphore_mem>>, %arg15: memref<!tpu.dma_semaphore, #tpu.memory_space<semaphore_mem>>, %arg16: memref<!tpu.dma_semaphore, #tpu.memory_space<semaphore_mem>>, %arg17: memref<!tpu.dma_semaphore, #tpu.memory_space<semaphore_mem>>) attributes {dimension_semantics = [#tpu.dimension_semantics<core_parallel>, #tpu.dimension_semantics<subcore_parallel>], iteration_bounds = array<i64: 2, 16>, scalar_prefetch = 0 : i64, scratch_operands = 11 : i64, tpu.core_type = #tpu.core_type<sc_vector_subcore>, window_params = [{transform_indices = #map}, {transform_indices = #map1}, {transform_indices = #map1}, {transform_indices = #map}, {transform_indices = #map}]} {
    %mul3A = arith.constant 640 : i32
    %mul3A_0 = arith.muli %arg1, %mul3A : i32
    %min3A = arith.constant 9360 : i32
    %min3A_1 = arith.minsi %mul3A_0, %min3A : i32
    "tpu.region"() ({
      %run_scoped3A = tpu.sem_alloc : memref<!tpu.dma_semaphore, #tpu.memory_space<semaphore_mem>>
      %dma_start3A = arith.constant 0 : i32
      %dma_start3A_9 = tpu.memref_slice %arg13[%min3A_1, %dma_start3A] : memref<10008x128xf32, #tpu.memory_space<vmem_shared>> -> memref<640x128xf32, #tpu.memory_space<vmem_shared>>
      %dma_start3A_10 = arith.constant 0 : i32
      %dma_start3A_11 = tpu.memref_slice %arg5[%min3A_1, %dma_start3A_10] : memref<10000x128xf32, #tpu.memory_space<hbm>> -> memref<640x128xf32, #tpu.memory_space<hbm>>
      tpu.enqueue_dma source(%dma_start3A_11 : memref<640x128xf32, #tpu.memory_space<hbm>>) target(%dma_start3A_9 : memref<640x128xf32, #tpu.memory_space<vmem_shared>>) target_semaphore(%run_scoped3A : memref<!tpu.dma_semaphore, #tpu.memory_space<semaphore_mem>>)
      %dma_wait3A = arith.constant 0 : i32
      %dma_wait3A_12 = tpu.memref_slice %arg13[%min3A_1, %dma_wait3A] : memref<10008x128xf32, #tpu.memory_space<vmem_shared>> -> memref<640x128xf32, #tpu.memory_space<vmem_shared>>
      %dma_wait3A_13 = arith.constant 0 : i32
      %dma_wait3A_14 = tpu.memref_slice %arg5[%min3A_1, %dma_wait3A_13] : memref<10000x128xf32, #tpu.memory_space<hbm>> -> memref<640x128xf32, #tpu.memory_space<hbm>>
      tpu.wait_dma2 semaphore(%run_scoped3A : memref<!tpu.dma_semaphore, #tpu.memory_space<semaphore_mem>>) src(%dma_wait3A_14 : memref<640x128xf32, #tpu.memory_space<hbm>>) dst(%dma_wait3A_12 : memref<640x128xf32, #tpu.memory_space<vmem_shared>>)
      tpu.yield
    }) : () -> ()
    %barrier3A = arith.constant 0 : index
    tpu.barrier barrier_id(%barrier3A)
    %scan3A = arith.constant 0 : i32
    %scan3A_2 = arith.constant 10 : i32
    %scan3A_3 = arith.addi %scan3A, %scan3A_2 : i32
    %scan3A_4 = arith.constant 1 : i32
    scf.for %scan3A_9 = %scan3A to %scan3A_3 step %scan3A_4  : i32 {
      %mul3A_10 = arith.constant 1 : i32
      %mul3A_11 = arith.muli %scan3A_9, %mul3A_10 : i32
      %add3A_12 = arith.constant 0 : i32
      %add3A_13 = arith.addi %add3A_12, %mul3A_11 : i32
      %mul3A_14 = arith.constant 16 : i32
      %mul3A_15 = arith.muli %add3A_13, %mul3A_14 : i32
      "tpu.region"() ({
        %run_scoped3A = tpu.sem_alloc : memref<!tpu.dma_semaphore, #tpu.memory_space<semaphore_mem>>
        %dma_start3A = arith.constant 0 : i32
        %dma_start3A_23 = tpu.memref_slice %arg3[%arg0, %arg1, %mul3A_15, %dma_start3A] : memref<2x16x160x128xi32, #tpu.memory_space<hbm>> -> memref<1x1x16x128xi32, #tpu.memory_space<hbm>>
        %dma_start3A_24 = tpu.memref_squeeze %dma_start3A_23 : memref<1x1x16x128xi32, #tpu.memory_space<hbm>> -> memref<16x128xi32, #tpu.memory_space<hbm>>
        %dma_start3A_25 = arith.constant 0 : i32
        %dma_start3A_26 = tpu.memref_slice %arg3[%arg0, %arg1, %mul3A_15, %dma_start3A_25] : memref<2x16x160x128xi32, #tpu.memory_space<hbm>> -> memref<1x1x16x128xi32, #tpu.memory_space<hbm>>
        %dma_start3A_27 = tpu.memref_squeeze %dma_start3A_26 : memref<1x1x16x128xi32, #tpu.memory_space<hbm>> -> memref<16x128xi32, #tpu.memory_space<hbm>>
        tpu.enqueue_dma source(%dma_start3A_27 : memref<16x128xi32, #tpu.memory_space<hbm>>) target(%arg7 : memref<16x128xi32, #tpu.memory_space<vmem>>) target_semaphore(%run_scoped3A : memref<!tpu.dma_semaphore, #tpu.memory_space<semaphore_mem>>)
        %dma_wait3A = arith.constant 0 : i32
        %dma_wait3A_28 = tpu.memref_slice %arg3[%arg0, %arg1, %mul3A_15, %dma_wait3A] : memref<2x16x160x128xi32, #tpu.memory_space<hbm>> -> memref<1x1x16x128xi32, #tpu.memory_space<hbm>>
        %dma_wait3A_29 = tpu.memref_squeeze %dma_wait3A_28 : memref<1x1x16x128xi32, #tpu.memory_space<hbm>> -> memref<16x128xi32, #tpu.memory_space<hbm>>
        %dma_wait3A_30 = arith.constant 0 : i32
        %dma_wait3A_31 = tpu.memref_slice %arg3[%arg0, %arg1, %mul3A_15, %dma_wait3A_30] : memref<2x16x160x128xi32, #tpu.memory_space<hbm>> -> memref<1x1x16x128xi32, #tpu.memory_space<hbm>>
        %dma_wait3A_32 = tpu.memref_squeeze %dma_wait3A_31 : memref<1x1x16x128xi32, #tpu.memory_space<hbm>> -> memref<16x128xi32, #tpu.memory_space<hbm>>
        tpu.wait_dma2 semaphore(%run_scoped3A : memref<!tpu.dma_semaphore, #tpu.memory_space<semaphore_mem>>) src(%dma_wait3A_32 : memref<16x128xi32, #tpu.memory_space<hbm>>) dst(%arg7 : memref<16x128xi32, #tpu.memory_space<vmem>>)
        tpu.yield
      }) : () -> ()
      %mul3A_16 = arith.constant 16 : i32
      %mul3A_17 = arith.muli %add3A_13, %mul3A_16 : i32
      "tpu.region"() ({
        %run_scoped3A = tpu.sem_alloc : memref<!tpu.dma_semaphore, #tpu.memory_space<semaphore_mem>>
        %dma_start3A = arith.constant 0 : i32
        %dma_start3A_23 = tpu.memref_slice %arg4[%arg0, %arg1, %mul3A_17, %dma_start3A] : memref<2x16x160x128xi32, #tpu.memory_space<hbm>> -> memref<1x1x16x128xi32, #tpu.memory_space<hbm>>
        %dma_start3A_24 = tpu.memref_squeeze %dma_start3A_23 : memref<1x1x16x128xi32, #tpu.memory_space<hbm>> -> memref<16x128xi32, #tpu.memory_space<hbm>>
        %dma_start3A_25 = arith.constant 0 : i32
        %dma_start3A_26 = tpu.memref_slice %arg4[%arg0, %arg1, %mul3A_17, %dma_start3A_25] : memref<2x16x160x128xi32, #tpu.memory_space<hbm>> -> memref<1x1x16x128xi32, #tpu.memory_space<hbm>>
        %dma_start3A_27 = tpu.memref_squeeze %dma_start3A_26 : memref<1x1x16x128xi32, #tpu.memory_space<hbm>> -> memref<16x128xi32, #tpu.memory_space<hbm>>
        tpu.enqueue_dma source(%dma_start3A_27 : memref<16x128xi32, #tpu.memory_space<hbm>>) target(%arg8 : memref<16x128xi32, #tpu.memory_space<vmem>>) target_semaphore(%run_scoped3A : memref<!tpu.dma_semaphore, #tpu.memory_space<semaphore_mem>>)
        %dma_wait3A = arith.constant 0 : i32
        %dma_wait3A_28 = tpu.memref_slice %arg4[%arg0, %arg1, %mul3A_17, %dma_wait3A] : memref<2x16x160x128xi32, #tpu.memory_space<hbm>> -> memref<1x1x16x128xi32, #tpu.memory_space<hbm>>
        %dma_wait3A_29 = tpu.memref_squeeze %dma_wait3A_28 : memref<1x1x16x128xi32, #tpu.memory_space<hbm>> -> memref<16x128xi32, #tpu.memory_space<hbm>>
        %dma_wait3A_30 = arith.constant 0 : i32
        %dma_wait3A_31 = tpu.memref_slice %arg4[%arg0, %arg1, %mul3A_17, %dma_wait3A_30] : memref<2x16x160x128xi32, #tpu.memory_space<hbm>> -> memref<1x1x16x128xi32, #tpu.memory_space<hbm>>
        %dma_wait3A_32 = tpu.memref_squeeze %dma_wait3A_31 : memref<1x1x16x128xi32, #tpu.memory_space<hbm>> -> memref<16x128xi32, #tpu.memory_space<hbm>>
        tpu.wait_dma2 semaphore(%run_scoped3A : memref<!tpu.dma_semaphore, #tpu.memory_space<semaphore_mem>>) src(%dma_wait3A_32 : memref<16x128xi32, #tpu.memory_space<hbm>>) dst(%arg8 : memref<16x128xi32, #tpu.memory_space<vmem>>)
        tpu.yield
      }) : () -> ()
      %scan3A_18 = arith.constant 0 : i32
      %scan3A_19 = arith.constant 8 : i32
      %scan3A_20 = arith.addi %scan3A_18, %scan3A_19 : i32
      %scan3A_21 = arith.constant 1 : i32
      scf.for %scan3A_23 = %scan3A_18 to %scan3A_20 step %scan3A_21  : i32 {
        %mul3A_24 = arith.constant 1 : i32
        %mul3A_25 = arith.muli %scan3A_23, %mul3A_24 : i32
        %add3A_26 = arith.constant 0 : i32
        %add3A_27 = arith.addi %add3A_26, %mul3A_25 : i32
        %mul3A_28 = arith.constant 2 : i32
        %mul3A_29 = arith.muli %mul3A_28, %add3A_27 : i32
        %add3A_30 = arith.constant 0 : i32
        %add3A_31 = arith.addi %mul3A_29, %add3A_30 : i32
        %get3A = arith.index_cast %add3A_31 : i32 to index
        %get3A_32 = arith.constant 0 : index
        %get3A_33 = tpu.vector_load %arg8[%get3A, %get3A_32] {strides = array<i32>} : memref<16x128xi32, #tpu.memory_space<vmem>>, vector<1x16xi32>,
        %get3A_34 = vector.shape_cast %get3A_33 : vector<1x16xi32> to vector<16xi32>
        %swap3A = arith.constant 0 : index
        %swap3A_35 = tpu.vector_load %arg9[%swap3A] {strides = array<i32>} : memref<128xi32, #tpu.memory_space<vmem>>, vector<16xi32>,
        %swap3A_36 = vector.shape_cast %swap3A_35 : vector<16xi32> to vector<16xi32>
        %swap3A_37 = vector.shape_cast %get3A_34 : vector<16xi32> to vector<16xi32>
        tpu.vector_store %arg9[%swap3A], %swap3A_37 {strides = array<i32>} : memref<128xi32, #tpu.memory_space<vmem>>, vector<16xi32>,
        %mul3A_38 = arith.constant 2 : i32
        %mul3A_39 = arith.muli %mul3A_38, %add3A_27 : i32
        %add3A_40 = arith.constant 0 : i32
        %add3A_41 = arith.addi %mul3A_39, %add3A_40 : i32
        %get3A_42 = arith.index_cast %add3A_41 : i32 to index
        %get3A_43 = arith.constant 16 : index
        %get3A_44 = tpu.vector_load %arg8[%get3A_42, %get3A_43] {strides = array<i32>} : memref<16x128xi32, #tpu.memory_space<vmem>>, vector<1x16xi32>,
        %get3A_45 = vector.shape_cast %get3A_44 : vector<1x16xi32> to vector<16xi32>
        %swap3A_46 = arith.constant 16 : index
        %swap3A_47 = tpu.vector_load %arg9[%swap3A_46] {strides = array<i32>} : memref<128xi32, #tpu.memory_space<vmem>>, vector<16xi32>,
        %swap3A_48 = vector.shape_cast %swap3A_47 : vector<16xi32> to vector<16xi32>
        %swap3A_49 = vector.shape_cast %get3A_45 : vector<16xi32> to vector<16xi32>
        tpu.vector_store %arg9[%swap3A_46], %swap3A_49 {strides = array<i32>} : memref<128xi32, #tpu.memory_space<vmem>>, vector<16xi32>,
        %mul3A_50 = arith.constant 2 : i32
        %mul3A_51 = arith.muli %mul3A_50, %add3A_27 : i32
        %add3A_52 = arith.constant 0 : i32
        %add3A_53 = arith.addi %mul3A_51, %add3A_52 : i32
        %get3A_54 = arith.index_cast %add3A_53 : i32 to index
        %get3A_55 = arith.constant 32 : index
        %get3A_56 = tpu.vector_load %arg8[%get3A_54, %get3A_55] {strides = array<i32>} : memref<16x128xi32, #tpu.memory_space<vmem>>, vector<1x16xi32>,
        %get3A_57 = vector.shape_cast %get3A_56 : vector<1x16xi32> to vector<16xi32>
        %swap3A_58 = arith.constant 32 : index
        %swap3A_59 = tpu.vector_load %arg9[%swap3A_58] {strides = array<i32>} : memref<128xi32, #tpu.memory_space<vmem>>, vector<16xi32>,
        %swap3A_60 = vector.shape_cast %swap3A_59 : vector<16xi32> to vector<16xi32>
        %swap3A_61 = vector.shape_cast %get3A_57 : vector<16xi32> to vector<16xi32>
        tpu.vector_store %arg9[%swap3A_58], %swap3A_61 {strides = array<i32>} : memref<128xi32, #tpu.memory_space<vmem>>, vector<16xi32>,
        %mul3A_62 = arith.constant 2 : i32
        %mul3A_63 = arith.muli %mul3A_62, %add3A_27 : i32
        %add3A_64 = arith.constant 0 : i32
        %add3A_65 = arith.addi %mul3A_63, %add3A_64 : i32
        %get3A_66 = arith.index_cast %add3A_65 : i32 to index
        %get3A_67 = arith.constant 48 : index
        %get3A_68 = tpu.vector_load %arg8[%get3A_66, %get3A_67] {strides = array<i32>} : memref<16x128xi32, #tpu.memory_space<vmem>>, vector<1x16xi32>,
        %get3A_69 = vector.shape_cast %get3A_68 : vector<1x16xi32> to vector<16xi32>
        %swap3A_70 = arith.constant 48 : index
        %swap3A_71 = tpu.vector_load %arg9[%swap3A_70] {strides = array<i32>} : memref<128xi32, #tpu.memory_space<vmem>>, vector<16xi32>,
        %swap3A_72 = vector.shape_cast %swap3A_71 : vector<16xi32> to vector<16xi32>
        %swap3A_73 = vector.shape_cast %get3A_69 : vector<16xi32> to vector<16xi32>
        tpu.vector_store %arg9[%swap3A_70], %swap3A_73 {strides = array<i32>} : memref<128xi32, #tpu.memory_space<vmem>>, vector<16xi32>,
        %mul3A_74 = arith.constant 2 : i32
        %mul3A_75 = arith.muli %mul3A_74, %add3A_27 : i32
        %add3A_76 = arith.constant 0 : i32
        %add3A_77 = arith.addi %mul3A_75, %add3A_76 : i32
        %get3A_78 = arith.index_cast %add3A_77 : i32 to index
        %get3A_79 = arith.constant 64 : index
        %get3A_80 = tpu.vector_load %arg8[%get3A_78, %get3A_79] {strides = array<i32>} : memref<16x128xi32, #tpu.memory_space<vmem>>, vector<1x16xi32>,
        %get3A_81 = vector.shape_cast %get3A_80 : vector<1x16xi32> to vector<16xi32>
        %swap3A_82 = arith.constant 64 : index
        %swap3A_83 = tpu.vector_load %arg9[%swap3A_82] {strides = array<i32>} : memref<128xi32, #tpu.memory_space<vmem>>, vector<16xi32>,
        %swap3A_84 = vector.shape_cast %swap3A_83 : vector<16xi32> to vector<16xi32>
        %swap3A_85 = vector.shape_cast %get3A_81 : vector<16xi32> to vector<16xi32>
        tpu.vector_store %arg9[%swap3A_82], %swap3A_85 {strides = array<i32>} : memref<128xi32, #tpu.memory_space<vmem>>, vector<16xi32>,
        %mul3A_86 = arith.constant 2 : i32
        %mul3A_87 = arith.muli %mul3A_86, %add3A_27 : i32
        %add3A_88 = arith.constant 0 : i32
        %add3A_89 = arith.addi %mul3A_87, %add3A_88 : i32
        %get3A_90 = arith.index_cast %add3A_89 : i32 to index
        %get3A_91 = arith.constant 80 : index
        %get3A_92 = tpu.vector_load %arg8[%get3A_90, %get3A_91] {strides = array<i32>} : memref<16x128xi32, #tpu.memory_space<vmem>>, vector<1x16xi32>,
        %get3A_93 = vector.shape_cast %get3A_92 : vector<1x16xi32> to vector<16xi32>
        %swap3A_94 = arith.constant 80 : index
        %swap3A_95 = tpu.vector_load %arg9[%swap3A_94] {strides = array<i32>} : memref<128xi32, #tpu.memory_space<vmem>>, vector<16xi32>,
        %swap3A_96 = vector.shape_cast %swap3A_95 : vector<16xi32> to vector<16xi32>
        %swap3A_97 = vector.shape_cast %get3A_93 : vector<16xi32> to vector<16xi32>
        tpu.vector_store %arg9[%swap3A_94], %swap3A_97 {strides = array<i32>} : memref<128xi32, #tpu.memory_space<vmem>>, vector<16xi32>,
        %mul3A_98 = arith.constant 2 : i32
        %mul3A_99 = arith.muli %mul3A_98, %add3A_27 : i32
        %add3A_100 = arith.constant 0 : i32
        %add3A_101 = arith.addi %mul3A_99, %add3A_100 : i32
        %get3A_102 = arith.index_cast %add3A_101 : i32 to index
        %get3A_103 = arith.constant 96 : index
        %get3A_104 = tpu.vector_load %arg8[%get3A_102, %get3A_103] {strides = array<i32>} : memref<16x128xi32, #tpu.memory_space<vmem>>, vector<1x16xi32>,
        %get3A_105 = vector.shape_cast %get3A_104 : vector<1x16xi32> to vector<16xi32>
        %swap3A_106 = arith.constant 96 : index
        %swap3A_107 = tpu.vector_load %arg9[%swap3A_106] {strides = array<i32>} : memref<128xi32, #tpu.memory_space<vmem>>, vector<16xi32>,
        %swap3A_108 = vector.shape_cast %swap3A_107 : vector<16xi32> to vector<16xi32>
        %swap3A_109 = vector.shape_cast %get3A_105 : vector<16xi32> to vector<16xi32>
        tpu.vector_store %arg9[%swap3A_106], %swap3A_109 {strides = array<i32>} : memref<128xi32, #tpu.memory_space<vmem>>, vector<16xi32>,
        %mul3A_110 = arith.constant 2 : i32
        %mul3A_111 = arith.muli %mul3A_110, %add3A_27 : i32
        %add3A_112 = arith.constant 0 : i32
        %add3A_113 = arith.addi %mul3A_111, %add3A_112 : i32
        %get3A_114 = arith.index_cast %add3A_113 : i32 to index
        %get3A_115 = arith.constant 112 : index
        %get3A_116 = tpu.vector_load %arg8[%get3A_114, %get3A_115] {strides = array<i32>} : memref<16x128xi32, #tpu.memory_space<vmem>>, vector<1x16xi32>,
        %get3A_117 = vector.shape_cast %get3A_116 : vector<1x16xi32> to vector<16xi32>
        %swap3A_118 = arith.constant 112 : index
        %swap3A_119 = tpu.vector_load %arg9[%swap3A_118] {strides = array<i32>} : memref<128xi32, #tpu.memory_space<vmem>>, vector<16xi32>,
        %swap3A_120 = vector.shape_cast %swap3A_119 : vector<16xi32> to vector<16xi32>
        %swap3A_121 = vector.shape_cast %get3A_117 : vector<16xi32> to vector<16xi32>
        tpu.vector_store %arg9[%swap3A_118], %swap3A_121 {strides = array<i32>} : memref<128xi32, #tpu.memory_space<vmem>>, vector<16xi32>,
        %mul3A_122 = arith.constant 2 : i32
        %mul3A_123 = arith.muli %mul3A_122, %add3A_27 : i32
        %add3A_124 = arith.constant 1 : i32
        %add3A_125 = arith.addi %mul3A_123, %add3A_124 : i32
        %get3A_126 = arith.index_cast %add3A_125 : i32 to index
        %get3A_127 = arith.constant 0 : index
        %get3A_128 = tpu.vector_load %arg8[%get3A_126, %get3A_127] {strides = array<i32>} : memref<16x128xi32, #tpu.memory_space<vmem>>, vector<1x16xi32>,
        %get3A_129 = vector.shape_cast %get3A_128 : vector<1x16xi32> to vector<16xi32>
        %swap3A_130 = arith.constant 0 : index
        %swap3A_131 = tpu.vector_load %arg10[%swap3A_130] {strides = array<i32>} : memref<128xi32, #tpu.memory_space<vmem>>, vector<16xi32>,
        %swap3A_132 = vector.shape_cast %swap3A_131 : vector<16xi32> to vector<16xi32>
        %swap3A_133 = vector.shape_cast %get3A_129 : vector<16xi32> to vector<16xi32>
        tpu.vector_store %arg10[%swap3A_130], %swap3A_133 {strides = array<i32>} : memref<128xi32, #tpu.memory_space<vmem>>, vector<16xi32>,
        %mul3A_134 = arith.constant 2 : i32
        %mul3A_135 = arith.muli %mul3A_134, %add3A_27 : i32
        %add3A_136 = arith.constant 1 : i32
        %add3A_137 = arith.addi %mul3A_135, %add3A_136 : i32
        %get3A_138 = arith.index_cast %add3A_137 : i32 to index
        %get3A_139 = arith.constant 16 : index
        %get3A_140 = tpu.vector_load %arg8[%get3A_138, %get3A_139] {strides = array<i32>} : memref<16x128xi32, #tpu.memory_space<vmem>>, vector<1x16xi32>,
        %get3A_141 = vector.shape_cast %get3A_140 : vector<1x16xi32> to vector<16xi32>
        %swap3A_142 = arith.constant 16 : index
        %swap3A_143 = tpu.vector_load %arg10[%swap3A_142] {strides = array<i32>} : memref<128xi32, #tpu.memory_space<vmem>>, vector<16xi32>,
        %swap3A_144 = vector.shape_cast %swap3A_143 : vector<16xi32> to vector<16xi32>
        %swap3A_145 = vector.shape_cast %get3A_141 : vector<16xi32> to vector<16xi32>
        tpu.vector_store %arg10[%swap3A_142], %swap3A_145 {strides = array<i32>} : memref<128xi32, #tpu.memory_space<vmem>>, vector<16xi32>,
        %mul3A_146 = arith.constant 2 : i32
        %mul3A_147 = arith.muli %mul3A_146, %add3A_27 : i32
        %add3A_148 = arith.constant 1 : i32
        %add3A_149 = arith.addi %mul3A_147, %add3A_148 : i32
        %get3A_150 = arith.index_cast %add3A_149 : i32 to index
        %get3A_151 = arith.constant 32 : index
        %get3A_152 = tpu.vector_load %arg8[%get3A_150, %get3A_151] {strides = array<i32>} : memref<16x128xi32, #tpu.memory_space<vmem>>, vector<1x16xi32>,
        %get3A_153 = vector.shape_cast %get3A_152 : vector<1x16xi32> to vector<16xi32>
        %swap3A_154 = arith.constant 32 : index
        %swap3A_155 = tpu.vector_load %arg10[%swap3A_154] {strides = array<i32>} : memref<128xi32, #tpu.memory_space<vmem>>, vector<16xi32>,
        %swap3A_156 = vector.shape_cast %swap3A_155 : vector<16xi32> to vector<16xi32>
        %swap3A_157 = vector.shape_cast %get3A_153 : vector<16xi32> to vector<16xi32>
        tpu.vector_store %arg10[%swap3A_154], %swap3A_157 {strides = array<i32>} : memref<128xi32, #tpu.memory_space<vmem>>, vector<16xi32>,
        %mul3A_158 = arith.constant 2 : i32
        %mul3A_159 = arith.muli %mul3A_158, %add3A_27 : i32
        %add3A_160 = arith.constant 1 : i32
        %add3A_161 = arith.addi %mul3A_159, %add3A_160 : i32
        %get3A_162 = arith.index_cast %add3A_161 : i32 to index
        %get3A_163 = arith.constant 48 : index
        %get3A_164 = tpu.vector_load %arg8[%get3A_162, %get3A_163] {strides = array<i32>} : memref<16x128xi32, #tpu.memory_space<vmem>>, vector<1x16xi32>,
        %get3A_165 = vector.shape_cast %get3A_164 : vector<1x16xi32> to vector<16xi32>
        %swap3A_166 = arith.constant 48 : index
        %swap3A_167 = tpu.vector_load %arg10[%swap3A_166] {strides = array<i32>} : memref<128xi32, #tpu.memory_space<vmem>>, vector<16xi32>,
        %swap3A_168 = vector.shape_cast %swap3A_167 : vector<16xi32> to vector<16xi32>
        %swap3A_169 = vector.shape_cast %get3A_165 : vector<16xi32> to vector<16xi32>
        tpu.vector_store %arg10[%swap3A_166], %swap3A_169 {strides = array<i32>} : memref<128xi32, #tpu.memory_space<vmem>>, vector<16xi32>,
        %mul3A_170 = arith.constant 2 : i32
        %mul3A_171 = arith.muli %mul3A_170, %add3A_27 : i32
        %add3A_172 = arith.constant 1 : i32
        %add3A_173 = arith.addi %mul3A_171, %add3A_172 : i32
        %get3A_174 = arith.index_cast %add3A_173 : i32 to index
        %get3A_175 = arith.constant 64 : index
        %get3A_176 = tpu.vector_load %arg8[%get3A_174, %get3A_175] {strides = array<i32>} : memref<16x128xi32, #tpu.memory_space<vmem>>, vector<1x16xi32>,
        %get3A_177 = vector.shape_cast %get3A_176 : vector<1x16xi32> to vector<16xi32>
        %swap3A_178 = arith.constant 64 : index
        %swap3A_179 = tpu.vector_load %arg10[%swap3A_178] {strides = array<i32>} : memref<128xi32, #tpu.memory_space<vmem>>, vector<16xi32>,
        %swap3A_180 = vector.shape_cast %swap3A_179 : vector<16xi32> to vector<16xi32>
        %swap3A_181 = vector.shape_cast %get3A_177 : vector<16xi32> to vector<16xi32>
        tpu.vector_store %arg10[%swap3A_178], %swap3A_181 {strides = array<i32>} : memref<128xi32, #tpu.memory_space<vmem>>, vector<16xi32>,
        %mul3A_182 = arith.constant 2 : i32
        %mul3A_183 = arith.muli %mul3A_182, %add3A_27 : i32
        %add3A_184 = arith.constant 1 : i32
        %add3A_185 = arith.addi %mul3A_183, %add3A_184 : i32
        %get3A_186 = arith.index_cast %add3A_185 : i32 to index
        %get3A_187 = arith.constant 80 : index
        %get3A_188 = tpu.vector_load %arg8[%get3A_186, %get3A_187] {strides = array<i32>} : memref<16x128xi32, #tpu.memory_space<vmem>>, vector<1x16xi32>,
        %get3A_189 = vector.shape_cast %get3A_188 : vector<1x16xi32> to vector<16xi32>
        %swap3A_190 = arith.constant 80 : index
        %swap3A_191 = tpu.vector_load %arg10[%swap3A_190] {strides = array<i32>} : memref<128xi32, #tpu.memory_space<vmem>>, vector<16xi32>,
        %swap3A_192 = vector.shape_cast %swap3A_191 : vector<16xi32> to vector<16xi32>
        %swap3A_193 = vector.shape_cast %get3A_189 : vector<16xi32> to vector<16xi32>
        tpu.vector_store %arg10[%swap3A_190], %swap3A_193 {strides = array<i32>} : memref<128xi32, #tpu.memory_space<vmem>>, vector<16xi32>,
        %mul3A_194 = arith.constant 2 : i32
        %mul3A_195 = arith.muli %mul3A_194, %add3A_27 : i32
        %add3A_196 = arith.constant 1 : i32
        %add3A_197 = arith.addi %mul3A_195, %add3A_196 : i32
        %get3A_198 = arith.index_cast %add3A_197 : i32 to index
        %get3A_199 = arith.constant 96 : index
        %get3A_200 = tpu.vector_load %arg8[%get3A_198, %get3A_199] {strides = array<i32>} : memref<16x128xi32, #tpu.memory_space<vmem>>, vector<1x16xi32>,
        %get3A_201 = vector.shape_cast %get3A_200 : vector<1x16xi32> to vector<16xi32>
        %swap3A_202 = arith.constant 96 : index
        %swap3A_203 = tpu.vector_load %arg10[%swap3A_202] {strides = array<i32>} : memref<128xi32, #tpu.memory_space<vmem>>, vector<16xi32>,
        %swap3A_204 = vector.shape_cast %swap3A_203 : vector<16xi32> to vector<16xi32>
        %swap3A_205 = vector.shape_cast %get3A_201 : vector<16xi32> to vector<16xi32>
        tpu.vector_store %arg10[%swap3A_202], %swap3A_205 {strides = array<i32>} : memref<128xi32, #tpu.memory_space<vmem>>, vector<16xi32>,
        %mul3A_206 = arith.constant 2 : i32
        %mul3A_207 = arith.muli %mul3A_206, %add3A_27 : i32
        %add3A_208 = arith.constant 1 : i32
        %add3A_209 = arith.addi %mul3A_207, %add3A_208 : i32
        %get3A_210 = arith.index_cast %add3A_209 : i32 to index
        %get3A_211 = arith.constant 112 : index
        %get3A_212 = tpu.vector_load %arg8[%get3A_210, %get3A_211] {strides = array<i32>} : memref<16x128xi32, #tpu.memory_space<vmem>>, vector<1x16xi32>,
        %get3A_213 = vector.shape_cast %get3A_212 : vector<1x16xi32> to vector<16xi32>
        %swap3A_214 = arith.constant 112 : index
        %swap3A_215 = tpu.vector_load %arg10[%swap3A_214] {strides = array<i32>} : memref<128xi32, #tpu.memory_space<vmem>>, vector<16xi32>,
        %swap3A_216 = vector.shape_cast %swap3A_215 : vector<16xi32> to vector<16xi32>
        %swap3A_217 = vector.shape_cast %get3A_213 : vector<16xi32> to vector<16xi32>
        tpu.vector_store %arg10[%swap3A_214], %swap3A_217 {strides = array<i32>} : memref<128xi32, #tpu.memory_space<vmem>>, vector<16xi32>,
        %mul3A_218 = arith.constant 2 : i32
        %mul3A_219 = arith.muli %mul3A_218, %add3A_27 : i32
        %add3A_220 = arith.constant 0 : i32
        %add3A_221 = arith.addi %mul3A_219, %add3A_220 : i32
        %dma_start3A = arith.constant 0 : i32
        %dma_start3A_222 = tpu.memref_slice %arg7[%add3A_221, %dma_start3A] : memref<16x128xi32, #tpu.memory_space<vmem>> -> memref<1x128xi32, #tpu.memory_space<vmem>>
        %dma_start3A_223 = tpu.memref_squeeze %dma_start3A_222 : memref<1x128xi32, #tpu.memory_space<vmem>> -> memref<128xi32, #tpu.memory_space<vmem>>
        %dma_start3A_224 = arith.constant 0 : i32
        %dma_start3A_225 = arith.constant 0 : i32
        %dma_start3A_226 = tpu.memref_slice %arg2[%dma_start3A_224, %dma_start3A_225] : memref<20000x128xf32, #tpu.memory_space<hbm>> -> memref<20000x128xf32, #tpu.memory_space<hbm>>
        tpu.enqueue_indirect_dma source(%dma_start3A_226 : memref<20000x128xf32, #tpu.memory_space<hbm>>) target(%arg11 : memref<128x128xf32, #tpu.memory_space<vmem>>) offsets(%dma_start3A_223 : memref<128xi32, #tpu.memory_space<vmem>>) semaphore(%arg14 : memref<!tpu.dma_semaphore, #tpu.memory_space<semaphore_mem>>)
        %mul3A_227 = arith.constant 2 : i32
        %mul3A_228 = arith.muli %mul3A_227, %add3A_27 : i32
        %add3A_229 = arith.constant 1 : i32
        %add3A_230 = arith.addi %mul3A_228, %add3A_229 : i32
        %dma_start3A_231 = arith.constant 0 : i32
        %dma_start3A_232 = tpu.memref_slice %arg7[%add3A_230, %dma_start3A_231] : memref<16x128xi32, #tpu.memory_space<vmem>> -> memref<1x128xi32, #tpu.memory_space<vmem>>
        %dma_start3A_233 = tpu.memref_squeeze %dma_start3A_232 : memref<1x128xi32, #tpu.memory_space<vmem>> -> memref<128xi32, #tpu.memory_space<vmem>>
        %dma_start3A_234 = arith.constant 0 : i32
        %dma_start3A_235 = arith.constant 0 : i32
        %dma_start3A_236 = tpu.memref_slice %arg2[%dma_start3A_234, %dma_start3A_235] : memref<20000x128xf32, #tpu.memory_space<hbm>> -> memref<20000x128xf32, #tpu.memory_space<hbm>>
        tpu.enqueue_indirect_dma source(%dma_start3A_236 : memref<20000x128xf32, #tpu.memory_space<hbm>>) target(%arg12 : memref<128x128xf32, #tpu.memory_space<vmem>>) offsets(%dma_start3A_233 : memref<128xi32, #tpu.memory_space<vmem>>) semaphore(%arg15 : memref<!tpu.dma_semaphore, #tpu.memory_space<semaphore_mem>>)
        %dma_wait3A = arith.constant 0 : i32
        %dma_wait3A_237 = tpu.memref_slice %arg7[%add3A_221, %dma_wait3A] : memref<16x128xi32, #tpu.memory_space<vmem>> -> memref<1x128xi32, #tpu.memory_space<vmem>>
        %dma_wait3A_238 = tpu.memref_squeeze %dma_wait3A_237 : memref<1x128xi32, #tpu.memory_space<vmem>> -> memref<128xi32, #tpu.memory_space<vmem>>
        %dma_wait3A_239 = arith.constant 0 : i32
        %dma_wait3A_240 = arith.constant 0 : i32
        %dma_wait3A_241 = tpu.memref_slice %arg2[%dma_wait3A_239, %dma_wait3A_240] : memref<20000x128xf32, #tpu.memory_space<hbm>> -> memref<20000x128xf32, #tpu.memory_space<hbm>>
        tpu.wait_indirect_dma semaphore(%arg14 : memref<!tpu.dma_semaphore, #tpu.memory_space<semaphore_mem>>) src(%dma_wait3A_241 : memref<20000x128xf32, #tpu.memory_space<hbm>>) dst(%arg11 : memref<128x128xf32, #tpu.memory_space<vmem>>)
        %dma_start3A_242 = arith.constant 0 : i32
        %dma_start3A_243 = arith.constant 0 : i32
        %dma_start3A_244 = tpu.memref_slice %arg13[%dma_start3A_242, %dma_start3A_243] : memref<10008x128xf32, #tpu.memory_space<vmem_shared>> -> memref<10008x128xf32, #tpu.memory_space<vmem_shared>>
        tpu.enqueue_indirect_dma source(%arg11 : memref<128x128xf32, #tpu.memory_space<vmem>>) target(%dma_start3A_244 : memref<10008x128xf32, #tpu.memory_space<vmem_shared>>) offsets(%arg9 : memref<128xi32, #tpu.memory_space<vmem>>) semaphore(%arg16 : memref<!tpu.dma_semaphore, #tpu.memory_space<semaphore_mem>>) {add = true}
        %dma_wait3A_245 = arith.constant 0 : i32
        %dma_wait3A_246 = tpu.memref_slice %arg7[%add3A_230, %dma_wait3A_245] : memref<16x128xi32, #tpu.memory_space<vmem>> -> memref<1x128xi32, #tpu.memory_space<vmem>>
        %dma_wait3A_247 = tpu.memref_squeeze %dma_wait3A_246 : memref<1x128xi32, #tpu.memory_space<vmem>> -> memref<128xi32, #tpu.memory_space<vmem>>
        %dma_wait3A_248 = arith.constant 0 : i32
        %dma_wait3A_249 = arith.constant 0 : i32
        %dma_wait3A_250 = tpu.memref_slice %arg2[%dma_wait3A_248, %dma_wait3A_249] : memref<20000x128xf32, #tpu.memory_space<hbm>> -> memref<20000x128xf32, #tpu.memory_space<hbm>>
        tpu.wait_indirect_dma semaphore(%arg15 : memref<!tpu.dma_semaphore, #tpu.memory_space<semaphore_mem>>) src(%dma_wait3A_250 : memref<20000x128xf32, #tpu.memory_space<hbm>>) dst(%arg12 : memref<128x128xf32, #tpu.memory_space<vmem>>)
        %dma_start3A_251 = arith.constant 0 : i32
        %dma_start3A_252 = arith.constant 0 : i32
        %dma_start3A_253 = tpu.memref_slice %arg13[%dma_start3A_251, %dma_start3A_252] : memref<10008x128xf32, #tpu.memory_space<vmem_shared>> -> memref<10008x128xf32, #tpu.memory_space<vmem_shared>>
        tpu.enqueue_indirect_dma source(%arg12 : memref<128x128xf32, #tpu.memory_space<vmem>>) target(%dma_start3A_253 : memref<10008x128xf32, #tpu.memory_space<vmem_shared>>) offsets(%arg10 : memref<128xi32, #tpu.memory_space<vmem>>) semaphore(%arg17 : memref<!tpu.dma_semaphore, #tpu.memory_space<semaphore_mem>>) {add = true}
        %dma_wait3A_254 = arith.constant 0 : i32
        %dma_wait3A_255 = arith.constant 0 : i32
        %dma_wait3A_256 = tpu.memref_slice %arg13[%dma_wait3A_254, %dma_wait3A_255] : memref<10008x128xf32, #tpu.memory_space<vmem_shared>> -> memref<10008x128xf32, #tpu.memory_space<vmem_shared>>
        tpu.wait_indirect_dma semaphore(%arg16 : memref<!tpu.dma_semaphore, #tpu.memory_space<semaphore_mem>>) src(%arg11 : memref<128x128xf32, #tpu.memory_space<vmem>>) dst(%dma_wait3A_256 : memref<10008x128xf32, #tpu.memory_space<vmem_shared>>)
        %dma_wait3A_257 = arith.constant 0 : i32
        %dma_wait3A_258 = arith.constant 0 : i32
        %dma_wait3A_259 = tpu.memref_slice %arg13[%dma_wait3A_257, %dma_wait3A_258] : memref<10008x128xf32, #tpu.memory_space<vmem_shared>> -> memref<10008x128xf32, #tpu.memory_space<vmem_shared>>
        tpu.wait_indirect_dma semaphore(%arg17 : memref<!tpu.dma_semaphore, #tpu.memory_space<semaphore_mem>>) src(%arg12 : memref<128x128xf32, #tpu.memory_space<vmem>>) dst(%dma_wait3A_259 : memref<10008x128xf32, #tpu.memory_space<vmem_shared>>)
      }
      %scan3A_22 = arith.constant 8 : i32
    }
    %scan3A_5 = arith.constant 10 : i32
    %barrier3A_6 = arith.constant 0 : index
    tpu.barrier barrier_id(%barrier3A_6)
    %mul3A_7 = arith.constant 10000 : i32
    %mul3A_8 = arith.muli %arg0, %mul3A_7 : i32
    %add3A = arith.addi %mul3A_8, %min3A_1 : i32
    "tpu.region"() ({
      %run_scoped3A = tpu.sem_alloc : memref<!tpu.dma_semaphore, #tpu.memory_space<semaphore_mem>>
      %dma_start3A = arith.constant 0 : i32
      %dma_start3A_9 = tpu.memref_slice %arg6[%add3A, %dma_start3A] : memref<20000x128xf32, #tpu.memory_space<hbm>> -> memref<640x128xf32, #tpu.memory_space<hbm>>
      %dma_start3A_10 = arith.constant 0 : i32
      %dma_start3A_11 = tpu.memref_slice %arg13[%min3A_1, %dma_start3A_10] : memref<10008x128xf32, #tpu.memory_space<vmem_shared>> -> memref<640x128xf32, #tpu.memory_space<vmem_shared>>
      tpu.enqueue_dma source(%dma_start3A_11 : memref<640x128xf32, #tpu.memory_space<vmem_shared>>) target(%dma_start3A_9 : memref<640x128xf32, #tpu.memory_space<hbm>>) target_semaphore(%run_scoped3A : memref<!tpu.dma_semaphore, #tpu.memory_space<semaphore_mem>>)
      %dma_wait3A = arith.constant 0 : i32
      %dma_wait3A_12 = tpu.memref_slice %arg6[%add3A, %dma_wait3A] : memref<20000x128xf32, #tpu.memory_space<hbm>> -> memref<640x128xf32, #tpu.memory_space<hbm>>
      %dma_wait3A_13 = arith.constant 0 : i32
      %dma_wait3A_14 = tpu.memref_slice %arg13[%min3A_1, %dma_wait3A_13] : memref<10008x128xf32, #tpu.memory_space<vmem_shared>> -> memref<640x128xf32, #tpu.memory_space<vmem_shared>>
      tpu.wait_dma2 semaphore(%run_scoped3A : memref<!tpu.dma_semaphore, #tpu.memory_space<semaphore_mem>>) src(%dma_wait3A_14 : memref<640x128xf32, #tpu.memory_space<vmem_shared>>) dst(%dma_wait3A_12 : memref<640x128xf32, #tpu.memory_space<hbm>>)
      tpu.yield
    }) : () -> ()
    return
  }
}

#map = affine_map<(d0, d1) -> (0, 0)>
#map1 = affine_map<(d0, d1) -> (0, 0, 0, 0)>
module attributes {stable_mosaic.version = 14 : i64} {
  func.func @_sc_body(%arg0: i32, %arg1: i32, %arg2: memref<20000x128xf32, #tpu.memory_space<hbm>>, %arg3: memref<2x16x160x128xi32, #tpu.memory_space<hbm>>, %arg4: memref<2x16x160x128xi32, #tpu.memory_space<hbm>>, %arg5: memref<10000x128xf32, #tpu.memory_space<hbm>>, %arg6: memref<20000x128xf32, #tpu.memory_space<hbm>>, %arg7: memref<16x128xi32, #tpu.memory_space<vmem>>, %arg8: memref<16x128xi32, #tpu.memory_space<vmem>>, %arg9: memref<128xi32, #tpu.memory_space<vmem>>, %arg10: memref<128xi32, #tpu.memory_space<vmem>>, %arg11: memref<128x128xf32, #tpu.memory_space<vmem>>, %arg12: memref<128x128xf32, #tpu.memory_space<vmem>>, %arg13: memref<10008x128xf32, #tpu.memory_space<vmem_shared>>, %arg14: memref<!tpu.dma_semaphore, #tpu.memory_space<semaphore_mem>>, %arg15: memref<!tpu.dma_semaphore, #tpu.memory_space<semaphore_mem>>, %arg16: memref<!tpu.dma_semaphore, #tpu.memory_space<semaphore_mem>>, %arg17: memref<!tpu.dma_semaphore, #tpu.memory_space<semaphore_mem>>) attributes {dimension_semantics = [#tpu.dimension_semantics<core_parallel>, #tpu.dimension_semantics<subcore_parallel>], iteration_bounds = array<i64: 2, 16>, scalar_prefetch = 0 : i64, scratch_operands = 11 : i64, tpu.core_type = #tpu.core_type<sc_vector_subcore>, window_params = [{transform_indices = #map}, {transform_indices = #map1}, {transform_indices = #map1}, {transform_indices = #map}, {transform_indices = #map}]} {
    %mul3A = arith.constant 640 : i32
    %mul3A_0 = arith.muli %arg1, %mul3A : i32
    %min3A = arith.constant 9360 : i32
    %min3A_1 = arith.minsi %mul3A_0, %min3A : i32
    "tpu.region"() ({
      %run_scoped3A = tpu.sem_alloc : memref<!tpu.dma_semaphore, #tpu.memory_space<semaphore_mem>>
      %dma_start3A = arith.constant 0 : i32
      %dma_start3A_9 = tpu.memref_slice %arg13[%min3A_1, %dma_start3A] : memref<10008x128xf32, #tpu.memory_space<vmem_shared>> -> memref<640x128xf32, #tpu.memory_space<vmem_shared>>
      %dma_start3A_10 = arith.constant 0 : i32
      %dma_start3A_11 = tpu.memref_slice %arg5[%min3A_1, %dma_start3A_10] : memref<10000x128xf32, #tpu.memory_space<hbm>> -> memref<640x128xf32, #tpu.memory_space<hbm>>
      tpu.enqueue_dma source(%dma_start3A_11 : memref<640x128xf32, #tpu.memory_space<hbm>>) target(%dma_start3A_9 : memref<640x128xf32, #tpu.memory_space<vmem_shared>>) target_semaphore(%run_scoped3A : memref<!tpu.dma_semaphore, #tpu.memory_space<semaphore_mem>>)
      %dma_wait3A = arith.constant 0 : i32
      %dma_wait3A_12 = tpu.memref_slice %arg13[%min3A_1, %dma_wait3A] : memref<10008x128xf32, #tpu.memory_space<vmem_shared>> -> memref<640x128xf32, #tpu.memory_space<vmem_shared>>
      %dma_wait3A_13 = arith.constant 0 : i32
      %dma_wait3A_14 = tpu.memref_slice %arg5[%min3A_1, %dma_wait3A_13] : memref<10000x128xf32, #tpu.memory_space<hbm>> -> memref<640x128xf32, #tpu.memory_space<hbm>>
      tpu.wait_dma2 semaphore(%run_scoped3A : memref<!tpu.dma_semaphore, #tpu.memory_space<semaphore_mem>>) src(%dma_wait3A_14 : memref<640x128xf32, #tpu.memory_space<hbm>>) dst(%dma_wait3A_12 : memref<640x128xf32, #tpu.memory_space<vmem_shared>>)
      tpu.yield
    }) : () -> ()
    %barrier3A = arith.constant 0 : index
    tpu.barrier barrier_id(%barrier3A)
    %scan3A = arith.constant 0 : i32
    %scan3A_2 = arith.constant 10 : i32
    %scan3A_3 = arith.addi %scan3A, %scan3A_2 : i32
    %scan3A_4 = arith.constant 1 : i32
    scf.for %scan3A_9 = %scan3A to %scan3A_3 step %scan3A_4  : i32 {
      %mul3A_10 = arith.constant 1 : i32
      %mul3A_11 = arith.muli %scan3A_9, %mul3A_10 : i32
      %add3A_12 = arith.constant 0 : i32
      %add3A_13 = arith.addi %add3A_12, %mul3A_11 : i32
      %mul3A_14 = arith.constant 16 : i32
      %mul3A_15 = arith.muli %add3A_13, %mul3A_14 : i32
      "tpu.region"() ({
        %run_scoped3A = tpu.sem_alloc : memref<!tpu.dma_semaphore, #tpu.memory_space<semaphore_mem>>
        %dma_start3A = arith.constant 0 : i32
        %dma_start3A_23 = tpu.memref_slice %arg3[%arg0, %arg1, %mul3A_15, %dma_start3A] : memref<2x16x160x128xi32, #tpu.memory_space<hbm>> -> memref<1x1x16x128xi32, #tpu.memory_space<hbm>>
        %dma_start3A_24 = tpu.memref_squeeze %dma_start3A_23 : memref<1x1x16x128xi32, #tpu.memory_space<hbm>> -> memref<16x128xi32, #tpu.memory_space<hbm>>
        %dma_start3A_25 = arith.constant 0 : i32
        %dma_start3A_26 = tpu.memref_slice %arg3[%arg0, %arg1, %mul3A_15, %dma_start3A_25] : memref<2x16x160x128xi32, #tpu.memory_space<hbm>> -> memref<1x1x16x128xi32, #tpu.memory_space<hbm>>
        %dma_start3A_27 = tpu.memref_squeeze %dma_start3A_26 : memref<1x1x16x128xi32, #tpu.memory_space<hbm>> -> memref<16x128xi32, #tpu.memory_space<hbm>>
        tpu.enqueue_dma source(%dma_start3A_27 : memref<16x128xi32, #tpu.memory_space<hbm>>) target(%arg7 : memref<16x128xi32, #tpu.memory_space<vmem>>) target_semaphore(%run_scoped3A : memref<!tpu.dma_semaphore, #tpu.memory_space<semaphore_mem>>)
        %dma_wait3A = arith.constant 0 : i32
        %dma_wait3A_28 = tpu.memref_slice %arg3[%arg0, %arg1, %mul3A_15, %dma_wait3A] : memref<2x16x160x128xi32, #tpu.memory_space<hbm>> -> memref<1x1x16x128xi32, #tpu.memory_space<hbm>>
        %dma_wait3A_29 = tpu.memref_squeeze %dma_wait3A_28 : memref<1x1x16x128xi32, #tpu.memory_space<hbm>> -> memref<16x128xi32, #tpu.memory_space<hbm>>
        %dma_wait3A_30 = arith.constant 0 : i32
        %dma_wait3A_31 = tpu.memref_slice %arg3[%arg0, %arg1, %mul3A_15, %dma_wait3A_30] : memref<2x16x160x128xi32, #tpu.memory_space<hbm>> -> memref<1x1x16x128xi32, #tpu.memory_space<hbm>>
        %dma_wait3A_32 = tpu.memref_squeeze %dma_wait3A_31 : memref<1x1x16x128xi32, #tpu.memory_space<hbm>> -> memref<16x128xi32, #tpu.memory_space<hbm>>
        tpu.wait_dma2 semaphore(%run_scoped3A : memref<!tpu.dma_semaphore, #tpu.memory_space<semaphore_mem>>) src(%dma_wait3A_32 : memref<16x128xi32, #tpu.memory_space<hbm>>) dst(%arg7 : memref<16x128xi32, #tpu.memory_space<vmem>>)
        tpu.yield
      }) : () -> ()
      %mul3A_16 = arith.constant 16 : i32
      %mul3A_17 = arith.muli %add3A_13, %mul3A_16 : i32
      "tpu.region"() ({
        %run_scoped3A = tpu.sem_alloc : memref<!tpu.dma_semaphore, #tpu.memory_space<semaphore_mem>>
        %dma_start3A = arith.constant 0 : i32
        %dma_start3A_23 = tpu.memref_slice %arg4[%arg0, %arg1, %mul3A_17, %dma_start3A] : memref<2x16x160x128xi32, #tpu.memory_space<hbm>> -> memref<1x1x16x128xi32, #tpu.memory_space<hbm>>
        %dma_start3A_24 = tpu.memref_squeeze %dma_start3A_23 : memref<1x1x16x128xi32, #tpu.memory_space<hbm>> -> memref<16x128xi32, #tpu.memory_space<hbm>>
        %dma_start3A_25 = arith.constant 0 : i32
        %dma_start3A_26 = tpu.memref_slice %arg4[%arg0, %arg1, %mul3A_17, %dma_start3A_25] : memref<2x16x160x128xi32, #tpu.memory_space<hbm>> -> memref<1x1x16x128xi32, #tpu.memory_space<hbm>>
        %dma_start3A_27 = tpu.memref_squeeze %dma_start3A_26 : memref<1x1x16x128xi32, #tpu.memory_space<hbm>> -> memref<16x128xi32, #tpu.memory_space<hbm>>
        tpu.enqueue_dma source(%dma_start3A_27 : memref<16x128xi32, #tpu.memory_space<hbm>>) target(%arg8 : memref<16x128xi32, #tpu.memory_space<vmem>>) target_semaphore(%run_scoped3A : memref<!tpu.dma_semaphore, #tpu.memory_space<semaphore_mem>>)
        %dma_wait3A = arith.constant 0 : i32
        %dma_wait3A_28 = tpu.memref_slice %arg4[%arg0, %arg1, %mul3A_17, %dma_wait3A] : memref<2x16x160x128xi32, #tpu.memory_space<hbm>> -> memref<1x1x16x128xi32, #tpu.memory_space<hbm>>
        %dma_wait3A_29 = tpu.memref_squeeze %dma_wait3A_28 : memref<1x1x16x128xi32, #tpu.memory_space<hbm>> -> memref<16x128xi32, #tpu.memory_space<hbm>>
        %dma_wait3A_30 = arith.constant 0 : i32
        %dma_wait3A_31 = tpu.memref_slice %arg4[%arg0, %arg1, %mul3A_17, %dma_wait3A_30] : memref<2x16x160x128xi32, #tpu.memory_space<hbm>> -> memref<1x1x16x128xi32, #tpu.memory_space<hbm>>
        %dma_wait3A_32 = tpu.memref_squeeze %dma_wait3A_31 : memref<1x1x16x128xi32, #tpu.memory_space<hbm>> -> memref<16x128xi32, #tpu.memory_space<hbm>>
        tpu.wait_dma2 semaphore(%run_scoped3A : memref<!tpu.dma_semaphore, #tpu.memory_space<semaphore_mem>>) src(%dma_wait3A_32 : memref<16x128xi32, #tpu.memory_space<hbm>>) dst(%arg8 : memref<16x128xi32, #tpu.memory_space<vmem>>)
        tpu.yield
      }) : () -> ()
      %scan3A_18 = arith.constant 0 : i32
      %scan3A_19 = arith.constant 8 : i32
      %scan3A_20 = arith.addi %scan3A_18, %scan3A_19 : i32
      %scan3A_21 = arith.constant 1 : i32
      scf.for %scan3A_23 = %scan3A_18 to %scan3A_20 step %scan3A_21  : i32 {
        %mul3A_24 = arith.constant 1 : i32
        %mul3A_25 = arith.muli %scan3A_23, %mul3A_24 : i32
        %add3A_26 = arith.constant 0 : i32
        %add3A_27 = arith.addi %add3A_26, %mul3A_25 : i32
        %mul3A_28 = arith.constant 2 : i32
        %mul3A_29 = arith.muli %mul3A_28, %add3A_27 : i32
        %add3A_30 = arith.constant 0 : i32
        %add3A_31 = arith.addi %mul3A_29, %add3A_30 : i32
        %get3A = arith.index_cast %add3A_31 : i32 to index
        %get3A_32 = arith.constant 0 : index
        %get3A_33 = tpu.vector_load %arg8[%get3A, %get3A_32] {strides = array<i32>} : memref<16x128xi32, #tpu.memory_space<vmem>>, vector<1x16xi32>,
        %get3A_34 = vector.shape_cast %get3A_33 : vector<1x16xi32> to vector<16xi32>
        %swap3A = arith.constant 0 : index
        %swap3A_35 = tpu.vector_load %arg9[%swap3A] {strides = array<i32>} : memref<128xi32, #tpu.memory_space<vmem>>, vector<16xi32>,
        %swap3A_36 = vector.shape_cast %swap3A_35 : vector<16xi32> to vector<16xi32>
        %swap3A_37 = vector.shape_cast %get3A_34 : vector<16xi32> to vector<16xi32>
        tpu.vector_store %arg9[%swap3A], %swap3A_37 {strides = array<i32>} : memref<128xi32, #tpu.memory_space<vmem>>, vector<16xi32>,
        %mul3A_38 = arith.constant 2 : i32
        %mul3A_39 = arith.muli %mul3A_38, %add3A_27 : i32
        %add3A_40 = arith.constant 0 : i32
        %add3A_41 = arith.addi %mul3A_39, %add3A_40 : i32
        %get3A_42 = arith.index_cast %add3A_41 : i32 to index
        %get3A_43 = arith.constant 16 : index
        %get3A_44 = tpu.vector_load %arg8[%get3A_42, %get3A_43] {strides = array<i32>} : memref<16x128xi32, #tpu.memory_space<vmem>>, vector<1x16xi32>,
        %get3A_45 = vector.shape_cast %get3A_44 : vector<1x16xi32> to vector<16xi32>
        %swap3A_46 = arith.constant 16 : index
        %swap3A_47 = tpu.vector_load %arg9[%swap3A_46] {strides = array<i32>} : memref<128xi32, #tpu.memory_space<vmem>>, vector<16xi32>,
        %swap3A_48 = vector.shape_cast %swap3A_47 : vector<16xi32> to vector<16xi32>
        %swap3A_49 = vector.shape_cast %get3A_45 : vector<16xi32> to vector<16xi32>
        tpu.vector_store %arg9[%swap3A_46], %swap3A_49 {strides = array<i32>} : memref<128xi32, #tpu.memory_space<vmem>>, vector<16xi32>,
        %mul3A_50 = arith.constant 2 : i32
        %mul3A_51 = arith.muli %mul3A_50, %add3A_27 : i32
        %add3A_52 = arith.constant 0 : i32
        %add3A_53 = arith.addi %mul3A_51, %add3A_52 : i32
        %get3A_54 = arith.index_cast %add3A_53 : i32 to index
        %get3A_55 = arith.constant 32 : index
        %get3A_56 = tpu.vector_load %arg8[%get3A_54, %get3A_55] {strides = array<i32>} : memref<16x128xi32, #tpu.memory_space<vmem>>, vector<1x16xi32>,
        %get3A_57 = vector.shape_cast %get3A_56 : vector<1x16xi32> to vector<16xi32>
        %swap3A_58 = arith.constant 32 : index
        %swap3A_59 = tpu.vector_load %arg9[%swap3A_58] {strides = array<i32>} : memref<128xi32, #tpu.memory_space<vmem>>, vector<16xi32>,
        %swap3A_60 = vector.shape_cast %swap3A_59 : vector<16xi32> to vector<16xi32>
        %swap3A_61 = vector.shape_cast %get3A_57 : vector<16xi32> to vector<16xi32>
        tpu.vector_store %arg9[%swap3A_58], %swap3A_61 {strides = array<i32>} : memref<128xi32, #tpu.memory_space<vmem>>, vector<16xi32>,
        %mul3A_62 = arith.constant 2 : i32
        %mul3A_63 = arith.muli %mul3A_62, %add3A_27 : i32
        %add3A_64 = arith.constant 0 : i32
        %add3A_65 = arith.addi %mul3A_63, %add3A_64 : i32
        %get3A_66 = arith.index_cast %add3A_65 : i32 to index
        %get3A_67 = arith.constant 48 : index
        %get3A_68 = tpu.vector_load %arg8[%get3A_66, %get3A_67] {strides = array<i32>} : memref<16x128xi32, #tpu.memory_space<vmem>>, vector<1x16xi32>,
        %get3A_69 = vector.shape_cast %get3A_68 : vector<1x16xi32> to vector<16xi32>
        %swap3A_70 = arith.constant 48 : index
        %swap3A_71 = tpu.vector_load %arg9[%swap3A_70] {strides = array<i32>} : memref<128xi32, #tpu.memory_space<vmem>>, vector<16xi32>,
        %swap3A_72 = vector.shape_cast %swap3A_71 : vector<16xi32> to vector<16xi32>
        %swap3A_73 = vector.shape_cast %get3A_69 : vector<16xi32> to vector<16xi32>
        tpu.vector_store %arg9[%swap3A_70], %swap3A_73 {strides = array<i32>} : memref<128xi32, #tpu.memory_space<vmem>>, vector<16xi32>,
        %mul3A_74 = arith.constant 2 : i32
        %mul3A_75 = arith.muli %mul3A_74, %add3A_27 : i32
        %add3A_76 = arith.constant 0 : i32
        %add3A_77 = arith.addi %mul3A_75, %add3A_76 : i32
        %get3A_78 = arith.index_cast %add3A_77 : i32 to index
        %get3A_79 = arith.constant 64 : index
        %get3A_80 = tpu.vector_load %arg8[%get3A_78, %get3A_79] {strides = array<i32>} : memref<16x128xi32, #tpu.memory_space<vmem>>, vector<1x16xi32>,
        %get3A_81 = vector.shape_cast %get3A_80 : vector<1x16xi32> to vector<16xi32>
        %swap3A_82 = arith.constant 64 : index
        %swap3A_83 = tpu.vector_load %arg9[%swap3A_82] {strides = array<i32>} : memref<128xi32, #tpu.memory_space<vmem>>, vector<16xi32>,
        %swap3A_84 = vector.shape_cast %swap3A_83 : vector<16xi32> to vector<16xi32>
        %swap3A_85 = vector.shape_cast %get3A_81 : vector<16xi32> to vector<16xi32>
        tpu.vector_store %arg9[%swap3A_82], %swap3A_85 {strides = array<i32>} : memref<128xi32, #tpu.memory_space<vmem>>, vector<16xi32>,
        %mul3A_86 = arith.constant 2 : i32
        %mul3A_87 = arith.muli %mul3A_86, %add3A_27 : i32
        %add3A_88 = arith.constant 0 : i32
        %add3A_89 = arith.addi %mul3A_87, %add3A_88 : i32
        %get3A_90 = arith.index_cast %add3A_89 : i32 to index
        %get3A_91 = arith.constant 80 : index
        %get3A_92 = tpu.vector_load %arg8[%get3A_90, %get3A_91] {strides = array<i32>} : memref<16x128xi32, #tpu.memory_space<vmem>>, vector<1x16xi32>,
        %get3A_93 = vector.shape_cast %get3A_92 : vector<1x16xi32> to vector<16xi32>
        %swap3A_94 = arith.constant 80 : index
        %swap3A_95 = tpu.vector_load %arg9[%swap3A_94] {strides = array<i32>} : memref<128xi32, #tpu.memory_space<vmem>>, vector<16xi32>,
        %swap3A_96 = vector.shape_cast %swap3A_95 : vector<16xi32> to vector<16xi32>
        %swap3A_97 = vector.shape_cast %get3A_93 : vector<16xi32> to vector<16xi32>
        tpu.vector_store %arg9[%swap3A_94], %swap3A_97 {strides = array<i32>} : memref<128xi32, #tpu.memory_space<vmem>>, vector<16xi32>,
        %mul3A_98 = arith.constant 2 : i32
        %mul3A_99 = arith.muli %mul3A_98, %add3A_27 : i32
        %add3A_100 = arith.constant 0 : i32
        %add3A_101 = arith.addi %mul3A_99, %add3A_100 : i32
        %get3A_102 = arith.index_cast %add3A_101 : i32 to index
        %get3A_103 = arith.constant 96 : index
        %get3A_104 = tpu.vector_load %arg8[%get3A_102, %get3A_103] {strides = array<i32>} : memref<16x128xi32, #tpu.memory_space<vmem>>, vector<1x16xi32>,
        %get3A_105 = vector.shape_cast %get3A_104 : vector<1x16xi32> to vector<16xi32>
        %swap3A_106 = arith.constant 96 : index
        %swap3A_107 = tpu.vector_load %arg9[%swap3A_106] {strides = array<i32>} : memref<128xi32, #tpu.memory_space<vmem>>, vector<16xi32>,
        %swap3A_108 = vector.shape_cast %swap3A_107 : vector<16xi32> to vector<16xi32>
        %swap3A_109 = vector.shape_cast %get3A_105 : vector<16xi32> to vector<16xi32>
        tpu.vector_store %arg9[%swap3A_106], %swap3A_109 {strides = array<i32>} : memref<128xi32, #tpu.memory_space<vmem>>, vector<16xi32>,
        %mul3A_110 = arith.constant 2 : i32
        %mul3A_111 = arith.muli %mul3A_110, %add3A_27 : i32
        %add3A_112 = arith.constant 0 : i32
        %add3A_113 = arith.addi %mul3A_111, %add3A_112 : i32
        %get3A_114 = arith.index_cast %add3A_113 : i32 to index
        %get3A_115 = arith.constant 112 : index
        %get3A_116 = tpu.vector_load %arg8[%get3A_114, %get3A_115] {strides = array<i32>} : memref<16x128xi32, #tpu.memory_space<vmem>>, vector<1x16xi32>,
        %get3A_117 = vector.shape_cast %get3A_116 : vector<1x16xi32> to vector<16xi32>
        %swap3A_118 = arith.constant 112 : index
        %swap3A_119 = tpu.vector_load %arg9[%swap3A_118] {strides = array<i32>} : memref<128xi32, #tpu.memory_space<vmem>>, vector<16xi32>,
        %swap3A_120 = vector.shape_cast %swap3A_119 : vector<16xi32> to vector<16xi32>
        %swap3A_121 = vector.shape_cast %get3A_117 : vector<16xi32> to vector<16xi32>
        tpu.vector_store %arg9[%swap3A_118], %swap3A_121 {strides = array<i32>} : memref<128xi32, #tpu.memory_space<vmem>>, vector<16xi32>,
        %mul3A_122 = arith.constant 2 : i32
        %mul3A_123 = arith.muli %mul3A_122, %add3A_27 : i32
        %add3A_124 = arith.constant 1 : i32
        %add3A_125 = arith.addi %mul3A_123, %add3A_124 : i32
        %get3A_126 = arith.index_cast %add3A_125 : i32 to index
        %get3A_127 = arith.constant 0 : index
        %get3A_128 = tpu.vector_load %arg8[%get3A_126, %get3A_127] {strides = array<i32>} : memref<16x128xi32, #tpu.memory_space<vmem>>, vector<1x16xi32>,
        %get3A_129 = vector.shape_cast %get3A_128 : vector<1x16xi32> to vector<16xi32>
        %swap3A_130 = arith.constant 0 : index
        %swap3A_131 = tpu.vector_load %arg10[%swap3A_130] {strides = array<i32>} : memref<128xi32, #tpu.memory_space<vmem>>, vector<16xi32>,
        %swap3A_132 = vector.shape_cast %swap3A_131 : vector<16xi32> to vector<16xi32>
        %swap3A_133 = vector.shape_cast %get3A_129 : vector<16xi32> to vector<16xi32>
        tpu.vector_store %arg10[%swap3A_130], %swap3A_133 {strides = array<i32>} : memref<128xi32, #tpu.memory_space<vmem>>, vector<16xi32>,
        %mul3A_134 = arith.constant 2 : i32
        %mul3A_135 = arith.muli %mul3A_134, %add3A_27 : i32
        %add3A_136 = arith.constant 1 : i32
        %add3A_137 = arith.addi %mul3A_135, %add3A_136 : i32
        %get3A_138 = arith.index_cast %add3A_137 : i32 to index
        %get3A_139 = arith.constant 16 : index
        %get3A_140 = tpu.vector_load %arg8[%get3A_138, %get3A_139] {strides = array<i32>} : memref<16x128xi32, #tpu.memory_space<vmem>>, vector<1x16xi32>,
        %get3A_141 = vector.shape_cast %get3A_140 : vector<1x16xi32> to vector<16xi32>
        %swap3A_142 = arith.constant 16 : index
        %swap3A_143 = tpu.vector_load %arg10[%swap3A_142] {strides = array<i32>} : memref<128xi32, #tpu.memory_space<vmem>>, vector<16xi32>,
        %swap3A_144 = vector.shape_cast %swap3A_143 : vector<16xi32> to vector<16xi32>
        %swap3A_145 = vector.shape_cast %get3A_141 : vector<16xi32> to vector<16xi32>
        tpu.vector_store %arg10[%swap3A_142], %swap3A_145 {strides = array<i32>} : memref<128xi32, #tpu.memory_space<vmem>>, vector<16xi32>,
        %mul3A_146 = arith.constant 2 : i32
        %mul3A_147 = arith.muli %mul3A_146, %add3A_27 : i32
        %add3A_148 = arith.constant 1 : i32
        %add3A_149 = arith.addi %mul3A_147, %add3A_148 : i32
        %get3A_150 = arith.index_cast %add3A_149 : i32 to index
        %get3A_151 = arith.constant 32 : index
        %get3A_152 = tpu.vector_load %arg8[%get3A_150, %get3A_151] {strides = array<i32>} : memref<16x128xi32, #tpu.memory_space<vmem>>, vector<1x16xi32>,
        %get3A_153 = vector.shape_cast %get3A_152 : vector<1x16xi32> to vector<16xi32>
        %swap3A_154 = arith.constant 32 : index
        %swap3A_155 = tpu.vector_load %arg10[%swap3A_154] {strides = array<i32>} : memref<128xi32, #tpu.memory_space<vmem>>, vector<16xi32>,
        %swap3A_156 = vector.shape_cast %swap3A_155 : vector<16xi32> to vector<16xi32>
        %swap3A_157 = vector.shape_cast %get3A_153 : vector<16xi32> to vector<16xi32>
        tpu.vector_store %arg10[%swap3A_154], %swap3A_157 {strides = array<i32>} : memref<128xi32, #tpu.memory_space<vmem>>, vector<16xi32>,
        %mul3A_158 = arith.constant 2 : i32
        %mul3A_159 = arith.muli %mul3A_158, %add3A_27 : i32
        %add3A_160 = arith.constant 1 : i32
        %add3A_161 = arith.addi %mul3A_159, %add3A_160 : i32
        %get3A_162 = arith.index_cast %add3A_161 : i32 to index
        %get3A_163 = arith.constant 48 : index
        %get3A_164 = tpu.vector_load %arg8[%get3A_162, %get3A_163] {strides = array<i32>} : memref<16x128xi32, #tpu.memory_space<vmem>>, vector<1x16xi32>,
        %get3A_165 = vector.shape_cast %get3A_164 : vector<1x16xi32> to vector<16xi32>
        %swap3A_166 = arith.constant 48 : index
        %swap3A_167 = tpu.vector_load %arg10[%swap3A_166] {strides = array<i32>} : memref<128xi32, #tpu.memory_space<vmem>>, vector<16xi32>,
        %swap3A_168 = vector.shape_cast %swap3A_167 : vector<16xi32> to vector<16xi32>
        %swap3A_169 = vector.shape_cast %get3A_165 : vector<16xi32> to vector<16xi32>
        tpu.vector_store %arg10[%swap3A_166], %swap3A_169 {strides = array<i32>} : memref<128xi32, #tpu.memory_space<vmem>>, vector<16xi32>,
        %mul3A_170 = arith.constant 2 : i32
        %mul3A_171 = arith.muli %mul3A_170, %add3A_27 : i32
        %add3A_172 = arith.constant 1 : i32
        %add3A_173 = arith.addi %mul3A_171, %add3A_172 : i32
        %get3A_174 = arith.index_cast %add3A_173 : i32 to index
        %get3A_175 = arith.constant 64 : index
        %get3A_176 = tpu.vector_load %arg8[%get3A_174, %get3A_175] {strides = array<i32>} : memref<16x128xi32, #tpu.memory_space<vmem>>, vector<1x16xi32>,
        %get3A_177 = vector.shape_cast %get3A_176 : vector<1x16xi32> to vector<16xi32>
        %swap3A_178 = arith.constant 64 : index
        %swap3A_179 = tpu.vector_load %arg10[%swap3A_178] {strides = array<i32>} : memref<128xi32, #tpu.memory_space<vmem>>, vector<16xi32>,
        %swap3A_180 = vector.shape_cast %swap3A_179 : vector<16xi32> to vector<16xi32>
        %swap3A_181 = vector.shape_cast %get3A_177 : vector<16xi32> to vector<16xi32>
        tpu.vector_store %arg10[%swap3A_178], %swap3A_181 {strides = array<i32>} : memref<128xi32, #tpu.memory_space<vmem>>, vector<16xi32>,
        %mul3A_182 = arith.constant 2 : i32
        %mul3A_183 = arith.muli %mul3A_182, %add3A_27 : i32
        %add3A_184 = arith.constant 1 : i32
        %add3A_185 = arith.addi %mul3A_183, %add3A_184 : i32
        %get3A_186 = arith.index_cast %add3A_185 : i32 to index
        %get3A_187 = arith.constant 80 : index
        %get3A_188 = tpu.vector_load %arg8[%get3A_186, %get3A_187] {strides = array<i32>} : memref<16x128xi32, #tpu.memory_space<vmem>>, vector<1x16xi32>,
        %get3A_189 = vector.shape_cast %get3A_188 : vector<1x16xi32> to vector<16xi32>
        %swap3A_190 = arith.constant 80 : index
        %swap3A_191 = tpu.vector_load %arg10[%swap3A_190] {strides = array<i32>} : memref<128xi32, #tpu.memory_space<vmem>>, vector<16xi32>,
        %swap3A_192 = vector.shape_cast %swap3A_191 : vector<16xi32> to vector<16xi32>
        %swap3A_193 = vector.shape_cast %get3A_189 : vector<16xi32> to vector<16xi32>
        tpu.vector_store %arg10[%swap3A_190], %swap3A_193 {strides = array<i32>} : memref<128xi32, #tpu.memory_space<vmem>>, vector<16xi32>,
        %mul3A_194 = arith.constant 2 : i32
        %mul3A_195 = arith.muli %mul3A_194, %add3A_27 : i32
        %add3A_196 = arith.constant 1 : i32
        %add3A_197 = arith.addi %mul3A_195, %add3A_196 : i32
        %get3A_198 = arith.index_cast %add3A_197 : i32 to index
        %get3A_199 = arith.constant 96 : index
        %get3A_200 = tpu.vector_load %arg8[%get3A_198, %get3A_199] {strides = array<i32>} : memref<16x128xi32, #tpu.memory_space<vmem>>, vector<1x16xi32>,
        %get3A_201 = vector.shape_cast %get3A_200 : vector<1x16xi32> to vector<16xi32>
        %swap3A_202 = arith.constant 96 : index
        %swap3A_203 = tpu.vector_load %arg10[%swap3A_202] {strides = array<i32>} : memref<128xi32, #tpu.memory_space<vmem>>, vector<16xi32>,
        %swap3A_204 = vector.shape_cast %swap3A_203 : vector<16xi32> to vector<16xi32>
        %swap3A_205 = vector.shape_cast %get3A_201 : vector<16xi32> to vector<16xi32>
        tpu.vector_store %arg10[%swap3A_202], %swap3A_205 {strides = array<i32>} : memref<128xi32, #tpu.memory_space<vmem>>, vector<16xi32>,
        %mul3A_206 = arith.constant 2 : i32
        %mul3A_207 = arith.muli %mul3A_206, %add3A_27 : i32
        %add3A_208 = arith.constant 1 : i32
        %add3A_209 = arith.addi %mul3A_207, %add3A_208 : i32
        %get3A_210 = arith.index_cast %add3A_209 : i32 to index
        %get3A_211 = arith.constant 112 : index
        %get3A_212 = tpu.vector_load %arg8[%get3A_210, %get3A_211] {strides = array<i32>} : memref<16x128xi32, #tpu.memory_space<vmem>>, vector<1x16xi32>,
        %get3A_213 = vector.shape_cast %get3A_212 : vector<1x16xi32> to vector<16xi32>
        %swap3A_214 = arith.constant 112 : index
        %swap3A_215 = tpu.vector_load %arg10[%swap3A_214] {strides = array<i32>} : memref<128xi32, #tpu.memory_space<vmem>>, vector<16xi32>,
        %swap3A_216 = vector.shape_cast %swap3A_215 : vector<16xi32> to vector<16xi32>
        %swap3A_217 = vector.shape_cast %get3A_213 : vector<16xi32> to vector<16xi32>
        tpu.vector_store %arg10[%swap3A_214], %swap3A_217 {strides = array<i32>} : memref<128xi32, #tpu.memory_space<vmem>>, vector<16xi32>,
        %mul3A_218 = arith.constant 2 : i32
        %mul3A_219 = arith.muli %mul3A_218, %add3A_27 : i32
        %add3A_220 = arith.constant 0 : i32
        %add3A_221 = arith.addi %mul3A_219, %add3A_220 : i32
        %dma_start3A = arith.constant 0 : i32
        %dma_start3A_222 = tpu.memref_slice %arg7[%add3A_221, %dma_start3A] : memref<16x128xi32, #tpu.memory_space<vmem>> -> memref<1x128xi32, #tpu.memory_space<vmem>>
        %dma_start3A_223 = tpu.memref_squeeze %dma_start3A_222 : memref<1x128xi32, #tpu.memory_space<vmem>> -> memref<128xi32, #tpu.memory_space<vmem>>
        %dma_start3A_224 = arith.constant 0 : i32
        %dma_start3A_225 = arith.constant 0 : i32
        %dma_start3A_226 = tpu.memref_slice %arg2[%dma_start3A_224, %dma_start3A_225] : memref<20000x128xf32, #tpu.memory_space<hbm>> -> memref<20000x128xf32, #tpu.memory_space<hbm>>
        tpu.enqueue_indirect_dma source(%dma_start3A_226 : memref<20000x128xf32, #tpu.memory_space<hbm>>) target(%arg11 : memref<128x128xf32, #tpu.memory_space<vmem>>) offsets(%dma_start3A_223 : memref<128xi32, #tpu.memory_space<vmem>>) semaphore(%arg14 : memref<!tpu.dma_semaphore, #tpu.memory_space<semaphore_mem>>)
        %mul3A_227 = arith.constant 2 : i32
        %mul3A_228 = arith.muli %mul3A_227, %add3A_27 : i32
        %add3A_229 = arith.constant 1 : i32
        %add3A_230 = arith.addi %mul3A_228, %add3A_229 : i32
        %dma_start3A_231 = arith.constant 0 : i32
        %dma_start3A_232 = tpu.memref_slice %arg7[%add3A_230, %dma_start3A_231] : memref<16x128xi32, #tpu.memory_space<vmem>> -> memref<1x128xi32, #tpu.memory_space<vmem>>
        %dma_start3A_233 = tpu.memref_squeeze %dma_start3A_232 : memref<1x128xi32, #tpu.memory_space<vmem>> -> memref<128xi32, #tpu.memory_space<vmem>>
        %dma_start3A_234 = arith.constant 0 : i32
        %dma_start3A_235 = arith.constant 0 : i32
        %dma_start3A_236 = tpu.memref_slice %arg2[%dma_start3A_234, %dma_start3A_235] : memref<20000x128xf32, #tpu.memory_space<hbm>> -> memref<20000x128xf32, #tpu.memory_space<hbm>>
        tpu.enqueue_indirect_dma source(%dma_start3A_236 : memref<20000x128xf32, #tpu.memory_space<hbm>>) target(%arg12 : memref<128x128xf32, #tpu.memory_space<vmem>>) offsets(%dma_start3A_233 : memref<128xi32, #tpu.memory_space<vmem>>) semaphore(%arg15 : memref<!tpu.dma_semaphore, #tpu.memory_space<semaphore_mem>>)
        %dma_wait3A = arith.constant 0 : i32
        %dma_wait3A_237 = tpu.memref_slice %arg7[%add3A_221, %dma_wait3A] : memref<16x128xi32, #tpu.memory_space<vmem>> -> memref<1x128xi32, #tpu.memory_space<vmem>>
        %dma_wait3A_238 = tpu.memref_squeeze %dma_wait3A_237 : memref<1x128xi32, #tpu.memory_space<vmem>> -> memref<128xi32, #tpu.memory_space<vmem>>
        %dma_wait3A_239 = arith.constant 0 : i32
        %dma_wait3A_240 = arith.constant 0 : i32
        %dma_wait3A_241 = tpu.memref_slice %arg2[%dma_wait3A_239, %dma_wait3A_240] : memref<20000x128xf32, #tpu.memory_space<hbm>> -> memref<20000x128xf32, #tpu.memory_space<hbm>>
        tpu.wait_indirect_dma semaphore(%arg14 : memref<!tpu.dma_semaphore, #tpu.memory_space<semaphore_mem>>) src(%dma_wait3A_241 : memref<20000x128xf32, #tpu.memory_space<hbm>>) dst(%arg11 : memref<128x128xf32, #tpu.memory_space<vmem>>)
        %dma_start3A_242 = arith.constant 0 : i32
        %dma_start3A_243 = arith.constant 0 : i32
        %dma_start3A_244 = tpu.memref_slice %arg13[%dma_start3A_242, %dma_start3A_243] : memref<10008x128xf32, #tpu.memory_space<vmem_shared>> -> memref<10008x128xf32, #tpu.memory_space<vmem_shared>>
        tpu.enqueue_indirect_dma source(%arg11 : memref<128x128xf32, #tpu.memory_space<vmem>>) target(%dma_start3A_244 : memref<10008x128xf32, #tpu.memory_space<vmem_shared>>) offsets(%arg9 : memref<128xi32, #tpu.memory_space<vmem>>) semaphore(%arg16 : memref<!tpu.dma_semaphore, #tpu.memory_space<semaphore_mem>>) {add = true}
        %dma_wait3A_245 = arith.constant 0 : i32
        %dma_wait3A_246 = tpu.memref_slice %arg7[%add3A_230, %dma_wait3A_245] : memref<16x128xi32, #tpu.memory_space<vmem>> -> memref<1x128xi32, #tpu.memory_space<vmem>>
        %dma_wait3A_247 = tpu.memref_squeeze %dma_wait3A_246 : memref<1x128xi32, #tpu.memory_space<vmem>> -> memref<128xi32, #tpu.memory_space<vmem>>
        %dma_wait3A_248 = arith.constant 0 : i32
        %dma_wait3A_249 = arith.constant 0 : i32
        %dma_wait3A_250 = tpu.memref_slice %arg2[%dma_wait3A_248, %dma_wait3A_249] : memref<20000x128xf32, #tpu.memory_space<hbm>> -> memref<20000x128xf32, #tpu.memory_space<hbm>>
        tpu.wait_indirect_dma semaphore(%arg15 : memref<!tpu.dma_semaphore, #tpu.memory_space<semaphore_mem>>) src(%dma_wait3A_250 : memref<20000x128xf32, #tpu.memory_space<hbm>>) dst(%arg12 : memref<128x128xf32, #tpu.memory_space<vmem>>)
        %dma_start3A_251 = arith.constant 0 : i32
        %dma_start3A_252 = arith.constant 0 : i32
        %dma_start3A_253 = tpu.memref_slice %arg13[%dma_start3A_251, %dma_start3A_252] : memref<10008x128xf32, #tpu.memory_space<vmem_shared>> -> memref<10008x128xf32, #tpu.memory_space<vmem_shared>>
        tpu.enqueue_indirect_dma source(%arg12 : memref<128x128xf32, #tpu.memory_space<vmem>>) target(%dma_start3A_253 : memref<10008x128xf32, #tpu.memory_space<vmem_shared>>) offsets(%arg10 : memref<128xi32, #tpu.memory_space<vmem>>) semaphore(%arg17 : memref<!tpu.dma_semaphore, #tpu.memory_space<semaphore_mem>>) {add = true}
        %dma_wait3A_254 = arith.constant 0 : i32
        %dma_wait3A_255 = arith.constant 0 : i32
        %dma_wait3A_256 = tpu.memref_slice %arg13[%dma_wait3A_254, %dma_wait3A_255] : memref<10008x128xf32, #tpu.memory_space<vmem_shared>> -> memref<10008x128xf32, #tpu.memory_space<vmem_shared>>
        tpu.wait_indirect_dma semaphore(%arg16 : memref<!tpu.dma_semaphore, #tpu.memory_space<semaphore_mem>>) src(%arg11 : memref<128x128xf32, #tpu.memory_space<vmem>>) dst(%dma_wait3A_256 : memref<10008x128xf32, #tpu.memory_space<vmem_shared>>)
        %dma_wait3A_257 = arith.constant 0 : i32
        %dma_wait3A_258 = arith.constant 0 : i32
        %dma_wait3A_259 = tpu.memref_slice %arg13[%dma_wait3A_257, %dma_wait3A_258] : memref<10008x128xf32, #tpu.memory_space<vmem_shared>> -> memref<10008x128xf32, #tpu.memory_space<vmem_shared>>
        tpu.wait_indirect_dma semaphore(%arg17 : memref<!tpu.dma_semaphore, #tpu.memory_space<semaphore_mem>>) src(%arg12 : memref<128x128xf32, #tpu.memory_space<vmem>>) dst(%dma_wait3A_259 : memref<10008x128xf32, #tpu.memory_space<vmem_shared>>)
      }
      %scan3A_22 = arith.constant 8 : i32
    }
    %scan3A_5 = arith.constant 10 : i32
    %barrier3A_6 = arith.constant 0 : index
    tpu.barrier barrier_id(%barrier3A_6)
    %mul3A_7 = arith.constant 10000 : i32
    %mul3A_8 = arith.muli %arg0, %mul3A_7 : i32
    %add3A = arith.addi %mul3A_8, %min3A_1 : i32
    "tpu.region"() ({
      %run_scoped3A = tpu.sem_alloc : memref<!tpu.dma_semaphore, #tpu.memory_space<semaphore_mem>>
      %dma_start3A = arith.constant 0 : i32
      %dma_start3A_9 = tpu.memref_slice %arg6[%add3A, %dma_start3A] : memref<20000x128xf32, #tpu.memory_space<hbm>> -> memref<640x128xf32, #tpu.memory_space<hbm>>
      %dma_start3A_10 = arith.constant 0 : i32
      %dma_start3A_11 = tpu.memref_slice %arg13[%min3A_1, %dma_start3A_10] : memref<10008x128xf32, #tpu.memory_space<vmem_shared>> -> memref<640x128xf32, #tpu.memory_space<vmem_shared>>
      tpu.enqueue_dma source(%dma_start3A_11 : memref<640x128xf32, #tpu.memory_space<vmem_shared>>) target(%dma_start3A_9 : memref<640x128xf32, #tpu.memory_space<hbm>>) target_semaphore(%run_scoped3A : memref<!tpu.dma_semaphore, #tpu.memory_space<semaphore_mem>>)
      %dma_wait3A = arith.constant 0 : i32
      %dma_wait3A_12 = tpu.memref_slice %arg6[%add3A, %dma_wait3A] : memref<20000x128xf32, #tpu.memory_space<hbm>> -> memref<640x128xf32, #tpu.memory_space<hbm>>
      %dma_wait3A_13 = arith.constant 0 : i32
      %dma_wait3A_14 = tpu.memref_slice %arg13[%min3A_1, %dma_wait3A_13] : memref<10008x128xf32, #tpu.memory_space<vmem_shared>> -> memref<640x128xf32, #tpu.memory_space<vmem_shared>>
      tpu.wait_dma2 semaphore(%run_scoped3A : memref<!tpu.dma_semaphore, #tpu.memory_space<semaphore_mem>>) src(%dma_wait3A_14 : memref<640x128xf32, #tpu.memory_space<vmem_shared>>) dst(%dma_wait3A_12 : memref<640x128xf32, #tpu.memory_space<hbm>>)
      tpu.yield
    }) : () -> ()
    return
  }
}

module attributes {stable_mosaic.version = 14 : i64} {
  func.func @_tc_body(%arg0: i32, %arg1: memref<10000x128xf32, #tpu.memory_space<vmem>>, %arg2: memref<10000x128xf32, #tpu.memory_space<vmem>>, %arg3: memref<10000x128xf32, #tpu.memory_space<vmem>>, %arg4: memref<128x128xf32, #tpu.memory_space<vmem>>, %arg5: memref<1x128xf32, #tpu.memory_space<vmem>>, %arg6: memref<128x128xf32, #tpu.memory_space<vmem>>, %arg7: memref<1x128xf32, #tpu.memory_space<vmem>>, %arg8: memref<256x128xf32, #tpu.memory_space<vmem>>, %arg9: memref<1x128xf32, #tpu.memory_space<vmem>>, %arg10: memref<1x128xf32, #tpu.memory_space<vmem>>, %arg11: memref<1x128xf32, #tpu.memory_space<vmem>>, %arg12: memref<10000x128xf32, #tpu.memory_space<vmem>>) attributes {dimension_semantics = [#tpu.dimension_semantics<arbitrary>], iteration_bounds = array<i64: 1>, scalar_prefetch = 0 : i64, scratch_operands = 0 : i64, tpu.core_type = #tpu.core_type<tc>, window_params = [{pipeline_mode = #tpu.pipeline_mode<synchronous>, transform_indices = @transform_0, window_bounds = array<i64: 10000, 128>}, {transform_indices = @transform_1, window_bounds = array<i64: 10000, 128>}, {transform_indices = @transform_2, window_bounds = array<i64: 10000, 128>}, {pipeline_mode = #tpu.pipeline_mode<synchronous>, transform_indices = @transform_3, window_bounds = array<i64: 128, 128>}, {pipeline_mode = #tpu.pipeline_mode<synchronous>, transform_indices = @transform_4, window_bounds = array<i64: 1, 128>}, {pipeline_mode = #tpu.pipeline_mode<synchronous>, transform_indices = @transform_5, window_bounds = array<i64: 128, 128>}, {pipeline_mode = #tpu.pipeline_mode<synchronous>, transform_indices = @transform_6, window_bounds = array<i64: 1, 128>}, {pipeline_mode = #tpu.pipeline_mode<synchronous>, transform_indices = @transform_7, window_bounds = array<i64: 256, 128>}, {pipeline_mode = #tpu.pipeline_mode<synchronous>, transform_indices = @transform_8, window_bounds = array<i64: 1, 128>}, {pipeline_mode = #tpu.pipeline_mode<synchronous>, transform_indices = @transform_9, window_bounds = array<i64: 1, 128>}, {pipeline_mode = #tpu.pipeline_mode<synchronous>, transform_indices = @transform_10, window_bounds = array<i64: 1, 128>}, {pipeline_mode = #tpu.pipeline_mode<synchronous>, transform_indices = @transform_11, window_bounds = array<i64: 10000, 128>}]} {
    %get3A = arith.constant 0 : index
    %get3A_0 = arith.constant 0 : index
    %get3A_1 = vector.load %arg3[%get3A, %get3A_0] : memref<10000x128xf32, #tpu.memory_space<vmem>>, vector<10000x1xf32>
    %max3A = arith.constant 1.000000e+00 : f32
    %max3A_2 = vector.broadcast %max3A : f32 to vector<10000x1xf32>
    %max3A_3 = arith.maximumf %get3A_1, %max3A_2 : vector<10000x1xf32>
    %get3A_4 = arith.constant 0 : index
    %get3A_5 = arith.constant 0 : index
    %get3A_6 = vector.load %arg2[%get3A_4, %get3A_5] : memref<10000x128xf32, #tpu.memory_space<vmem>>, vector<10000x128xf32>
    %div3A = vector.broadcast %max3A_3 : vector<10000x1xf32> to vector<10000x128xf32>
    %div3A_7 = arith.divf %get3A_6, %div3A : vector<10000x128xf32>
    %get3A_8 = arith.constant 0 : index
    %get3A_9 = arith.constant 0 : index
    %get3A_10 = vector.load %arg1[%get3A_8, %get3A_9] : memref<10000x128xf32, #tpu.memory_space<vmem>>, vector<10000x128xf32>
    %get3A_11 = arith.constant 0 : index
    %get3A_12 = arith.constant 0 : index
    %get3A_13 = vector.load %arg6[%get3A_11, %get3A_12] : memref<128x128xf32, #tpu.memory_space<vmem>>, vector<128x128xf32>
    %dot_general3A = arith.constant dense<0.000000e+00> : vector<10000x128xf32>
    %dot_general3A_14 = tpu.matmul %get3A_10, %get3A_13, %dot_general3A {dimension_numbers = #tpu.dot_dimension_numbers<[1], [0], [0], [1], [0, 0, 1, 1], [], []>, transpose_lhs_hint = false} : vector<10000x128xf32>, vector<128x128xf32>, vector<10000x128xf32> -> vector<10000x128xf32>
    %get3A_15 = arith.constant 0 : index
    %get3A_16 = arith.constant 0 : index
    %get3A_17 = vector.load %arg7[%get3A_15, %get3A_16] : memref<1x128xf32, #tpu.memory_space<vmem>>, vector<1x128xf32>
    %add3A = vector.broadcast %get3A_17 : vector<1x128xf32> to vector<10000x128xf32>
    %add3A_18 = arith.addf %dot_general3A_14, %add3A : vector<10000x128xf32>
    %get3A_19 = arith.constant 0 : index
    %get3A_20 = arith.constant 0 : index
    %get3A_21 = vector.load %arg4[%get3A_19, %get3A_20] : memref<128x128xf32, #tpu.memory_space<vmem>>, vector<128x128xf32>
    %dot_general3A_22 = arith.constant dense<0.000000e+00> : vector<10000x128xf32>
    %dot_general3A_23 = tpu.matmul %div3A_7, %get3A_21, %dot_general3A_22 {dimension_numbers = #tpu.dot_dimension_numbers<[1], [0], [0], [1], [0, 0, 1, 1], [], []>, transpose_lhs_hint = false} : vector<10000x128xf32>, vector<128x128xf32>, vector<10000x128xf32> -> vector<10000x128xf32>
    %get3A_24 = arith.constant 0 : index
    %get3A_25 = arith.constant 0 : index
    %get3A_26 = vector.load %arg5[%get3A_24, %get3A_25] : memref<1x128xf32, #tpu.memory_space<vmem>>, vector<1x128xf32>
    %add3A_27 = vector.broadcast %get3A_26 : vector<1x128xf32> to vector<10000x128xf32>
    %add3A_28 = arith.addf %dot_general3A_23, %add3A_27 : vector<10000x128xf32>
    %concatenate3A = tpu.concatenate %add3A_18, %add3A_28 in 1 : vector<10000x128xf32>, vector<10000x128xf32> -> vector<10000x256xf32>
    %get3A_29 = arith.constant 0 : index
    %get3A_30 = arith.constant 0 : index
    %get3A_31 = vector.load %arg8[%get3A_29, %get3A_30] : memref<256x128xf32, #tpu.memory_space<vmem>>, vector<256x128xf32>
    %dot_general3A_32 = arith.constant dense<0.000000e+00> : vector<10000x128xf32>
    %dot_general3A_33 = tpu.matmul %concatenate3A, %get3A_31, %dot_general3A_32 {dimension_numbers = #tpu.dot_dimension_numbers<[1], [0], [0], [1], [0, 0, 1, 1], [], []>, transpose_lhs_hint = false} : vector<10000x256xf32>, vector<256x128xf32>, vector<10000x128xf32> -> vector<10000x128xf32>
    %get3A_34 = arith.constant 0 : index
    %get3A_35 = arith.constant 0 : index
    %get3A_36 = vector.load %arg9[%get3A_34, %get3A_35] : memref<1x128xf32, #tpu.memory_space<vmem>>, vector<1x128xf32>
    %add3A_37 = vector.broadcast %get3A_36 : vector<1x128xf32> to vector<10000x128xf32>
    %add3A_38 = arith.addf %dot_general3A_33, %add3A_37 : vector<10000x128xf32>
    %reduce_sum3A = arith.constant dense<0.000000e+00> : vector<128xf32>
    %reduce_sum3A_39 = vector.multi_reduction <add>, %add3A_38, %reduce_sum3A [0] : vector<10000x128xf32> to vector<128xf32>
    %broadcast_in_dim3A = vector.shape_cast %reduce_sum3A_39 : vector<128xf32> to vector<1x128xf32>
    %div3A_40 = arith.constant 1.000000e+04 : f32
    %div3A_41 = vector.broadcast %div3A_40 : f32 to vector<1x128xf32>
    %div3A_42 = arith.divf %broadcast_in_dim3A, %div3A_41 : vector<1x128xf32>
    %sub3A = vector.broadcast %div3A_42 : vector<1x128xf32> to vector<10000x128xf32>
    %sub3A_43 = arith.subf %add3A_38, %sub3A : vector<10000x128xf32>
    %integer_pow3A = arith.mulf %sub3A_43, %sub3A_43 : vector<10000x128xf32>
    %reduce_sum3A_44 = arith.constant dense<0.000000e+00> : vector<128xf32>
    %reduce_sum3A_45 = vector.multi_reduction <add>, %integer_pow3A, %reduce_sum3A_44 [0] : vector<10000x128xf32> to vector<128xf32>
    %broadcast_in_dim3A_46 = vector.shape_cast %reduce_sum3A_45 : vector<128xf32> to vector<1x128xf32>
    %div3A_47 = arith.constant 1.000000e+04 : f32
    %div3A_48 = vector.broadcast %div3A_47 : f32 to vector<1x128xf32>
    %div3A_49 = arith.divf %broadcast_in_dim3A_46, %div3A_48 : vector<1x128xf32>
    %sub3A_50 = vector.broadcast %div3A_42 : vector<1x128xf32> to vector<10000x128xf32>
    %sub3A_51 = arith.subf %add3A_38, %sub3A_50 : vector<10000x128xf32>
    %add3A_52 = arith.constant 1.000000e+00 : f32
    %add3A_53 = vector.broadcast %add3A_52 : f32 to vector<1x128xf32>
    %add3A_54 = arith.addf %div3A_49, %add3A_53 : vector<1x128xf32>
    %sqrt3A = math.sqrt %add3A_54 : vector<1x128xf32>
    %div3A_55 = vector.broadcast %sqrt3A : vector<1x128xf32> to vector<10000x128xf32>
    %div3A_56 = arith.divf %sub3A_51, %div3A_55 : vector<10000x128xf32>
    %get3A_57 = arith.constant 0 : index
    %get3A_58 = arith.constant 0 : index
    %get3A_59 = vector.load %arg10[%get3A_57, %get3A_58] : memref<1x128xf32, #tpu.memory_space<vmem>>, vector<1x128xf32>
    %mul3A = vector.broadcast %get3A_59 : vector<1x128xf32> to vector<10000x128xf32>
    %mul3A_60 = arith.mulf %div3A_56, %mul3A : vector<10000x128xf32>
    %get3A_61 = arith.constant 0 : index
    %get3A_62 = arith.constant 0 : index
    %get3A_63 = vector.load %arg11[%get3A_61, %get3A_62] : memref<1x128xf32, #tpu.memory_space<vmem>>, vector<1x128xf32>
    %add3A_64 = vector.broadcast %get3A_63 : vector<1x128xf32> to vector<10000x128xf32>
    %add3A_65 = arith.addf %mul3A_60, %add3A_64 : vector<10000x128xf32>
    %ge3A = arith.constant 0.000000e+00 : f32
    %ge3A_66 = vector.broadcast %ge3A : f32 to vector<10000x128xf32>
    %ge3A_67 = arith.cmpf oge, %add3A_65, %ge3A_66 : vector<10000x128xf32>
    %mul3A_68 = arith.constant 0.00999999977 : f32
    %mul3A_69 = vector.broadcast %mul3A_68 : f32 to vector<10000x128xf32>
    %mul3A_70 = arith.mulf %mul3A_69, %add3A_65 : vector<10000x128xf32>
    %select_n3A = arith.select %ge3A_67, %add3A_65, %mul3A_70 : vector<10000x128xi1>, vector<10000x128xf32>
    %swap3A = arith.constant 0 : index
    %swap3A_71 = arith.constant 0 : index
    %swap3A_72 = vector.load %arg12[%swap3A, %swap3A_71] : memref<10000x128xf32, #tpu.memory_space<vmem>>, vector<10000x128xf32>
    tpu.vector_store %arg12[%swap3A, %swap3A_71], %select_n3A {strides = array<i32>} : memref<10000x128xf32, #tpu.memory_space<vmem>>, vector<10000x128xf32>,
    return
  }
  func.func @transform_0(%arg0: i32) -> (i32, i32) {
    %c0_i32 = arith.constant 0 : i32
    %c0_i32_0 = arith.constant 0 : i32
    %c0_i32_1 = arith.constant 0 : i32
    return %c0_i32, %c0_i32_0 : i32, i32
  }
  func.func @transform_1(%arg0: i32) -> (i32, i32) {
    %c0_i32 = arith.constant 0 : i32
    %c0_i32_0 = arith.constant 0 : i32
    %c0_i32_1 = arith.constant 0 : i32
    return %c0_i32, %c0_i32_0 : i32, i32
  }
  func.func @transform_2(%arg0: i32) -> (i32, i32) {
    %c0_i32 = arith.constant 0 : i32
    %c0_i32_0 = arith.constant 0 : i32
    %c0_i32_1 = arith.constant 0 : i32
    return %c0_i32, %c0_i32_0 : i32, i32
  }
  func.func @transform_3(%arg0: i32) -> (i32, i32) {
    %c0_i32 = arith.constant 0 : i32
    %c0_i32_0 = arith.constant 0 : i32
    %c0_i32_1 = arith.constant 0 : i32
    return %c0_i32, %c0_i32_0 : i32, i32
  }
  func.func @transform_4(%arg0: i32) -> (i32, i32) {
    %c0_i32 = arith.constant 0 : i32
    %c0_i32_0 = arith.constant 0 : i32
    %c0_i32_1 = arith.constant 0 : i32
    return %c0_i32, %c0_i32_0 : i32, i32
  }
  func.func @transform_5(%arg0: i32) -> (i32, i32) {
    %c0_i32 = arith.constant 0 : i32
    %c0_i32_0 = arith.constant 0 : i32
    %c0_i32_1 = arith.constant 0 : i32
    return %c0_i32, %c0_i32_0 : i32, i32
  }
  func.func @transform_6(%arg0: i32) -> (i32, i32) {
    %c0_i32 = arith.constant 0 : i32
    %c0_i32_0 = arith.constant 0 : i32
    %c0_i32_1 = arith.constant 0 : i32
    return %c0_i32, %c0_i32_0 : i32, i32
  }
  func.func @transform_7(%arg0: i32) -> (i32, i32) {
    %c0_i32 = arith.constant 0 : i32
    %c0_i32_0 = arith.constant 0 : i32
    %c0_i32_1 = arith.constant 0 : i32
    return %c0_i32, %c0_i32_0 : i32, i32
  }
  func.func @transform_8(%arg0: i32) -> (i32, i32) {
    %c0_i32 = arith.constant 0 : i32
    %c0_i32_0 = arith.constant 0 : i32
    %c0_i32_1 = arith.constant 0 : i32
    return %c0_i32, %c0_i32_0 : i32, i32
  }
  func.func @transform_9(%arg0: i32) -> (i32, i32) {
    %c0_i32 = arith.constant 0 : i32
    %c0_i32_0 = arith.constant 0 : i32
    %c0_i32_1 = arith.constant 0 : i32
    return %c0_i32, %c0_i32_0 : i32, i32
  }
  func.func @transform_10(%arg0: i32) -> (i32, i32) {
    %c0_i32 = arith.constant 0 : i32
    %c0_i32_0 = arith.constant 0 : i32
    %c0_i32_1 = arith.constant 0 : i32
    return %c0_i32, %c0_i32_0 : i32, i32
  }
  func.func @transform_11(%arg0: i32) -> (i32, i32) {
    %c0_i32 = arith.constant 0 : i32
    %c0_i32_0 = arith.constant 0 : i32
    %c0_i32_1 = arith.constant 0 : i32
    return %c0_i32, %c0_i32_0 : i32, i32
  }
}

module attributes {stable_mosaic.version = 14 : i64} {
  func.func @_tc_body(%arg0: i32, %arg1: memref<10000x128xf32, #tpu.memory_space<vmem>>, %arg2: memref<10000x128xf32, #tpu.memory_space<vmem>>, %arg3: memref<10000x128xf32, #tpu.memory_space<vmem>>, %arg4: memref<128x128xf32, #tpu.memory_space<vmem>>, %arg5: memref<1x128xf32, #tpu.memory_space<vmem>>, %arg6: memref<128x128xf32, #tpu.memory_space<vmem>>, %arg7: memref<1x128xf32, #tpu.memory_space<vmem>>, %arg8: memref<256x128xf32, #tpu.memory_space<vmem>>, %arg9: memref<1x128xf32, #tpu.memory_space<vmem>>, %arg10: memref<1x128xf32, #tpu.memory_space<vmem>>, %arg11: memref<1x128xf32, #tpu.memory_space<vmem>>, %arg12: memref<10000x128xf32, #tpu.memory_space<vmem>>) attributes {dimension_semantics = [#tpu.dimension_semantics<arbitrary>], iteration_bounds = array<i64: 1>, scalar_prefetch = 0 : i64, scratch_operands = 0 : i64, tpu.core_type = #tpu.core_type<tc>, window_params = [{pipeline_mode = #tpu.pipeline_mode<synchronous>, transform_indices = @transform_0, window_bounds = array<i64: 10000, 128>}, {transform_indices = @transform_1, window_bounds = array<i64: 10000, 128>}, {transform_indices = @transform_2, window_bounds = array<i64: 10000, 128>}, {pipeline_mode = #tpu.pipeline_mode<synchronous>, transform_indices = @transform_3, window_bounds = array<i64: 128, 128>}, {pipeline_mode = #tpu.pipeline_mode<synchronous>, transform_indices = @transform_4, window_bounds = array<i64: 1, 128>}, {pipeline_mode = #tpu.pipeline_mode<synchronous>, transform_indices = @transform_5, window_bounds = array<i64: 128, 128>}, {pipeline_mode = #tpu.pipeline_mode<synchronous>, transform_indices = @transform_6, window_bounds = array<i64: 1, 128>}, {pipeline_mode = #tpu.pipeline_mode<synchronous>, transform_indices = @transform_7, window_bounds = array<i64: 256, 128>}, {pipeline_mode = #tpu.pipeline_mode<synchronous>, transform_indices = @transform_8, window_bounds = array<i64: 1, 128>}, {pipeline_mode = #tpu.pipeline_mode<synchronous>, transform_indices = @transform_9, window_bounds = array<i64: 1, 128>}, {pipeline_mode = #tpu.pipeline_mode<synchronous>, transform_indices = @transform_10, window_bounds = array<i64: 1, 128>}, {pipeline_mode = #tpu.pipeline_mode<synchronous>, transform_indices = @transform_11, window_bounds = array<i64: 10000, 128>}]} {
    %get3A = arith.constant 0 : index
    %get3A_0 = arith.constant 0 : index
    %get3A_1 = vector.load %arg3[%get3A, %get3A_0] : memref<10000x128xf32, #tpu.memory_space<vmem>>, vector<10000x1xf32>
    %max3A = arith.constant 1.000000e+00 : f32
    %max3A_2 = vector.broadcast %max3A : f32 to vector<10000x1xf32>
    %max3A_3 = arith.maximumf %get3A_1, %max3A_2 : vector<10000x1xf32>
    %get3A_4 = arith.constant 0 : index
    %get3A_5 = arith.constant 0 : index
    %get3A_6 = vector.load %arg2[%get3A_4, %get3A_5] : memref<10000x128xf32, #tpu.memory_space<vmem>>, vector<10000x128xf32>
    %div3A = vector.broadcast %max3A_3 : vector<10000x1xf32> to vector<10000x128xf32>
    %div3A_7 = arith.divf %get3A_6, %div3A : vector<10000x128xf32>
    %get3A_8 = arith.constant 0 : index
    %get3A_9 = arith.constant 0 : index
    %get3A_10 = vector.load %arg1[%get3A_8, %get3A_9] : memref<10000x128xf32, #tpu.memory_space<vmem>>, vector<10000x128xf32>
    %get3A_11 = arith.constant 0 : index
    %get3A_12 = arith.constant 0 : index
    %get3A_13 = vector.load %arg6[%get3A_11, %get3A_12] : memref<128x128xf32, #tpu.memory_space<vmem>>, vector<128x128xf32>
    %dot_general3A = arith.constant dense<0.000000e+00> : vector<10000x128xf32>
    %dot_general3A_14 = tpu.matmul %get3A_10, %get3A_13, %dot_general3A {dimension_numbers = #tpu.dot_dimension_numbers<[1], [0], [0], [1], [0, 0, 1, 1], [], []>, transpose_lhs_hint = false} : vector<10000x128xf32>, vector<128x128xf32>, vector<10000x128xf32> -> vector<10000x128xf32>
    %get3A_15 = arith.constant 0 : index
    %get3A_16 = arith.constant 0 : index
    %get3A_17 = vector.load %arg7[%get3A_15, %get3A_16] : memref<1x128xf32, #tpu.memory_space<vmem>>, vector<1x128xf32>
    %add3A = vector.broadcast %get3A_17 : vector<1x128xf32> to vector<10000x128xf32>
    %add3A_18 = arith.addf %dot_general3A_14, %add3A : vector<10000x128xf32>
    %get3A_19 = arith.constant 0 : index
    %get3A_20 = arith.constant 0 : index
    %get3A_21 = vector.load %arg4[%get3A_19, %get3A_20] : memref<128x128xf32, #tpu.memory_space<vmem>>, vector<128x128xf32>
    %dot_general3A_22 = arith.constant dense<0.000000e+00> : vector<10000x128xf32>
    %dot_general3A_23 = tpu.matmul %div3A_7, %get3A_21, %dot_general3A_22 {dimension_numbers = #tpu.dot_dimension_numbers<[1], [0], [0], [1], [0, 0, 1, 1], [], []>, transpose_lhs_hint = false} : vector<10000x128xf32>, vector<128x128xf32>, vector<10000x128xf32> -> vector<10000x128xf32>
    %get3A_24 = arith.constant 0 : index
    %get3A_25 = arith.constant 0 : index
    %get3A_26 = vector.load %arg5[%get3A_24, %get3A_25] : memref<1x128xf32, #tpu.memory_space<vmem>>, vector<1x128xf32>
    %add3A_27 = vector.broadcast %get3A_26 : vector<1x128xf32> to vector<10000x128xf32>
    %add3A_28 = arith.addf %dot_general3A_23, %add3A_27 : vector<10000x128xf32>
    %concatenate3A = tpu.concatenate %add3A_18, %add3A_28 in 1 : vector<10000x128xf32>, vector<10000x128xf32> -> vector<10000x256xf32>
    %get3A_29 = arith.constant 0 : index
    %get3A_30 = arith.constant 0 : index
    %get3A_31 = vector.load %arg8[%get3A_29, %get3A_30] : memref<256x128xf32, #tpu.memory_space<vmem>>, vector<256x128xf32>
    %dot_general3A_32 = arith.constant dense<0.000000e+00> : vector<10000x128xf32>
    %dot_general3A_33 = tpu.matmul %concatenate3A, %get3A_31, %dot_general3A_32 {dimension_numbers = #tpu.dot_dimension_numbers<[1], [0], [0], [1], [0, 0, 1, 1], [], []>, transpose_lhs_hint = false} : vector<10000x256xf32>, vector<256x128xf32>, vector<10000x128xf32> -> vector<10000x128xf32>
    %get3A_34 = arith.constant 0 : index
    %get3A_35 = arith.constant 0 : index
    %get3A_36 = vector.load %arg9[%get3A_34, %get3A_35] : memref<1x128xf32, #tpu.memory_space<vmem>>, vector<1x128xf32>
    %add3A_37 = vector.broadcast %get3A_36 : vector<1x128xf32> to vector<10000x128xf32>
    %add3A_38 = arith.addf %dot_general3A_33, %add3A_37 : vector<10000x128xf32>
    %reduce_sum3A = arith.constant dense<0.000000e+00> : vector<128xf32>
    %reduce_sum3A_39 = vector.multi_reduction <add>, %add3A_38, %reduce_sum3A [0] : vector<10000x128xf32> to vector<128xf32>
    %broadcast_in_dim3A = vector.shape_cast %reduce_sum3A_39 : vector<128xf32> to vector<1x128xf32>
    %div3A_40 = arith.constant 1.000000e+04 : f32
    %div3A_41 = vector.broadcast %div3A_40 : f32 to vector<1x128xf32>
    %div3A_42 = arith.divf %broadcast_in_dim3A, %div3A_41 : vector<1x128xf32>
    %sub3A = vector.broadcast %div3A_42 : vector<1x128xf32> to vector<10000x128xf32>
    %sub3A_43 = arith.subf %add3A_38, %sub3A : vector<10000x128xf32>
    %integer_pow3A = arith.mulf %sub3A_43, %sub3A_43 : vector<10000x128xf32>
    %reduce_sum3A_44 = arith.constant dense<0.000000e+00> : vector<128xf32>
    %reduce_sum3A_45 = vector.multi_reduction <add>, %integer_pow3A, %reduce_sum3A_44 [0] : vector<10000x128xf32> to vector<128xf32>
    %broadcast_in_dim3A_46 = vector.shape_cast %reduce_sum3A_45 : vector<128xf32> to vector<1x128xf32>
    %div3A_47 = arith.constant 1.000000e+04 : f32
    %div3A_48 = vector.broadcast %div3A_47 : f32 to vector<1x128xf32>
    %div3A_49 = arith.divf %broadcast_in_dim3A_46, %div3A_48 : vector<1x128xf32>
    %sub3A_50 = vector.broadcast %div3A_42 : vector<1x128xf32> to vector<10000x128xf32>
    %sub3A_51 = arith.subf %add3A_38, %sub3A_50 : vector<10000x128xf32>
    %add3A_52 = arith.constant 1.000000e+00 : f32
    %add3A_53 = vector.broadcast %add3A_52 : f32 to vector<1x128xf32>
    %add3A_54 = arith.addf %div3A_49, %add3A_53 : vector<1x128xf32>
    %sqrt3A = math.sqrt %add3A_54 : vector<1x128xf32>
    %div3A_55 = vector.broadcast %sqrt3A : vector<1x128xf32> to vector<10000x128xf32>
    %div3A_56 = arith.divf %sub3A_51, %div3A_55 : vector<10000x128xf32>
    %get3A_57 = arith.constant 0 : index
    %get3A_58 = arith.constant 0 : index
    %get3A_59 = vector.load %arg10[%get3A_57, %get3A_58] : memref<1x128xf32, #tpu.memory_space<vmem>>, vector<1x128xf32>
    %mul3A = vector.broadcast %get3A_59 : vector<1x128xf32> to vector<10000x128xf32>
    %mul3A_60 = arith.mulf %div3A_56, %mul3A : vector<10000x128xf32>
    %get3A_61 = arith.constant 0 : index
    %get3A_62 = arith.constant 0 : index
    %get3A_63 = vector.load %arg11[%get3A_61, %get3A_62] : memref<1x128xf32, #tpu.memory_space<vmem>>, vector<1x128xf32>
    %add3A_64 = vector.broadcast %get3A_63 : vector<1x128xf32> to vector<10000x128xf32>
    %add3A_65 = arith.addf %mul3A_60, %add3A_64 : vector<10000x128xf32>
    %ge3A = arith.constant 0.000000e+00 : f32
    %ge3A_66 = vector.broadcast %ge3A : f32 to vector<10000x128xf32>
    %ge3A_67 = arith.cmpf oge, %add3A_65, %ge3A_66 : vector<10000x128xf32>
    %mul3A_68 = arith.constant 0.00999999977 : f32
    %mul3A_69 = vector.broadcast %mul3A_68 : f32 to vector<10000x128xf32>
    %mul3A_70 = arith.mulf %mul3A_69, %add3A_65 : vector<10000x128xf32>
    %select_n3A = arith.select %ge3A_67, %add3A_65, %mul3A_70 : vector<10000x128xi1>, vector<10000x128xf32>
    %swap3A = arith.constant 0 : index
    %swap3A_71 = arith.constant 0 : index
    %swap3A_72 = vector.load %arg12[%swap3A, %swap3A_71] : memref<10000x128xf32, #tpu.memory_space<vmem>>, vector<10000x128xf32>
    tpu.vector_store %arg12[%swap3A, %swap3A_71], %select_n3A {strides = array<i32>} : memref<10000x128xf32, #tpu.memory_space<vmem>>, vector<10000x128xf32>,
    return
  }
  func.func @transform_0(%arg0: i32) -> (i32, i32) {
    %c0_i32 = arith.constant 0 : i32
    %c0_i32_0 = arith.constant 0 : i32
    %c0_i32_1 = arith.constant 0 : i32
    return %c0_i32, %c0_i32_0 : i32, i32
  }
  func.func @transform_1(%arg0: i32) -> (i32, i32) {
    %c1_i32 = arith.constant 1 : i32
    %c0_i32 = arith.constant 0 : i32
    %c0_i32_0 = arith.constant 0 : i32
    return %c1_i32, %c0_i32 : i32, i32
  }
  func.func @transform_2(%arg0: i32) -> (i32, i32) {
    %c1_i32 = arith.constant 1 : i32
    %c0_i32 = arith.constant 0 : i32
    %c0_i32_0 = arith.constant 0 : i32
    return %c1_i32, %c0_i32 : i32, i32
  }
  func.func @transform_3(%arg0: i32) -> (i32, i32) {
    %c0_i32 = arith.constant 0 : i32
    %c0_i32_0 = arith.constant 0 : i32
    %c0_i32_1 = arith.constant 0 : i32
    return %c0_i32, %c0_i32_0 : i32, i32
  }
  func.func @transform_4(%arg0: i32) -> (i32, i32) {
    %c0_i32 = arith.constant 0 : i32
    %c0_i32_0 = arith.constant 0 : i32
    %c0_i32_1 = arith.constant 0 : i32
    return %c0_i32, %c0_i32_0 : i32, i32
  }
  func.func @transform_5(%arg0: i32) -> (i32, i32) {
    %c0_i32 = arith.constant 0 : i32
    %c0_i32_0 = arith.constant 0 : i32
    %c0_i32_1 = arith.constant 0 : i32
    return %c0_i32, %c0_i32_0 : i32, i32
  }
  func.func @transform_6(%arg0: i32) -> (i32, i32) {
    %c0_i32 = arith.constant 0 : i32
    %c0_i32_0 = arith.constant 0 : i32
    %c0_i32_1 = arith.constant 0 : i32
    return %c0_i32, %c0_i32_0 : i32, i32
  }
  func.func @transform_7(%arg0: i32) -> (i32, i32) {
    %c0_i32 = arith.constant 0 : i32
    %c0_i32_0 = arith.constant 0 : i32
    %c0_i32_1 = arith.constant 0 : i32
    return %c0_i32, %c0_i32_0 : i32, i32
  }
  func.func @transform_8(%arg0: i32) -> (i32, i32) {
    %c0_i32 = arith.constant 0 : i32
    %c0_i32_0 = arith.constant 0 : i32
    %c0_i32_1 = arith.constant 0 : i32
    return %c0_i32, %c0_i32_0 : i32, i32
  }
  func.func @transform_9(%arg0: i32) -> (i32, i32) {
    %c0_i32 = arith.constant 0 : i32
    %c0_i32_0 = arith.constant 0 : i32
    %c0_i32_1 = arith.constant 0 : i32
    return %c0_i32, %c0_i32_0 : i32, i32
  }
  func.func @transform_10(%arg0: i32) -> (i32, i32) {
    %c0_i32 = arith.constant 0 : i32
    %c0_i32_0 = arith.constant 0 : i32
    %c0_i32_1 = arith.constant 0 : i32
    return %c0_i32, %c0_i32_0 : i32, i32
  }
  func.func @transform_11(%arg0: i32) -> (i32, i32) {
    %c0_i32 = arith.constant 0 : i32
    %c0_i32_0 = arith.constant 0 : i32
    %c0_i32_1 = arith.constant 0 : i32
    return %c0_i32, %c0_i32_0 : i32, i32
  }
}

module attributes {stable_mosaic.version = 14 : i64} {
  func.func @_tc_body(%arg0: i32, %arg1: memref<10000x128xf32, #tpu.memory_space<vmem>>, %arg2: memref<10000x128xf32, #tpu.memory_space<vmem>>, %arg3: memref<10000x128xf32, #tpu.memory_space<vmem>>, %arg4: memref<128x128xf32, #tpu.memory_space<vmem>>, %arg5: memref<1x128xf32, #tpu.memory_space<vmem>>, %arg6: memref<128x128xf32, #tpu.memory_space<vmem>>, %arg7: memref<1x128xf32, #tpu.memory_space<vmem>>, %arg8: memref<256x128xf32, #tpu.memory_space<vmem>>, %arg9: memref<1x128xf32, #tpu.memory_space<vmem>>, %arg10: memref<1x128xf32, #tpu.memory_space<vmem>>, %arg11: memref<1x128xf32, #tpu.memory_space<vmem>>, %arg12: memref<128x16xf32, #tpu.memory_space<vmem>>, %arg13: memref<1x16xf32, #tpu.memory_space<vmem>>, %arg14: memref<10000x16xf32, #tpu.memory_space<vmem>>) attributes {dimension_semantics = [#tpu.dimension_semantics<arbitrary>], iteration_bounds = array<i64: 1>, scalar_prefetch = 0 : i64, scratch_operands = 0 : i64, tpu.core_type = #tpu.core_type<tc>, window_params = [{pipeline_mode = #tpu.pipeline_mode<synchronous>, transform_indices = @transform_0, window_bounds = array<i64: 10000, 128>}, {transform_indices = @transform_1, window_bounds = array<i64: 10000, 128>}, {transform_indices = @transform_2, window_bounds = array<i64: 10000, 128>}, {pipeline_mode = #tpu.pipeline_mode<synchronous>, transform_indices = @transform_3, window_bounds = array<i64: 128, 128>}, {pipeline_mode = #tpu.pipeline_mode<synchronous>, transform_indices = @transform_4, window_bounds = array<i64: 1, 128>}, {pipeline_mode = #tpu.pipeline_mode<synchronous>, transform_indices = @transform_5, window_bounds = array<i64: 128, 128>}, {pipeline_mode = #tpu.pipeline_mode<synchronous>, transform_indices = @transform_6, window_bounds = array<i64: 1, 128>}, {pipeline_mode = #tpu.pipeline_mode<synchronous>, transform_indices = @transform_7, window_bounds = array<i64: 256, 128>}, {pipeline_mode = #tpu.pipeline_mode<synchronous>, transform_indices = @transform_8, window_bounds = array<i64: 1, 128>}, {pipeline_mode = #tpu.pipeline_mode<synchronous>, transform_indices = @transform_9, window_bounds = array<i64: 1, 128>}, {pipeline_mode = #tpu.pipeline_mode<synchronous>, transform_indices = @transform_10, window_bounds = array<i64: 1, 128>}, {pipeline_mode = #tpu.pipeline_mode<synchronous>, transform_indices = @transform_11, window_bounds = array<i64: 128, 16>}, {pipeline_mode = #tpu.pipeline_mode<synchronous>, transform_indices = @transform_12, window_bounds = array<i64: 1, 16>}, {pipeline_mode = #tpu.pipeline_mode<synchronous>, transform_indices = @transform_13, window_bounds = array<i64: 10000, 16>}]} {
    %get3A = arith.constant 0 : index
    %get3A_0 = arith.constant 0 : index
    %get3A_1 = vector.load %arg3[%get3A, %get3A_0] : memref<10000x128xf32, #tpu.memory_space<vmem>>, vector<10000x1xf32>
    %max3A = arith.constant 1.000000e+00 : f32
    %max3A_2 = vector.broadcast %max3A : f32 to vector<10000x1xf32>
    %max3A_3 = arith.maximumf %get3A_1, %max3A_2 : vector<10000x1xf32>
    %get3A_4 = arith.constant 0 : index
    %get3A_5 = arith.constant 0 : index
    %get3A_6 = vector.load %arg2[%get3A_4, %get3A_5] : memref<10000x128xf32, #tpu.memory_space<vmem>>, vector<10000x128xf32>
    %div3A = vector.broadcast %max3A_3 : vector<10000x1xf32> to vector<10000x128xf32>
    %div3A_7 = arith.divf %get3A_6, %div3A : vector<10000x128xf32>
    %get3A_8 = arith.constant 0 : index
    %get3A_9 = arith.constant 0 : index
    %get3A_10 = vector.load %arg1[%get3A_8, %get3A_9] : memref<10000x128xf32, #tpu.memory_space<vmem>>, vector<10000x128xf32>
    %get3A_11 = arith.constant 0 : index
    %get3A_12 = arith.constant 0 : index
    %get3A_13 = vector.load %arg6[%get3A_11, %get3A_12] : memref<128x128xf32, #tpu.memory_space<vmem>>, vector<128x128xf32>
    %dot_general3A = arith.constant dense<0.000000e+00> : vector<10000x128xf32>
    %dot_general3A_14 = tpu.matmul %get3A_10, %get3A_13, %dot_general3A {dimension_numbers = #tpu.dot_dimension_numbers<[1], [0], [0], [1], [0, 0, 1, 1], [], []>, transpose_lhs_hint = false} : vector<10000x128xf32>, vector<128x128xf32>, vector<10000x128xf32> -> vector<10000x128xf32>
    %get3A_15 = arith.constant 0 : index
    %get3A_16 = arith.constant 0 : index
    %get3A_17 = vector.load %arg7[%get3A_15, %get3A_16] : memref<1x128xf32, #tpu.memory_space<vmem>>, vector<1x128xf32>
    %add3A = vector.broadcast %get3A_17 : vector<1x128xf32> to vector<10000x128xf32>
    %add3A_18 = arith.addf %dot_general3A_14, %add3A : vector<10000x128xf32>
    %get3A_19 = arith.constant 0 : index
    %get3A_20 = arith.constant 0 : index
    %get3A_21 = vector.load %arg4[%get3A_19, %get3A_20] : memref<128x128xf32, #tpu.memory_space<vmem>>, vector<128x128xf32>
    %dot_general3A_22 = arith.constant dense<0.000000e+00> : vector<10000x128xf32>
    %dot_general3A_23 = tpu.matmul %div3A_7, %get3A_21, %dot_general3A_22 {dimension_numbers = #tpu.dot_dimension_numbers<[1], [0], [0], [1], [0, 0, 1, 1], [], []>, transpose_lhs_hint = false} : vector<10000x128xf32>, vector<128x128xf32>, vector<10000x128xf32> -> vector<10000x128xf32>
    %get3A_24 = arith.constant 0 : index
    %get3A_25 = arith.constant 0 : index
    %get3A_26 = vector.load %arg5[%get3A_24, %get3A_25] : memref<1x128xf32, #tpu.memory_space<vmem>>, vector<1x128xf32>
    %add3A_27 = vector.broadcast %get3A_26 : vector<1x128xf32> to vector<10000x128xf32>
    %add3A_28 = arith.addf %dot_general3A_23, %add3A_27 : vector<10000x128xf32>
    %concatenate3A = tpu.concatenate %add3A_18, %add3A_28 in 1 : vector<10000x128xf32>, vector<10000x128xf32> -> vector<10000x256xf32>
    %get3A_29 = arith.constant 0 : index
    %get3A_30 = arith.constant 0 : index
    %get3A_31 = vector.load %arg8[%get3A_29, %get3A_30] : memref<256x128xf32, #tpu.memory_space<vmem>>, vector<256x128xf32>
    %dot_general3A_32 = arith.constant dense<0.000000e+00> : vector<10000x128xf32>
    %dot_general3A_33 = tpu.matmul %concatenate3A, %get3A_31, %dot_general3A_32 {dimension_numbers = #tpu.dot_dimension_numbers<[1], [0], [0], [1], [0, 0, 1, 1], [], []>, transpose_lhs_hint = false} : vector<10000x256xf32>, vector<256x128xf32>, vector<10000x128xf32> -> vector<10000x128xf32>
    %get3A_34 = arith.constant 0 : index
    %get3A_35 = arith.constant 0 : index
    %get3A_36 = vector.load %arg9[%get3A_34, %get3A_35] : memref<1x128xf32, #tpu.memory_space<vmem>>, vector<1x128xf32>
    %add3A_37 = vector.broadcast %get3A_36 : vector<1x128xf32> to vector<10000x128xf32>
    %add3A_38 = arith.addf %dot_general3A_33, %add3A_37 : vector<10000x128xf32>
    %reduce_sum3A = arith.constant dense<0.000000e+00> : vector<128xf32>
    %reduce_sum3A_39 = vector.multi_reduction <add>, %add3A_38, %reduce_sum3A [0] : vector<10000x128xf32> to vector<128xf32>
    %broadcast_in_dim3A = vector.shape_cast %reduce_sum3A_39 : vector<128xf32> to vector<1x128xf32>
    %div3A_40 = arith.constant 1.000000e+04 : f32
    %div3A_41 = vector.broadcast %div3A_40 : f32 to vector<1x128xf32>
    %div3A_42 = arith.divf %broadcast_in_dim3A, %div3A_41 : vector<1x128xf32>
    %sub3A = vector.broadcast %div3A_42 : vector<1x128xf32> to vector<10000x128xf32>
    %sub3A_43 = arith.subf %add3A_38, %sub3A : vector<10000x128xf32>
    %integer_pow3A = arith.mulf %sub3A_43, %sub3A_43 : vector<10000x128xf32>
    %reduce_sum3A_44 = arith.constant dense<0.000000e+00> : vector<128xf32>
    %reduce_sum3A_45 = vector.multi_reduction <add>, %integer_pow3A, %reduce_sum3A_44 [0] : vector<10000x128xf32> to vector<128xf32>
    %broadcast_in_dim3A_46 = vector.shape_cast %reduce_sum3A_45 : vector<128xf32> to vector<1x128xf32>
    %div3A_47 = arith.constant 1.000000e+04 : f32
    %div3A_48 = vector.broadcast %div3A_47 : f32 to vector<1x128xf32>
    %div3A_49 = arith.divf %broadcast_in_dim3A_46, %div3A_48 : vector<1x128xf32>
    %sub3A_50 = vector.broadcast %div3A_42 : vector<1x128xf32> to vector<10000x128xf32>
    %sub3A_51 = arith.subf %add3A_38, %sub3A_50 : vector<10000x128xf32>
    %add3A_52 = arith.constant 1.000000e+00 : f32
    %add3A_53 = vector.broadcast %add3A_52 : f32 to vector<1x128xf32>
    %add3A_54 = arith.addf %div3A_49, %add3A_53 : vector<1x128xf32>
    %sqrt3A = math.sqrt %add3A_54 : vector<1x128xf32>
    %div3A_55 = vector.broadcast %sqrt3A : vector<1x128xf32> to vector<10000x128xf32>
    %div3A_56 = arith.divf %sub3A_51, %div3A_55 : vector<10000x128xf32>
    %get3A_57 = arith.constant 0 : index
    %get3A_58 = arith.constant 0 : index
    %get3A_59 = vector.load %arg10[%get3A_57, %get3A_58] : memref<1x128xf32, #tpu.memory_space<vmem>>, vector<1x128xf32>
    %mul3A = vector.broadcast %get3A_59 : vector<1x128xf32> to vector<10000x128xf32>
    %mul3A_60 = arith.mulf %div3A_56, %mul3A : vector<10000x128xf32>
    %get3A_61 = arith.constant 0 : index
    %get3A_62 = arith.constant 0 : index
    %get3A_63 = vector.load %arg11[%get3A_61, %get3A_62] : memref<1x128xf32, #tpu.memory_space<vmem>>, vector<1x128xf32>
    %add3A_64 = vector.broadcast %get3A_63 : vector<1x128xf32> to vector<10000x128xf32>
    %add3A_65 = arith.addf %mul3A_60, %add3A_64 : vector<10000x128xf32>
    %ge3A = arith.constant 0.000000e+00 : f32
    %ge3A_66 = vector.broadcast %ge3A : f32 to vector<10000x128xf32>
    %ge3A_67 = arith.cmpf oge, %add3A_65, %ge3A_66 : vector<10000x128xf32>
    %mul3A_68 = arith.constant 0.00999999977 : f32
    %mul3A_69 = vector.broadcast %mul3A_68 : f32 to vector<10000x128xf32>
    %mul3A_70 = arith.mulf %mul3A_69, %add3A_65 : vector<10000x128xf32>
    %select_n3A = arith.select %ge3A_67, %add3A_65, %mul3A_70 : vector<10000x128xi1>, vector<10000x128xf32>
    %get3A_71 = arith.constant 0 : index
    %get3A_72 = arith.constant 0 : index
    %get3A_73 = vector.load %arg12[%get3A_71, %get3A_72] : memref<128x16xf32, #tpu.memory_space<vmem>>, vector<128x16xf32>
    %dot_general3A_74 = arith.constant dense<0.000000e+00> : vector<10000x16xf32>
    %dot_general3A_75 = tpu.matmul %select_n3A, %get3A_73, %dot_general3A_74 {dimension_numbers = #tpu.dot_dimension_numbers<[1], [0], [0], [1], [0, 0, 1, 1], [], []>, transpose_lhs_hint = false} : vector<10000x128xf32>, vector<128x16xf32>, vector<10000x16xf32> -> vector<10000x16xf32>
    %get3A_76 = arith.constant 0 : index
    %get3A_77 = arith.constant 0 : index
    %get3A_78 = vector.load %arg13[%get3A_76, %get3A_77] : memref<1x16xf32, #tpu.memory_space<vmem>>, vector<1x16xf32>
    %add3A_79 = vector.broadcast %get3A_78 : vector<1x16xf32> to vector<10000x16xf32>
    %add3A_80 = arith.addf %dot_general3A_75, %add3A_79 : vector<10000x16xf32>
    %swap3A = arith.constant 0 : index
    %swap3A_81 = arith.constant 0 : index
    %swap3A_82 = vector.load %arg14[%swap3A, %swap3A_81] : memref<10000x16xf32, #tpu.memory_space<vmem>>, vector<10000x16xf32>
    tpu.vector_store %arg14[%swap3A, %swap3A_81], %add3A_80 {strides = array<i32>} : memref<10000x16xf32, #tpu.memory_space<vmem>>, vector<10000x16xf32>,
    return
  }
  func.func @transform_0(%arg0: i32) -> (i32, i32) {
    %c0_i32 = arith.constant 0 : i32
    %c0_i32_0 = arith.constant 0 : i32
    %c0_i32_1 = arith.constant 0 : i32
    return %c0_i32, %c0_i32_0 : i32, i32
  }
  func.func @transform_1(%arg0: i32) -> (i32, i32) {
    %c0_i32 = arith.constant 0 : i32
    %c0_i32_0 = arith.constant 0 : i32
    %c0_i32_1 = arith.constant 0 : i32
    return %c0_i32, %c0_i32_0 : i32, i32
  }
  func.func @transform_2(%arg0: i32) -> (i32, i32) {
    %c0_i32 = arith.constant 0 : i32
    %c0_i32_0 = arith.constant 0 : i32
    %c0_i32_1 = arith.constant 0 : i32
    return %c0_i32, %c0_i32_0 : i32, i32
  }
  func.func @transform_3(%arg0: i32) -> (i32, i32) {
    %c0_i32 = arith.constant 0 : i32
    %c0_i32_0 = arith.constant 0 : i32
    %c0_i32_1 = arith.constant 0 : i32
    return %c0_i32, %c0_i32_0 : i32, i32
  }
  func.func @transform_4(%arg0: i32) -> (i32, i32) {
    %c0_i32 = arith.constant 0 : i32
    %c0_i32_0 = arith.constant 0 : i32
    %c0_i32_1 = arith.constant 0 : i32
    return %c0_i32, %c0_i32_0 : i32, i32
  }
  func.func @transform_5(%arg0: i32) -> (i32, i32) {
    %c0_i32 = arith.constant 0 : i32
    %c0_i32_0 = arith.constant 0 : i32
    %c0_i32_1 = arith.constant 0 : i32
    return %c0_i32, %c0_i32_0 : i32, i32
  }
  func.func @transform_6(%arg0: i32) -> (i32, i32) {
    %c0_i32 = arith.constant 0 : i32
    %c0_i32_0 = arith.constant 0 : i32
    %c0_i32_1 = arith.constant 0 : i32
    return %c0_i32, %c0_i32_0 : i32, i32
  }
  func.func @transform_7(%arg0: i32) -> (i32, i32) {
    %c0_i32 = arith.constant 0 : i32
    %c0_i32_0 = arith.constant 0 : i32
    %c0_i32_1 = arith.constant 0 : i32
    return %c0_i32, %c0_i32_0 : i32, i32
  }
  func.func @transform_8(%arg0: i32) -> (i32, i32) {
    %c0_i32 = arith.constant 0 : i32
    %c0_i32_0 = arith.constant 0 : i32
    %c0_i32_1 = arith.constant 0 : i32
    return %c0_i32, %c0_i32_0 : i32, i32
  }
  func.func @transform_9(%arg0: i32) -> (i32, i32) {
    %c0_i32 = arith.constant 0 : i32
    %c0_i32_0 = arith.constant 0 : i32
    %c0_i32_1 = arith.constant 0 : i32
    return %c0_i32, %c0_i32_0 : i32, i32
  }
  func.func @transform_10(%arg0: i32) -> (i32, i32) {
    %c0_i32 = arith.constant 0 : i32
    %c0_i32_0 = arith.constant 0 : i32
    %c0_i32_1 = arith.constant 0 : i32
    return %c0_i32, %c0_i32_0 : i32, i32
  }
  func.func @transform_11(%arg0: i32) -> (i32, i32) {
    %c0_i32 = arith.constant 0 : i32
    %c0_i32_0 = arith.constant 0 : i32
    %c0_i32_1 = arith.constant 0 : i32
    return %c0_i32, %c0_i32_0 : i32, i32
  }
  func.func @transform_12(%arg0: i32) -> (i32, i32) {
    %c0_i32 = arith.constant 0 : i32
    %c0_i32_0 = arith.constant 0 : i32
    %c0_i32_1 = arith.constant 0 : i32
    return %c0_i32, %c0_i32_0 : i32, i32
  }
  func.func @transform_13(%arg0: i32) -> (i32, i32) {
    %c0_i32 = arith.constant 0 : i32
    %c0_i32_0 = arith.constant 0 : i32
    %c0_i32_1 = arith.constant 0 : i32
    return %c0_i32, %c0_i32_0 : i32, i32
  }
}

module attributes {stable_mosaic.version = 14 : i64} {
  func.func @_tc_body(%arg0: i32, %arg1: memref<10000x128xf32, #tpu.memory_space<vmem>>, %arg2: memref<10000x128xf32, #tpu.memory_space<vmem>>, %arg3: memref<10000x128xf32, #tpu.memory_space<vmem>>, %arg4: memref<128x128xf32, #tpu.memory_space<vmem>>, %arg5: memref<1x128xf32, #tpu.memory_space<vmem>>, %arg6: memref<128x128xf32, #tpu.memory_space<vmem>>, %arg7: memref<1x128xf32, #tpu.memory_space<vmem>>, %arg8: memref<256x128xf32, #tpu.memory_space<vmem>>, %arg9: memref<1x128xf32, #tpu.memory_space<vmem>>, %arg10: memref<1x128xf32, #tpu.memory_space<vmem>>, %arg11: memref<1x128xf32, #tpu.memory_space<vmem>>, %arg12: memref<128x16xf32, #tpu.memory_space<vmem>>, %arg13: memref<1x16xf32, #tpu.memory_space<vmem>>, %arg14: memref<10000x16xf32, #tpu.memory_space<vmem>>) attributes {dimension_semantics = [#tpu.dimension_semantics<arbitrary>], iteration_bounds = array<i64: 1>, scalar_prefetch = 0 : i64, scratch_operands = 0 : i64, tpu.core_type = #tpu.core_type<tc>, window_params = [{pipeline_mode = #tpu.pipeline_mode<synchronous>, transform_indices = @transform_0, window_bounds = array<i64: 10000, 128>}, {transform_indices = @transform_1, window_bounds = array<i64: 10000, 128>}, {transform_indices = @transform_2, window_bounds = array<i64: 10000, 128>}, {pipeline_mode = #tpu.pipeline_mode<synchronous>, transform_indices = @transform_3, window_bounds = array<i64: 128, 128>}, {pipeline_mode = #tpu.pipeline_mode<synchronous>, transform_indices = @transform_4, window_bounds = array<i64: 1, 128>}, {pipeline_mode = #tpu.pipeline_mode<synchronous>, transform_indices = @transform_5, window_bounds = array<i64: 128, 128>}, {pipeline_mode = #tpu.pipeline_mode<synchronous>, transform_indices = @transform_6, window_bounds = array<i64: 1, 128>}, {pipeline_mode = #tpu.pipeline_mode<synchronous>, transform_indices = @transform_7, window_bounds = array<i64: 256, 128>}, {pipeline_mode = #tpu.pipeline_mode<synchronous>, transform_indices = @transform_8, window_bounds = array<i64: 1, 128>}, {pipeline_mode = #tpu.pipeline_mode<synchronous>, transform_indices = @transform_9, window_bounds = array<i64: 1, 128>}, {pipeline_mode = #tpu.pipeline_mode<synchronous>, transform_indices = @transform_10, window_bounds = array<i64: 1, 128>}, {pipeline_mode = #tpu.pipeline_mode<synchronous>, transform_indices = @transform_11, window_bounds = array<i64: 128, 16>}, {pipeline_mode = #tpu.pipeline_mode<synchronous>, transform_indices = @transform_12, window_bounds = array<i64: 1, 16>}, {pipeline_mode = #tpu.pipeline_mode<synchronous>, transform_indices = @transform_13, window_bounds = array<i64: 10000, 16>}]} {
    %get3A = arith.constant 0 : index
    %get3A_0 = arith.constant 0 : index
    %get3A_1 = vector.load %arg3[%get3A, %get3A_0] : memref<10000x128xf32, #tpu.memory_space<vmem>>, vector<10000x1xf32>
    %max3A = arith.constant 1.000000e+00 : f32
    %max3A_2 = vector.broadcast %max3A : f32 to vector<10000x1xf32>
    %max3A_3 = arith.maximumf %get3A_1, %max3A_2 : vector<10000x1xf32>
    %get3A_4 = arith.constant 0 : index
    %get3A_5 = arith.constant 0 : index
    %get3A_6 = vector.load %arg2[%get3A_4, %get3A_5] : memref<10000x128xf32, #tpu.memory_space<vmem>>, vector<10000x128xf32>
    %div3A = vector.broadcast %max3A_3 : vector<10000x1xf32> to vector<10000x128xf32>
    %div3A_7 = arith.divf %get3A_6, %div3A : vector<10000x128xf32>
    %get3A_8 = arith.constant 0 : index
    %get3A_9 = arith.constant 0 : index
    %get3A_10 = vector.load %arg1[%get3A_8, %get3A_9] : memref<10000x128xf32, #tpu.memory_space<vmem>>, vector<10000x128xf32>
    %get3A_11 = arith.constant 0 : index
    %get3A_12 = arith.constant 0 : index
    %get3A_13 = vector.load %arg6[%get3A_11, %get3A_12] : memref<128x128xf32, #tpu.memory_space<vmem>>, vector<128x128xf32>
    %dot_general3A = arith.constant dense<0.000000e+00> : vector<10000x128xf32>
    %dot_general3A_14 = tpu.matmul %get3A_10, %get3A_13, %dot_general3A {dimension_numbers = #tpu.dot_dimension_numbers<[1], [0], [0], [1], [0, 0, 1, 1], [], []>, transpose_lhs_hint = false} : vector<10000x128xf32>, vector<128x128xf32>, vector<10000x128xf32> -> vector<10000x128xf32>
    %get3A_15 = arith.constant 0 : index
    %get3A_16 = arith.constant 0 : index
    %get3A_17 = vector.load %arg7[%get3A_15, %get3A_16] : memref<1x128xf32, #tpu.memory_space<vmem>>, vector<1x128xf32>
    %add3A = vector.broadcast %get3A_17 : vector<1x128xf32> to vector<10000x128xf32>
    %add3A_18 = arith.addf %dot_general3A_14, %add3A : vector<10000x128xf32>
    %get3A_19 = arith.constant 0 : index
    %get3A_20 = arith.constant 0 : index
    %get3A_21 = vector.load %arg4[%get3A_19, %get3A_20] : memref<128x128xf32, #tpu.memory_space<vmem>>, vector<128x128xf32>
    %dot_general3A_22 = arith.constant dense<0.000000e+00> : vector<10000x128xf32>
    %dot_general3A_23 = tpu.matmul %div3A_7, %get3A_21, %dot_general3A_22 {dimension_numbers = #tpu.dot_dimension_numbers<[1], [0], [0], [1], [0, 0, 1, 1], [], []>, transpose_lhs_hint = false} : vector<10000x128xf32>, vector<128x128xf32>, vector<10000x128xf32> -> vector<10000x128xf32>
    %get3A_24 = arith.constant 0 : index
    %get3A_25 = arith.constant 0 : index
    %get3A_26 = vector.load %arg5[%get3A_24, %get3A_25] : memref<1x128xf32, #tpu.memory_space<vmem>>, vector<1x128xf32>
    %add3A_27 = vector.broadcast %get3A_26 : vector<1x128xf32> to vector<10000x128xf32>
    %add3A_28 = arith.addf %dot_general3A_23, %add3A_27 : vector<10000x128xf32>
    %concatenate3A = tpu.concatenate %add3A_18, %add3A_28 in 1 : vector<10000x128xf32>, vector<10000x128xf32> -> vector<10000x256xf32>
    %get3A_29 = arith.constant 0 : index
    %get3A_30 = arith.constant 0 : index
    %get3A_31 = vector.load %arg8[%get3A_29, %get3A_30] : memref<256x128xf32, #tpu.memory_space<vmem>>, vector<256x128xf32>
    %dot_general3A_32 = arith.constant dense<0.000000e+00> : vector<10000x128xf32>
    %dot_general3A_33 = tpu.matmul %concatenate3A, %get3A_31, %dot_general3A_32 {dimension_numbers = #tpu.dot_dimension_numbers<[1], [0], [0], [1], [0, 0, 1, 1], [], []>, transpose_lhs_hint = false} : vector<10000x256xf32>, vector<256x128xf32>, vector<10000x128xf32> -> vector<10000x128xf32>
    %get3A_34 = arith.constant 0 : index
    %get3A_35 = arith.constant 0 : index
    %get3A_36 = vector.load %arg9[%get3A_34, %get3A_35] : memref<1x128xf32, #tpu.memory_space<vmem>>, vector<1x128xf32>
    %add3A_37 = vector.broadcast %get3A_36 : vector<1x128xf32> to vector<10000x128xf32>
    %add3A_38 = arith.addf %dot_general3A_33, %add3A_37 : vector<10000x128xf32>
    %reduce_sum3A = arith.constant dense<0.000000e+00> : vector<128xf32>
    %reduce_sum3A_39 = vector.multi_reduction <add>, %add3A_38, %reduce_sum3A [0] : vector<10000x128xf32> to vector<128xf32>
    %broadcast_in_dim3A = vector.shape_cast %reduce_sum3A_39 : vector<128xf32> to vector<1x128xf32>
    %div3A_40 = arith.constant 1.000000e+04 : f32
    %div3A_41 = vector.broadcast %div3A_40 : f32 to vector<1x128xf32>
    %div3A_42 = arith.divf %broadcast_in_dim3A, %div3A_41 : vector<1x128xf32>
    %sub3A = vector.broadcast %div3A_42 : vector<1x128xf32> to vector<10000x128xf32>
    %sub3A_43 = arith.subf %add3A_38, %sub3A : vector<10000x128xf32>
    %integer_pow3A = arith.mulf %sub3A_43, %sub3A_43 : vector<10000x128xf32>
    %reduce_sum3A_44 = arith.constant dense<0.000000e+00> : vector<128xf32>
    %reduce_sum3A_45 = vector.multi_reduction <add>, %integer_pow3A, %reduce_sum3A_44 [0] : vector<10000x128xf32> to vector<128xf32>
    %broadcast_in_dim3A_46 = vector.shape_cast %reduce_sum3A_45 : vector<128xf32> to vector<1x128xf32>
    %div3A_47 = arith.constant 1.000000e+04 : f32
    %div3A_48 = vector.broadcast %div3A_47 : f32 to vector<1x128xf32>
    %div3A_49 = arith.divf %broadcast_in_dim3A_46, %div3A_48 : vector<1x128xf32>
    %sub3A_50 = vector.broadcast %div3A_42 : vector<1x128xf32> to vector<10000x128xf32>
    %sub3A_51 = arith.subf %add3A_38, %sub3A_50 : vector<10000x128xf32>
    %add3A_52 = arith.constant 1.000000e+00 : f32
    %add3A_53 = vector.broadcast %add3A_52 : f32 to vector<1x128xf32>
    %add3A_54 = arith.addf %div3A_49, %add3A_53 : vector<1x128xf32>
    %sqrt3A = math.sqrt %add3A_54 : vector<1x128xf32>
    %div3A_55 = vector.broadcast %sqrt3A : vector<1x128xf32> to vector<10000x128xf32>
    %div3A_56 = arith.divf %sub3A_51, %div3A_55 : vector<10000x128xf32>
    %get3A_57 = arith.constant 0 : index
    %get3A_58 = arith.constant 0 : index
    %get3A_59 = vector.load %arg10[%get3A_57, %get3A_58] : memref<1x128xf32, #tpu.memory_space<vmem>>, vector<1x128xf32>
    %mul3A = vector.broadcast %get3A_59 : vector<1x128xf32> to vector<10000x128xf32>
    %mul3A_60 = arith.mulf %div3A_56, %mul3A : vector<10000x128xf32>
    %get3A_61 = arith.constant 0 : index
    %get3A_62 = arith.constant 0 : index
    %get3A_63 = vector.load %arg11[%get3A_61, %get3A_62] : memref<1x128xf32, #tpu.memory_space<vmem>>, vector<1x128xf32>
    %add3A_64 = vector.broadcast %get3A_63 : vector<1x128xf32> to vector<10000x128xf32>
    %add3A_65 = arith.addf %mul3A_60, %add3A_64 : vector<10000x128xf32>
    %ge3A = arith.constant 0.000000e+00 : f32
    %ge3A_66 = vector.broadcast %ge3A : f32 to vector<10000x128xf32>
    %ge3A_67 = arith.cmpf oge, %add3A_65, %ge3A_66 : vector<10000x128xf32>
    %mul3A_68 = arith.constant 0.00999999977 : f32
    %mul3A_69 = vector.broadcast %mul3A_68 : f32 to vector<10000x128xf32>
    %mul3A_70 = arith.mulf %mul3A_69, %add3A_65 : vector<10000x128xf32>
    %select_n3A = arith.select %ge3A_67, %add3A_65, %mul3A_70 : vector<10000x128xi1>, vector<10000x128xf32>
    %get3A_71 = arith.constant 0 : index
    %get3A_72 = arith.constant 0 : index
    %get3A_73 = vector.load %arg12[%get3A_71, %get3A_72] : memref<128x16xf32, #tpu.memory_space<vmem>>, vector<128x16xf32>
    %dot_general3A_74 = arith.constant dense<0.000000e+00> : vector<10000x16xf32>
    %dot_general3A_75 = tpu.matmul %select_n3A, %get3A_73, %dot_general3A_74 {dimension_numbers = #tpu.dot_dimension_numbers<[1], [0], [0], [1], [0, 0, 1, 1], [], []>, transpose_lhs_hint = false} : vector<10000x128xf32>, vector<128x16xf32>, vector<10000x16xf32> -> vector<10000x16xf32>
    %get3A_76 = arith.constant 0 : index
    %get3A_77 = arith.constant 0 : index
    %get3A_78 = vector.load %arg13[%get3A_76, %get3A_77] : memref<1x16xf32, #tpu.memory_space<vmem>>, vector<1x16xf32>
    %add3A_79 = vector.broadcast %get3A_78 : vector<1x16xf32> to vector<10000x16xf32>
    %add3A_80 = arith.addf %dot_general3A_75, %add3A_79 : vector<10000x16xf32>
    %swap3A = arith.constant 0 : index
    %swap3A_81 = arith.constant 0 : index
    %swap3A_82 = vector.load %arg14[%swap3A, %swap3A_81] : memref<10000x16xf32, #tpu.memory_space<vmem>>, vector<10000x16xf32>
    tpu.vector_store %arg14[%swap3A, %swap3A_81], %add3A_80 {strides = array<i32>} : memref<10000x16xf32, #tpu.memory_space<vmem>>, vector<10000x16xf32>,
    return
  }
  func.func @transform_0(%arg0: i32) -> (i32, i32) {
    %c0_i32 = arith.constant 0 : i32
    %c0_i32_0 = arith.constant 0 : i32
    %c0_i32_1 = arith.constant 0 : i32
    return %c0_i32, %c0_i32_0 : i32, i32
  }
  func.func @transform_1(%arg0: i32) -> (i32, i32) {
    %c1_i32 = arith.constant 1 : i32
    %c0_i32 = arith.constant 0 : i32
    %c0_i32_0 = arith.constant 0 : i32
    return %c1_i32, %c0_i32 : i32, i32
  }
  func.func @transform_2(%arg0: i32) -> (i32, i32) {
    %c1_i32 = arith.constant 1 : i32
    %c0_i32 = arith.constant 0 : i32
    %c0_i32_0 = arith.constant 0 : i32
    return %c1_i32, %c0_i32 : i32, i32
  }
  func.func @transform_3(%arg0: i32) -> (i32, i32) {
    %c0_i32 = arith.constant 0 : i32
    %c0_i32_0 = arith.constant 0 : i32
    %c0_i32_1 = arith.constant 0 : i32
    return %c0_i32, %c0_i32_0 : i32, i32
  }
  func.func @transform_4(%arg0: i32) -> (i32, i32) {
    %c0_i32 = arith.constant 0 : i32
    %c0_i32_0 = arith.constant 0 : i32
    %c0_i32_1 = arith.constant 0 : i32
    return %c0_i32, %c0_i32_0 : i32, i32
  }
  func.func @transform_5(%arg0: i32) -> (i32, i32) {
    %c0_i32 = arith.constant 0 : i32
    %c0_i32_0 = arith.constant 0 : i32
    %c0_i32_1 = arith.constant 0 : i32
    return %c0_i32, %c0_i32_0 : i32, i32
  }
  func.func @transform_6(%arg0: i32) -> (i32, i32) {
    %c0_i32 = arith.constant 0 : i32
    %c0_i32_0 = arith.constant 0 : i32
    %c0_i32_1 = arith.constant 0 : i32
    return %c0_i32, %c0_i32_0 : i32, i32
  }
  func.func @transform_7(%arg0: i32) -> (i32, i32) {
    %c0_i32 = arith.constant 0 : i32
    %c0_i32_0 = arith.constant 0 : i32
    %c0_i32_1 = arith.constant 0 : i32
    return %c0_i32, %c0_i32_0 : i32, i32
  }
  func.func @transform_8(%arg0: i32) -> (i32, i32) {
    %c0_i32 = arith.constant 0 : i32
    %c0_i32_0 = arith.constant 0 : i32
    %c0_i32_1 = arith.constant 0 : i32
    return %c0_i32, %c0_i32_0 : i32, i32
  }
  func.func @transform_9(%arg0: i32) -> (i32, i32) {
    %c0_i32 = arith.constant 0 : i32
    %c0_i32_0 = arith.constant 0 : i32
    %c0_i32_1 = arith.constant 0 : i32
    return %c0_i32, %c0_i32_0 : i32, i32
  }
  func.func @transform_10(%arg0: i32) -> (i32, i32) {
    %c0_i32 = arith.constant 0 : i32
    %c0_i32_0 = arith.constant 0 : i32
    %c0_i32_1 = arith.constant 0 : i32
    return %c0_i32, %c0_i32_0 : i32, i32
  }
  func.func @transform_11(%arg0: i32) -> (i32, i32) {
    %c0_i32 = arith.constant 0 : i32
    %c0_i32_0 = arith.constant 0 : i32
    %c0_i32_1 = arith.constant 0 : i32
    return %c0_i32, %c0_i32_0 : i32, i32
  }
  func.func @transform_12(%arg0: i32) -> (i32, i32) {
    %c0_i32 = arith.constant 0 : i32
    %c0_i32_0 = arith.constant 0 : i32
    %c0_i32_1 = arith.constant 0 : i32
    return %c0_i32, %c0_i32_0 : i32, i32
  }
  func.func @transform_13(%arg0: i32) -> (i32, i32) {
    %c0_i32 = arith.constant 0 : i32
    %c0_i32_0 = arith.constant 0 : i32
    %c0_i32_1 = arith.constant 0 : i32
    return %c0_i32, %c0_i32_0 : i32, i32
  }
}

</mosaic_0001>

<sc_bundles>
// kernel: kernel.12.cloned.1.call-start
scs
__scs_entry_jumppad:
0x0: {  	(pc) =	sbr.rel $0x88, $3  }
0x1: {  	(tag) =	ssettag $0x0;
	lr =	simm.s32 $0x1  }
0x2: {  	[smem:$0x3F79] =	sst lr;
	_ =	strace $0xD0000000  }
0x3: {  	_ = 	snop  }
0x4: {  	_ = 	snop  }
0x5: {  	_ = 	snop  }
0x6: {  	_ = 	snop  }
0x7: {  	_ = 	snop  }
__scs_overlays_trampoline_lowered:
0x8: {  	[smem:$0x3F88] =	sst s0  }
0x9: {  	[smem:$0x3F89] =	sst s1  }
0xa: {  	[smem:$0x3F8A] =	sst s2  }
0xb: {  	[smem:$0x3F8B] =	sst s3  }
0xc: {  	[smem:$0x3F8C] =	sst s4  }
0xd: {  	[smem:$0x3F8D] =	sst s5  }
0xe: {  	[smem:$0x3F8E] =	sst s6  }
0xf: {  	[smem:$0x3F8F] =	sst s7  }
0x10: {  	[smem:$0x3F90] =	sst s8  }
0x11: {  	[smem:$0x3F91] =	sst s9;
	s0 =	simm.s32 @!p0 $0x0  }
0x12: {  	s1 =	sld [smem:$0x3F77];
	s0 =	simm.s32 @p0 $0x1  }
0x13: {  	[smem:$0x3F92] =	sst s0;
	s0 =	simm.s32 @!p1 $0x0  }
0x14: {  	s2 =	sld [smem:$0x3F76];
	s0 =	simm.s32 @p1 $0x1  }
0x15: {  	[smem:$0x3F93] =	sst s0;
	s0 =	simm.s32 @!p2 $0x0  }
0x16: {  	s3 =	sld [smem:$0x3FDB];
	s0 =	simm.s32 @p2 $0x1  }
0x17: {  	s4 =	simm.s32 $0x1BF5;
	[smem:$0x3F95] =	sst s0  }
0x18: {  	s0 =	sld [smem:$0x3F78];
	_ =	swait.ge [sflag:s4], $0x0  }
0x19: {  	s7 =	sld [smem:$0x3F79]  }
0x1a: {  	s8 =	sadd.s32 $0xFFFFE003, lr  }
0x1b: {  	s9 =	sadd.s32 $0xFFFFFEF7, lr;
	s5 =	simm.s32 $0xFFFFFFFF;
	p2 =	slt.u32 s8, $0xFFFFF086  }
0x1c: {  	p1 =	slt.u32 s9, $0xF7A;
	s5 =	simm.s32 @!p2 $0x0  }
0x1d: {  	s5 =	simm.s32 @p1 $0x1;
	p0 =	seq.s32 s7, s2  }
0x1e: {  	s7 =	smul.u32 @!p0 $0xF7A, s2;
	p2 =	seq.s32 @!p0 s5, $0x0  }
0x1f: {  	s9 =	smul.u32 $0xF7A, s1;
	s8 =	simm.s32 @!p0 $0x1BF5;
	p2 =	por !p2, p0  }
0x20: {  	[sflag:s8] =	ssyncset.s32 @!p0 $0xFFFFF086;
	s6 =	sadd.s32 @!p0 s3, s7;
	s7 =	simm.s32 @!p0 $0x108  }
0x21: {  	s3 =	sadd.s32 s3, s9;
	s6 =	sadd.s32 @!p0 $0x88, s6;
	s7 =	simm.s32 @p2 $0x1082  }
0x22: {  	[simem:s7], [sflag:s8] =	dma.local @!p0 [hbm:s6], $0xF7A  }
0x23: {  	s9 =	sor.u32 $0xD0000000, s2;
	s6 =	simm.s32 $0x108;
	_ =	swait.ge @!p0 [sflag:s8], $0x0  }
0x24: {  	s3 =	sadd.s32 $0x88, s3;
	s6 =	simm.s32 @!p1 $0x1082;
	[sflag:s4] =	ssyncset.s32 $0xFFFFF086  }
0x25: {  	[simem:s6], [sflag:s4] =	dma.local [hbm:s3], $0xF7A  }
0x26: {  	[smem:$0x3F79] =	sst s1;
	(tag) =	ssettag s2;
	_ =	strace s9  }
0x27: {  	s1 =	sld [smem:$0x3F89]  }
0x28: {  	s2 =	sld [smem:$0x3F8A]  }
0x29: {  	s4 =	sld [smem:$0x3F8C]  }
0x2a: {  	p0 =	seq.s32 s5, $0x0;
	s5 =	sld [smem:$0x3F8D]  }
0x2b: {  	s6 =	sld [smem:$0x3F8E]  }
0x2c: {  	s7 =	sld [smem:$0x3F8F]  }
0x2d: {  	s3 =	simm.s32 $0x108;
	s8 =	sld [smem:$0x3F90]  }
0x2e: {  	s3 =	simm.s32 @!p0 $0x1082;
	s9 =	sld [smem:$0x3F91]  }
0x2f: {  	lr =	sadd.s32 s0, s3;
	s0 =	sld [smem:$0x3F88]  }
0x30: {  	s3 =	sld [smem:$0x3F8B]  }
0x31: {  	[smem:$0x3F94] =	sst s10  }
0x32: {  	s10 =	sld [smem:$0x3F92];
	_ =	sdelay $0x3  }
0x33: {  	p0 =	seq.s32 s10, $0x1;
	s10 =	sld [smem:$0x3F94];
	_ =	sdelay $0x3  }
0x34: {  	[smem:$0x3F94] =	sst s10  }
0x35: {  	s10 =	sld [smem:$0x3F93];
	_ =	sdelay $0x3  }
0x36: {  	p1 =	seq.s32 s10, $0x1;
	s10 =	sld [smem:$0x3F94];
	_ =	sdelay $0x3  }
0x37: {  	[smem:$0x3F94] =	sst s10  }
0x38: {  	s10 =	sld [smem:$0x3F95]  }
0x39: {  	_ = 	snop;
	(pc) =	sbr.ind lr, $3  }
0x3a: {  	_ = 	snop  }
0x3b: {  	_ = 	snop  }
0x3c: {  	p2 =	seq.s32 s10, $0x1;
	s10 =	sld [smem:$0x3F94]  }
0x3d: {  	_ =	shalt  }
0x3e: {  	_ =	shalt  }
0x3f: {  	_ =	shalt  }
0x40: {  	_ =	shalt  }
0x41: {  	_ =	shalt  }
0x42: {  	_ =	shalt  }
0x43: {  	_ =	shalt  }
0x44: {  	_ =	shalt  }
0x45: {  	_ =	shalt  }
0x46: {  	_ =	shalt  }
0x47: {  	_ =	shalt  }
0x48: {  	_ =	shalt  }
0x49: {  	_ =	shalt  }
0x4a: {  	_ =	shalt  }
0x4b: {  	_ =	shalt  }
0x4c: {  	_ =	shalt  }
0x4d: {  	_ =	shalt  }
0x4e: {  	_ =	shalt  }
0x4f: {  	_ =	shalt  }
0x50: {  	_ =	shalt  }
0x51: {  	_ =	shalt  }
0x52: {  	_ =	shalt  }
0x53: {  	_ =	shalt  }
0x54: {  	_ =	shalt  }
0x55: {  	_ =	shalt  }
0x56: {  	_ =	shalt  }
0x57: {  	_ =	shalt  }
0x58: {  	_ =	shalt  }
0x59: {  	_ =	shalt  }
0x5a: {  	_ =	shalt  }
0x5b: {  	_ =	shalt  }
0x5c: {  	_ =	shalt  }
0x5d: {  	_ =	shalt  }
0x5e: {  	_ =	shalt  }
0x5f: {  	_ =	shalt  }
0x60: {  	_ =	shalt  }
0x61: {  	_ =	shalt  }
0x62: {  	_ =	shalt  }
0x63: {  	_ =	shalt  }
0x64: {  	_ =	shalt  }
0x65: {  	_ =	shalt  }
0x66: {  	_ =	shalt  }
0x67: {  	_ =	shalt  }
0x68: {  	_ =	shalt  }
0x69: {  	_ =	shalt  }
0x6a: {  	_ =	shalt  }
0x6b: {  	_ =	shalt  }
0x6c: {  	_ =	shalt  }
0x6d: {  	_ =	shalt  }
0x6e: {  	_ =	shalt  }
0x6f: {  	_ =	shalt  }
0x70: {  	_ =	shalt  }
0x71: {  	_ =	shalt  }
0x72: {  	_ =	shalt  }
0x73: {  	_ =	shalt  }
0x74: {  	_ =	shalt  }
0x75: {  	_ =	shalt  }
0x76: {  	_ =	shalt  }
0x77: {  	_ =	shalt  }
0x78: {  	_ =	shalt  }
0x79: {  	_ =	shalt  }
0x7a: {  	_ =	shalt  }
0x7b: {  	_ =	shalt  }
0x7c: {  	_ =	shalt  }
0x7d: {  	_ =	shalt  }
0x7e: {  	_ =	shalt  }
0x7f: {  	_ =	shalt  }
0x80: {  	_ =	shalt  }
0x81: {  	_ =	shalt  }
0x82: {  	_ =	shalt  }
0x83: {  	_ =	shalt  }
0x84: {  	_ =	shalt  }
0x85: {  	_ =	shalt  }
0x86: {  	_ =	shalt  }
0x87: {  	_ =	shalt  }
.Lfunc_end0:
.L_simem_size_0:
called_computation.1_lowered:
.L_overlay_start_0:
0x88: {  	s2 =	sld [smem:$0x3FD9]  }
0x89: {  	s3 =	sld [smem:$0x3FFE];
	_ =	sdelay $0x1  }
0x8a: {  	s1 =	srdreg.scid  }
0x8b: {  	s0 =	sand.u32 $0x1, s1  }
0x8c: {  	s15 =	sshll.u32 s0, $0xA;
	s2 =	sadd.s32 s3, s2  }
0x8d: {  	s2 =	sadd.s32 s2, s15  }
0x8e: {  	[smem:$0x3FA0] =	sst s2  }
0x8f: {  	_ = 	snop  }
0x90: {  	s2 =	sld [smem:$0x3FD0];
	_ =	sdelay $0x2  }
0x91: {  	s16 =	simm.s32 $0xB;
	s4 =	simm.s32 $0x10  }
0x92: {  	[smem:s4], [sflag:s16] =	dma.local [hbm:s2], $0x1  }
0x93: {  	_ =	swait.eq [sflag:s16], $0x1  }
0x94: {  	[sflag:s16] =	ssyncset.done $0x0  }
0x95: {  	[sflag:s16] =	ssyncadd.s32 $0xFFFFFFFF  }
0x96: {  	s17 =	sld [smem:$0x11];
	(tm) =	ssettm $0x1  }
0x97: {  	s18 =	sld [smem:$0x3FFB];
	_ =	sdelay $0x3  }
0x98: {  	_ =	strace s18  }
0x99: {  	s2 =	sld [smem:$0x3FFC];
	_ =	sdelay $0x3  }
0x9a: {  	_ =	strace s2  }
0x9b: {  	s2 =	sld [smem:$0x3FFD];
	_ =	sdelay $0x3  }
0x9c: {  	_ =	strace s2  }
0x9d: {  	_ =	strace $0x8FFFFFFF  }
0x9e: {  	s19 =	sld [smem:$0x3FDB];
	_ =	sdelay $0x1  }
0x9f: {  	s20 =	simm.s32 $_scs_section_size  }
0xa0: {  	s5 =	simm.s32 $_size__tile_overlayer_lowered;
	s6 =	simm.s32 $_tile_overlayer_lowered  }
0xa1: {  	s7 =	simm.s32 $0x1BFF;
	s21 =	sshll.u32 s6, $0x1;
	s4 =	sadd.s32 s20, s19  }
0xa2: {  	s22 =	simm.s32 $0x0;
	s5 =	sshll.u32 s5, $0x1;
	s6 =	sadd.s32 s21, s4  }
0xa3: {  	[timem:s22], [sflag:s7] =	dma.local [hbm:s6], s5  }
0xa4: {  	_ =	swait.ge [sflag:s7], s5  }
0xa5: {  	s5 =	ssub.s32 $0x0, s5;
	[sflag:s7] =	ssyncset.done $0x0  }
0xa6: {  	[sflag:s7] =	ssyncadd.s32 s5;
	_ =	sdelay $0x1  }
0xa7: {  	s23 =	simm.s32 $0x1B8B  }
0xa8: {  	_ =	swait.ge [sflag:s23], $0x1  }
0xa9: {  	[sflag:s23] =	ssyncset.done $0x0  }
0xaa: {  	[sflag:s23] =	ssyncadd.s32 $0xFFFFFFFF  }
0xab: {  	s5 =	sld [smem:$0x0]  }
0xac: {  	s6 =	sand.u32 $0xFFFFFFFE, s1  }
0xad: {  	p0 =	sne.s32 s1, s6  }
0xae: {  	s6 =	sshll.u32 @p0 s6, $0xE  }
0xaf: {  	s6 =	sadd.s32 @p0 $0x11B8D, s6;
	s7 =	sshll.u32 @p0 s5, $0x11  }
0xb0: {  	s6 =	sor.u32 @p0 s7, s6  }
0xb1: {  	[sflag:s6] =	ssyncadd.remote.s32 @p0 $0x1;
	_ =	sdelay $0x1  }
0xb2: {  	s6 =	simm.s32 @p0 $0x1B8D  }
0xb3: {  	_ =	swait.eq @p0 [sflag:s6], $0x1  }
0xb4: {  	[sflag:s6] =	ssyncadd.s32 @p0 $0xFFFFFFFF  }
0xb5: {  	s7 =	sshll.u32 @!p0 s1, $0xE  }
0xb6: {  	s7 =	sor.u32 @!p0 $0x4000, s7;
	s6 =	simm.s32 @!p0 $0x1B8D  }
0xb7: {  	s5 =	sshll.u32 @!p0 s5, $0x11;
	s7 =	sadd.s32 @!p0 $0x11B8D, s7;
	_ =	swait.eq @!p0 [sflag:s6], $0x1  }
0xb8: {  	s5 =	sor.u32 @!p0 s5, s7;
	[sflag:s6] =	ssyncadd.s32 @!p0 $0xFFFFFFFF  }
0xb9: {  	s25 =	simm.s32 $0x1B8E;
	s24 =	sld [smem:$0x3FFE];
	[sflag:s5] =	ssyncadd.remote.s32 @!p0 $0x1  }
0xba: {  	s26 =	simm.s32 $execute0_lowered;
	[smem:$0x3FD2] =	sst s25  }
0xbb: {  	s6 =	sshll.u32 s26, $0x1;
	_ =	strace $0x80000049;
	[dreg:$0x1] =	wrdreg $0xFFFFFFFF  }
0xbc: {  	s28 =	simm.s32 $_size_execute0_lowered;
	s4 =	sadd.s32 s4, s6;
	[dreg:$0x0] =	wrdreg $0x0  }
0xbd: {  	s6 =	sshll.u32 s28, $0x1;
	[dreg:$0x2] =	wrdreg s4  }
0xbe: {  	[dreg:$0x3] =	wrdreg s6  }
0xbf: {  	[dreg:$0x4] =	wrdreg $0xC0  }
0xc0: {  	_ =	task [dreg:s22], $0x5FFFF  }
0xc1: {  	[dreg:$0x1] =	wrdreg $0xFFFFFFFF  }
0xc2: {  	[dreg:$0x0] =	wrdreg $0x60  }
0xc3: {  	[dreg:$0x2] =	wrdreg s24  }
0xc4: {  	[dreg:$0x3] =	wrdreg s17  }
0xc5: {  	[dreg:$0x4] =	wrdreg $0x49000  }
0xc6: {  	[dreg:$0x5] =	wrdreg $0xA  }
0xc7: {  	_ =	task.clear_ibuf [dreg:s22], $0x6FFFF;
	_ =	strace $0x90000049  }
0xc8: {  	s29 =	simm.s32 $0xA;
	_ =	strace $0x8000004B  }
0xc9: {  	_ =	swait.ge [sflag:s29], $0x1  }
0xca: {  	[sflag:s29] =	ssyncadd.s32 $0xFFFFFFFF  }
0xcb: {  	_ =	strace $0x9000004B  }
0xcc: {  	_ =	sfence  }
0xcd: {  	s30 =	sld [smem:$0x0];
	_ =	sdelay $0x2  }
0xce: {  	s31 =	sshll.u32 s1, $0xD;
	s1 =	sshrl.u32 s1, $0x2  }
0xcf: {  	s4 =	sand.u32 $0x4000, s31;
	s1 =	sadd.s32 s1, s30  }
0xd0: {  	s0 =	sor.u32 s4, s0;
	s1 =	sshll.u32 s1, $0x11  }
0xd1: {  	s0 =	sor.u32 s1, s0  }
0xd2: {  	s0 =	sadd.s32 $0x8F2B, s0  }
0xd3: {  	[sflag:s0] =	ssyncadd.remote.s32 $0x1  }
0xd4: {  	_ =	sfence.sel $0xFFFF  }
0xd5: {  	[dreg:$0x0] =	wrdreg $0xFFFFFFFF;
	(pc) =	sbr.abs _section_cstart, $3  }
0xd6: {  	[dreg:$0x1] =	wrdreg $0xFFFFFFFF  }
0xd7: {  	_ =	task.clear_ibuf [dreg:s22], $0x2FFFF;
	_ =	strace $0x9FFFFFFF  }
0xd8: {  	(tm) =	ssettm $0x7FFFFFFF  }
0xd9: {  	_ =	shalt  }
tec
execute0_lowered:
.L_overlay_start_1:
0x0: {  	(tag) =	ssettag $0x1  }
0x1: {  	s6 =	rddreg [dreg:$0x0]  }
0x2: {  	s2 =	rddreg [dreg:$0x1]  }
0x3: {  	s3 =	rddreg [dreg:$0x2]  }
0x4: {  	s0 =	rddreg [dreg:$0x3];
	s1 =	stileid.u32  }
0x5: {  	s5 =	srdreg.scid;
	s4 =	simm.s32 $0x0;
	s14 =	simm.s32 $0x80  }
0x6: {  	s15 =	simm.s32 $0x800;
	s16 =	simm.s32 $0x880;
	s17 =	simm.s32 $0x1  }
0x7: {  	s18 =	simm.s32 $0x2;
	s19 =	simm.s32 $0x0;
	s7 =	smul.u32 $0x280, s1  }
0x8: {  	s8 =	sand.u32 $0x1, s5;
	[smem:$0x7FF] =	sst s4;
	s31 =	smul.u32 $0x5000, s1  }
0x9: {  	s5 =	sadd.s32 $0x54800, s6;
	s30 =	sshll.u32 s1, $0x6;
	s9 =	smul.u32 $0x2710, s8  }
0xa: {  	_ =	strace $0x8000004A;
	s11 =	ssub.s32 $0x2, s8;
	s7 =	smin.u32 s7, $0x2490  }
0xb: {  	s8 =	smul.u32 $0x50000, s8;
	s12 =	sshrl.u32 s11, $0x1;
	s10 =	sshll.u32 s7, $0x4  }
0xc: {  	s9 =	sadd.s32 s9, s7;
	s11 =	ssub.s32 s11, s12;
	s29 =	sshll.u32 s7, $0x7  }
0xd: {  	s7 =	sor.u32 $0x1C03, s30;
	s8 =	sadd.s32 s31, s8;
	s12 =	simm.s32 $0x3  }
0xe: {  	s10 =	sadd.s32 s10, s6;
	s9 =	sshll.u32 s9, $0x4;
	s13 =	sadd.s32 s29, s3  }
0xf: {  	s9 =	sadd.s32 s9, s6;
	s6 =	sadd.s32 $0x7C800, s10;
	s10 =	smax.u32 s11, $0x1  }
0x10: {  	s11 =	sshrl.u32 s13, $0x3;
	s13 =	simm.s32 $0x900;
	s9 =	sadd.s32 $0xF1C00, s9  }
.LBB2_1:
0x11: {  	[spmem:s11], [sflag:s7] =	dma.local [hbm:s6], $0x2800  }
0x12: {  	_ =	swait.ge [sflag:s12], $0x2800  }
0x13: {  	[sflag:s12] =	ssyncset.done $0x0  }
0x14: {  	[sflag:s12] =	ssyncadd.s32 $0xFFFFD800  }
0x15: {  	[tilespmem:s13], [sflag:$0x3] =	stream.linear.gather [hbm4b:s2+s4], $0x4000, $0x38;
	[tilespmem:$0x181C0] =	vst v63  }
0x16: {  	_ =	swait.ge [sflag:s12], $0x4000  }
0x17: {  	[sflag:s12] =	ssyncset.done $0x0  }
0x18: {  	[sflag:s12] =	ssyncadd.s32 $0xFFFFC000  }
0x19: {  	s20 =	simm.s32 $0x0;
	[bflag:$0x0] =	sbarrier.arrive $0xFFFF  }
.LBB2_2:
0x1a: {  	s21 =	sshll.u32 s20, $0xB  }
0x1b: {  	s21 =	sadd.s32 s21, s8  }
0x1c: {  	s21 =	sshrl.u32 s21, $0x3  }
0x1d: {  	s22 =	simm.s32 $0x0;
	s21 =	sadd.s32 s5, s21  }
0x1e: {  	[tilespmem:s22], [sflag:$0x3] =	stream.linear.gather [hbm4b:s21+s22], $0x800, $0x38;
	[tilespmem:$0x181C0] =	vst v63  }
0x1f: {  	_ =	swait.ge [sflag:s12], $0x800  }
0x20: {  	[sflag:s12] =	ssyncset.done $0x0  }
0x21: {  	s31 =	simm.s32 $0x0;
	[sflag:s12] =	ssyncadd.s32 $0xFFFFF800  }
0x22: {  	v0 =	vld [tilespmem:s31+$0x0];
	_ =	sdelay $0x4  }
0x23: {  	[tilespmem:$0x800] =	vst v0  }
0x24: {  	v0 =	vld [tilespmem:s31+$0x80];
	_ =	sdelay $0x4  }
0x25: {  	[tilespmem:$0x880] =	vst v0  }
0x26: {  	v0 =	vld [tilespmem:s31+$0x10];
	_ =	sdelay $0x4  }
0x27: {  	[tilespmem:$0x810] =	vst v0  }
0x28: {  	v0 =	vld [tilespmem:s31+$0x90];
	_ =	sdelay $0x4  }
0x29: {  	[tilespmem:$0x890] =	vst v0  }
0x2a: {  	v0 =	vld [tilespmem:s31+$0x20];
	_ =	sdelay $0x4  }
0x2b: {  	[tilespmem:$0x820] =	vst v0  }
0x2c: {  	v0 =	vld [tilespmem:s31+$0xA0];
	_ =	sdelay $0x4  }
0x2d: {  	[tilespmem:$0x8A0] =	vst v0  }
0x2e: {  	v0 =	vld [tilespmem:s31+$0x30];
	_ =	sdelay $0x4  }
0x2f: {  	[tilespmem:$0x830] =	vst v0  }
0x30: {  	v0 =	vld [tilespmem:s31+$0xB0];
	_ =	sdelay $0x4  }
0x31: {  	[tilespmem:$0x8B0] =	vst v0  }
0x32: {  	v0 =	vld [tilespmem:s31+$0x40];
	_ =	sdelay $0x4  }
0x33: {  	[tilespmem:$0x840] =	vst v0  }
0x34: {  	v0 =	vld [tilespmem:s31+$0xC0];
	_ =	sdelay $0x4  }
0x35: {  	[tilespmem:$0x8C0] =	vst v0  }
0x36: {  	v0 =	vld [tilespmem:s31+$0x50];
	_ =	sdelay $0x4  }
0x37: {  	[tilespmem:$0x850] =	vst v0  }
0x38: {  	v0 =	vld [tilespmem:s31+$0xD0];
	_ =	sdelay $0x4  }
0x39: {  	[tilespmem:$0x8D0] =	vst v0  }
0x3a: {  	v0 =	vld [tilespmem:s31+$0x60];
	_ =	sdelay $0x4  }
0x3b: {  	[tilespmem:$0x860] =	vst v0  }
0x3c: {  	v0 =	vld [tilespmem:s31+$0xE0];
	_ =	sdelay $0x4  }
0x3d: {  	[tilespmem:$0x8E0] =	vst v0  }
0x3e: {  	v0 =	vld [tilespmem:s31+$0x70];
	_ =	sdelay $0x4  }
0x3f: {  	[tilespmem:$0x870] =	vst v0  }
0x40: {  	v0 =	vld [tilespmem:s31+$0xF0];
	_ =	sdelay $0x4  }
0x41: {  	[tilespmem:$0x8F0] =	vst v0  }
0x42: {  	[spmem:s3] =	stream.indirect.scatter.add.f32 [tilespmem:s13], [sflag:$0x1], $0x80, s15, s14, $0xb8;
	[tilespmem:$0x181C0] =	vst v63  }
0x43: {  	_ = 	snop  }
0x44: {  	[spmem:s3] =	stream.indirect.scatter.add.f32 [tilespmem:s13], [sflag:$0x2], $0x80, s16, s14, $0xb8;
	[tilespmem:$0x181C0] =	vst v63  }
0x45: {  	_ =	swait.ge [sflag:s17], $0x4000  }
0x46: {  	[sflag:s17] =	ssyncset.done $0x0  }
0x47: {  	[sflag:s17] =	ssyncadd.s32 $0xFFFFC000  }
0x48: {  	_ =	swait.ge [sflag:s18], $0x4000  }
0x49: {  	s24 =	simm.s32 $0x800;
	s21 =	simm.s32 $0x400;
	[sflag:s18] =	ssyncset.done $0x0  }
.LBB2_3:
0x4a: {  	s23 =	sshra.s32 s21, $0x2  }
0x4b: {  	[sflag:s18] =	ssyncadd.s32 $0xFFFFC000;
	s21 =	smov.u32 s24;
	s22 =	sadd.s32 $0x400, s24  }
0x4c: {  	p0 =	sne.s32 s24, $0x1C00;
	v0 =	vld [tilespmem:s23+$0x0];
	_ =	sdelay $0x4  }
0x4d: {  	[tilespmem:$0x800] =	vst v0  }
0x4e: {  	v0 =	vld [tilespmem:s23+$0x80];
	_ =	sdelay $0x4  }
0x4f: {  	[tilespmem:$0x880] =	vst v0  }
0x50: {  	v0 =	vld [tilespmem:s23+$0x10];
	_ =	sdelay $0x4  }
0x51: {  	[tilespmem:$0x810] =	vst v0  }
0x52: {  	v0 =	vld [tilespmem:s23+$0x90];
	_ =	sdelay $0x4  }
0x53: {  	[tilespmem:$0x890] =	vst v0  }
0x54: {  	v0 =	vld [tilespmem:s23+$0x20];
	_ =	sdelay $0x4  }
0x55: {  	[tilespmem:$0x820] =	vst v0  }
0x56: {  	v0 =	vld [tilespmem:s23+$0xA0];
	_ =	sdelay $0x4  }
0x57: {  	[tilespmem:$0x8A0] =	vst v0  }
0x58: {  	v0 =	vld [tilespmem:s23+$0x30];
	_ =	sdelay $0x4  }
0x59: {  	[tilespmem:$0x830] =	vst v0  }
0x5a: {  	v0 =	vld [tilespmem:s23+$0xB0];
	_ =	sdelay $0x4  }
0x5b: {  	[tilespmem:$0x8B0] =	vst v0  }
0x5c: {  	v0 =	vld [tilespmem:s23+$0x40];
	_ =	sdelay $0x4  }
0x5d: {  	[tilespmem:$0x840] =	vst v0  }
0x5e: {  	v0 =	vld [tilespmem:s23+$0xC0];
	_ =	sdelay $0x4  }
0x5f: {  	[tilespmem:$0x8C0] =	vst v0  }
0x60: {  	v0 =	vld [tilespmem:s23+$0x50];
	_ =	sdelay $0x4  }
0x61: {  	[tilespmem:$0x850] =	vst v0  }
0x62: {  	v0 =	vld [tilespmem:s23+$0xD0];
	_ =	sdelay $0x4  }
0x63: {  	[tilespmem:$0x8D0] =	vst v0  }
0x64: {  	v0 =	vld [tilespmem:s23+$0x60];
	_ =	sdelay $0x4  }
0x65: {  	[tilespmem:$0x860] =	vst v0  }
0x66: {  	v0 =	vld [tilespmem:s23+$0xE0];
	_ =	sdelay $0x4  }
0x67: {  	[tilespmem:$0x8E0] =	vst v0  }
0x68: {  	v0 =	vld [tilespmem:s23+$0x70];
	_ =	sdelay $0x4  }
0x69: {  	[tilespmem:$0x870] =	vst v0  }
0x6a: {  	v0 =	vld [tilespmem:s23+$0xF0];
	_ =	sdelay $0x4  }
0x6b: {  	[tilespmem:$0x8F0] =	vst v0  }
0x6c: {  	[spmem:s3] =	stream.indirect.scatter.add.f32 [tilespmem:s13], [sflag:$0x1], $0x80, s15, s14, $0xb8;
	[tilespmem:$0x181C0] =	vst v63  }
0x6d: {  	_ = 	snop  }
0x6e: {  	[spmem:s3] =	stream.indirect.scatter.add.f32 [tilespmem:s13], [sflag:$0x2], $0x80, s16, s14, $0xb8;
	[tilespmem:$0x181C0] =	vst v63  }
.Ltmp0:
0x6f: {  	_ =	swait.ge [sflag:s17], $0x4000;
	(pc) =	sbr.rel @p0 .LBB2_3-.Ltmp0, $4  }
0x70: {  	[sflag:s17] =	ssyncset.done $0x0  }
0x71: {  	[sflag:s17] =	ssyncadd.s32 $0xFFFFC000  }
0x72: {  	_ =	swait.ge [sflag:s18], $0x4000  }
0x73: {  	s24 =	smov.u32 s22;
	[sflag:s18] =	ssyncset.done $0x0  }
0x74: {  	s21 =	sshra.s32 s21, $0x2;
	[sflag:s18] =	ssyncadd.s32 $0xFFFFC000  }
0x75: {  	v0 =	vld [tilespmem:s21+$0x0];
	_ =	sdelay $0x4  }
0x76: {  	[tilespmem:$0x800] =	vst v0  }
0x77: {  	v0 =	vld [tilespmem:s21+$0x80];
	_ =	sdelay $0x4  }
0x78: {  	[tilespmem:$0x880] =	vst v0  }
0x79: {  	v0 =	vld [tilespmem:s21+$0x10];
	_ =	sdelay $0x4  }
0x7a: {  	[tilespmem:$0x810] =	vst v0  }
0x7b: {  	v0 =	vld [tilespmem:s21+$0x90];
	_ =	sdelay $0x4  }
0x7c: {  	[tilespmem:$0x890] =	vst v0  }
0x7d: {  	v0 =	vld [tilespmem:s21+$0x20];
	_ =	sdelay $0x4  }
0x7e: {  	[tilespmem:$0x820] =	vst v0  }
0x7f: {  	v0 =	vld [tilespmem:s21+$0xA0];
	_ =	sdelay $0x4  }
0x80: {  	[tilespmem:$0x8A0] =	vst v0  }
0x81: {  	v0 =	vld [tilespmem:s21+$0x30];
	_ =	sdelay $0x4  }
0x82: {  	[tilespmem:$0x830] =	vst v0  }
0x83: {  	v0 =	vld [tilespmem:s21+$0xB0];
	_ =	sdelay $0x4  }
0x84: {  	[tilespmem:$0x8B0] =	vst v0  }
0x85: {  	v0 =	vld [tilespmem:s21+$0x40];
	_ =	sdelay $0x4  }
0x86: {  	[tilespmem:$0x840] =	vst v0  }
0x87: {  	v0 =	vld [tilespmem:s21+$0xC0];
	_ =	sdelay $0x4  }
0x88: {  	[tilespmem:$0x8C0] =	vst v0  }
0x89: {  	v0 =	vld [tilespmem:s21+$0x50];
	_ =	sdelay $0x4  }
0x8a: {  	[tilespmem:$0x850] =	vst v0  }
0x8b: {  	v0 =	vld [tilespmem:s21+$0xD0];
	_ =	sdelay $0x4  }
0x8c: {  	[tilespmem:$0x8D0] =	vst v0  }
0x8d: {  	v0 =	vld [tilespmem:s21+$0x60];
	_ =	sdelay $0x4  }
0x8e: {  	[tilespmem:$0x860] =	vst v0  }
0x8f: {  	v0 =	vld [tilespmem:s21+$0xE0];
	_ =	sdelay $0x4  }
0x90: {  	[tilespmem:$0x8E0] =	vst v0  }
0x91: {  	v0 =	vld [tilespmem:s21+$0x70];
	_ =	sdelay $0x4  }
0x92: {  	[tilespmem:$0x870] =	vst v0  }
0x93: {  	v0 =	vld [tilespmem:s21+$0xF0];
	_ =	sdelay $0x4  }
0x94: {  	[tilespmem:$0x8F0] =	vst v0  }
0x95: {  	[spmem:s3] =	stream.indirect.scatter.add.f32 [tilespmem:s13], [sflag:$0x1], $0x80, s15, s14, $0xb8;
	[tilespmem:$0x181C0] =	vst v63  }
0x96: {  	s20 =	sadd.s32 $0x1, s20  }
0x97: {  	[spmem:s3] =	stream.indirect.scatter.add.f32 [tilespmem:s13], [sflag:$0x2], $0x80, s16, s14, $0xb8;
	[tilespmem:$0x181C0] =	vst v63  }
0x98: {  	p0 =	sne.s32 s20, $0xA;
	_ =	swait.ge [sflag:s17], $0x4000  }
.Ltmp1:
0x99: {  	[sflag:s17] =	ssyncset.done $0x0;
	(pc) =	sbr.rel @p0 .LBB2_2-.Ltmp1, $4  }
0x9a: {  	[sflag:s17] =	ssyncadd.s32 $0xFFFFC000  }
0x9b: {  	_ =	swait.ge [sflag:s18], $0x4000  }
0x9c: {  	[sflag:s18] =	ssyncset.done $0x0  }
0x9d: {  	[sflag:s18] =	ssyncadd.s32 $0xFFFFC000  }
0x9e: {  	s19 =	sadd.s32 $0x1, s19  }
0x9f: {  	p0 =	sne.s32 s19, s10  }
.Ltmp2:
0xa0: {  	[bflag:$0x0] =	sbarrier.arrive $0xFFFF;
	(pc) =	sbr.rel @p0 .LBB2_1-.Ltmp2, $4  }
0xa1: {  	[hbm:s9], [sflag:s7] =	dma.local [spmem:s11], $0x2800  }
0xa2: {  	_ =	swait.ge [sflag:s12], $0x2800  }
0xa3: {  	[sflag:s12] =	ssyncset.done $0x0  }
0xa4: {  	[sflag:s12] =	ssyncadd.s32 $0xFFFFD800  }
0xa5: {  	_ =	sfence.sel $0x180000  }
0xa6: {  	[bflag:$0x0] =	sbarrier.arrive $0xFFFF  }
0xa7: {  	p0 =	sne.s32 s1, $0x0;
	_ =	strace $0x9000004A  }
0xa8: {  	s0 =	sadd.s32 @!p0 $0x100000, s0;
	[bflag:$0x2] =	sbarrier.arrive $0xFFFF  }
0xa9: {  	[sflag:s0] =	ssyncadd.tile.s32 @!p0 $0x1;
	_ =	shalt  }
.Lfunc_end2:
_tile_overlayer_lowered:
.L_overlay_start_2:
0xaa: {  	(tag) =	ssettag $0x2  }
0xab: {  	s0 =	rddreg [dreg:$0x0];
	s2 =	stileid.u32  }
0xac: {  	s1 =	rddreg [dreg:$0x1];
	p0 =	sne.s32 s2, $0x0  }
0xad: {  	s3 =	rddreg [dreg:$0x2];
	[bflag:$0x3] =	sbarrier.arrive $0xFFFF;
	s2 =	simm.s32 @!p0 $0x1C03  }
0xae: {  	[timem:s3], [sflag:s2] =	dma.local @!p0 [hbm:s0], s1  }
0xaf: {  	s0 =	simm.s32 @!p0 $0x3  }
0xb0: {  	_ =	swait.ge @!p0 [sflag:s0], s1  }
0xb1: {  	s1 =	ssub.s32 @!p0 $0x0, s1;
	[sflag:s0] =	ssyncset.done @!p0 $0x0  }
0xb2: {  	[sflag:s0] =	ssyncadd.s32 @!p0 s1  }
0xb3: {  	[bflag:$0x3] =	sbarrier.arrive $0xFFFF  }
0xb4: {  	_ =	shalt  }

// kernel: kernel.15.cloned.1.call-start
scs
__scs_entry_jumppad:
0x0: {  	(pc) =	sbr.rel $0x88, $3  }
0x1: {  	(tag) =	ssettag $0x0;
	lr =	simm.s32 $0x1  }
0x2: {  	[smem:$0x3F79] =	sst lr;
	_ =	strace $0xD0000000  }
0x3: {  	_ = 	snop  }
0x4: {  	_ = 	snop  }
0x5: {  	_ = 	snop  }
0x6: {  	_ = 	snop  }
0x7: {  	_ = 	snop  }
__scs_overlays_trampoline_lowered:
0x8: {  	[smem:$0x3F88] =	sst s0  }
0x9: {  	[smem:$0x3F89] =	sst s1  }
0xa: {  	[smem:$0x3F8A] =	sst s2  }
0xb: {  	[smem:$0x3F8B] =	sst s3  }
0xc: {  	[smem:$0x3F8C] =	sst s4  }
0xd: {  	[smem:$0x3F8D] =	sst s5  }
0xe: {  	[smem:$0x3F8E] =	sst s6  }
0xf: {  	[smem:$0x3F8F] =	sst s7  }
0x10: {  	[smem:$0x3F90] =	sst s8  }
0x11: {  	[smem:$0x3F91] =	sst s9;
	s0 =	simm.s32 @!p0 $0x0  }
0x12: {  	s1 =	sld [smem:$0x3F77];
	s0 =	simm.s32 @p0 $0x1  }
0x13: {  	[smem:$0x3F92] =	sst s0;
	s0 =	simm.s32 @!p1 $0x0  }
0x14: {  	s2 =	sld [smem:$0x3F76];
	s0 =	simm.s32 @p1 $0x1  }
0x15: {  	[smem:$0x3F93] =	sst s0;
	s0 =	simm.s32 @!p2 $0x0  }
0x16: {  	s3 =	sld [smem:$0x3FDB];
	s0 =	simm.s32 @p2 $0x1  }
0x17: {  	s4 =	simm.s32 $0x1BF5;
	[smem:$0x3F95] =	sst s0  }
0x18: {  	s0 =	sld [smem:$0x3F78];
	_ =	swait.ge [sflag:s4], $0x0  }
0x19: {  	s7 =	sld [smem:$0x3F79]  }
0x1a: {  	s8 =	sadd.s32 $0xFFFFE003, lr  }
0x1b: {  	s9 =	sadd.s32 $0xFFFFFEF7, lr;
	s5 =	simm.s32 $0xFFFFFFFF;
	p2 =	slt.u32 s8, $0xFFFFF086  }
0x1c: {  	p1 =	slt.u32 s9, $0xF7A;
	s5 =	simm.s32 @!p2 $0x0  }
0x1d: {  	s5 =	simm.s32 @p1 $0x1;
	p0 =	seq.s32 s7, s2  }
0x1e: {  	s7 =	smul.u32 @!p0 $0xF7A, s2;
	p2 =	seq.s32 @!p0 s5, $0x0  }
0x1f: {  	s9 =	smul.u32 $0xF7A, s1;
	s8 =	simm.s32 @!p0 $0x1BF5;
	p2 =	por !p2, p0  }
0x20: {  	[sflag:s8] =	ssyncset.s32 @!p0 $0xFFFFF086;
	s6 =	sadd.s32 @!p0 s3, s7;
	s7 =	simm.s32 @!p0 $0x108  }
0x21: {  	s3 =	sadd.s32 s3, s9;
	s6 =	sadd.s32 @!p0 $0x88, s6;
	s7 =	simm.s32 @p2 $0x1082  }
0x22: {  	[simem:s7], [sflag:s8] =	dma.local @!p0 [hbm:s6], $0xF7A  }
0x23: {  	s9 =	sor.u32 $0xD0000000, s2;
	s6 =	simm.s32 $0x108;
	_ =	swait.ge @!p0 [sflag:s8], $0x0  }
0x24: {  	s3 =	sadd.s32 $0x88, s3;
	s6 =	simm.s32 @!p1 $0x1082;
	[sflag:s4] =	ssyncset.s32 $0xFFFFF086  }
0x25: {  	[simem:s6], [sflag:s4] =	dma.local [hbm:s3], $0xF7A  }
0x26: {  	[smem:$0x3F79] =	sst s1;
	(tag) =	ssettag s2;
	_ =	strace s9  }
0x27: {  	s1 =	sld [smem:$0x3F89]  }
0x28: {  	s2 =	sld [smem:$0x3F8A]  }
0x29: {  	s4 =	sld [smem:$0x3F8C]  }
0x2a: {  	p0 =	seq.s32 s5, $0x0;
	s5 =	sld [smem:$0x3F8D]  }
0x2b: {  	s6 =	sld [smem:$0x3F8E]  }
0x2c: {  	s7 =	sld [smem:$0x3F8F]  }
0x2d: {  	s3 =	simm.s32 $0x108;
	s8 =	sld [smem:$0x3F90]  }
0x2e: {  	s3 =	simm.s32 @!p0 $0x1082;
	s9 =	sld [smem:$0x3F91]  }
0x2f: {  	lr =	sadd.s32 s0, s3;
	s0 =	sld [smem:$0x3F88]  }
0x30: {  	s3 =	sld [smem:$0x3F8B]  }
0x31: {  	[smem:$0x3F94] =	sst s10  }
0x32: {  	s10 =	sld [smem:$0x3F92];
	_ =	sdelay $0x3  }
0x33: {  	p0 =	seq.s32 s10, $0x1;
	s10 =	sld [smem:$0x3F94];
	_ =	sdelay $0x3  }
0x34: {  	[smem:$0x3F94] =	sst s10  }
0x35: {  	s10 =	sld [smem:$0x3F93];
	_ =	sdelay $0x3  }
0x36: {  	p1 =	seq.s32 s10, $0x1;
	s10 =	sld [smem:$0x3F94];
	_ =	sdelay $0x3  }
0x37: {  	[smem:$0x3F94] =	sst s10  }
0x38: {  	s10 =	sld [smem:$0x3F95]  }
0x39: {  	_ = 	snop;
	(pc) =	sbr.ind lr, $3  }
0x3a: {  	_ = 	snop  }
0x3b: {  	_ = 	snop  }
0x3c: {  	p2 =	seq.s32 s10, $0x1;
	s10 =	sld [smem:$0x3F94]  }
0x3d: {  	_ =	shalt  }
0x3e: {  	_ =	shalt  }
0x3f: {  	_ =	shalt  }
0x40: {  	_ =	shalt  }
0x41: {  	_ =	shalt  }
0x42: {  	_ =	shalt  }
0x43: {  	_ =	shalt  }
0x44: {  	_ =	shalt  }
0x45: {  	_ =	shalt  }
0x46: {  	_ =	shalt  }
0x47: {  	_ =	shalt  }
0x48: {  	_ =	shalt  }
0x49: {  	_ =	shalt  }
0x4a: {  	_ =	shalt  }
0x4b: {  	_ =	shalt  }
0x4c: {  	_ =	shalt  }
0x4d: {  	_ =	shalt  }
0x4e: {  	_ =	shalt  }
0x4f: {  	_ =	shalt  }
0x50: {  	_ =	shalt  }
0x51: {  	_ =	shalt  }
0x52: {  	_ =	shalt  }
0x53: {  	_ =	shalt  }
0x54: {  	_ =	shalt  }
0x55: {  	_ =	shalt  }
0x56: {  	_ =	shalt  }
0x57: {  	_ =	shalt  }
0x58: {  	_ =	shalt  }
0x59: {  	_ =	shalt  }
0x5a: {  	_ =	shalt  }
0x5b: {  	_ =	shalt  }
0x5c: {  	_ =	shalt  }
0x5d: {  	_ =	shalt  }
0x5e: {  	_ =	shalt  }
0x5f: {  	_ =	shalt  }
0x60: {  	_ =	shalt  }
0x61: {  	_ =	shalt  }
0x62: {  	_ =	shalt  }
0x63: {  	_ =	shalt  }
0x64: {  	_ =	shalt  }
0x65: {  	_ =	shalt  }
0x66: {  	_ =	shalt  }
0x67: {  	_ =	shalt  }
0x68: {  	_ =	shalt  }
0x69: {  	_ =	shalt  }
0x6a: {  	_ =	shalt  }
0x6b: {  	_ =	shalt  }
0x6c: {  	_ =	shalt  }
0x6d: {  	_ =	shalt  }
0x6e: {  	_ =	shalt  }
0x6f: {  	_ =	shalt  }
0x70: {  	_ =	shalt  }
0x71: {  	_ =	shalt  }
0x72: {  	_ =	shalt  }
0x73: {  	_ =	shalt  }
0x74: {  	_ =	shalt  }
0x75: {  	_ =	shalt  }
0x76: {  	_ =	shalt  }
0x77: {  	_ =	shalt  }
0x78: {  	_ =	shalt  }
0x79: {  	_ =	shalt  }
0x7a: {  	_ =	shalt  }
0x7b: {  	_ =	shalt  }
0x7c: {  	_ =	shalt  }
0x7d: {  	_ =	shalt  }
0x7e: {  	_ =	shalt  }
0x7f: {  	_ =	shalt  }
0x80: {  	_ =	shalt  }
0x81: {  	_ =	shalt  }
0x82: {  	_ =	shalt  }
0x83: {  	_ =	shalt  }
0x84: {  	_ =	shalt  }
0x85: {  	_ =	shalt  }
0x86: {  	_ =	shalt  }
0x87: {  	_ =	shalt  }
.Lfunc_end0:
.L_simem_size_0:
called_computation.2_lowered:
.L_overlay_start_0:
0x88: {  	s2 =	sld [smem:$0x3FD9]  }
0x89: {  	s3 =	sld [smem:$0x3FFE];
	_ =	sdelay $0x1  }
0x8a: {  	s1 =	srdreg.scid  }
0x8b: {  	s0 =	sand.u32 $0x1, s1  }
0x8c: {  	s16 =	sshll.u32 s0, $0xA;
	s2 =	sadd.s32 s3, s2  }
0x8d: {  	s2 =	sadd.s32 s2, s16  }
0x8e: {  	[smem:$0x3FA0] =	sst s2  }
0x8f: {  	_ = 	snop  }
0x90: {  	(tm) =	ssettm $0x1  }
0x91: {  	s17 =	sld [smem:$0x3FFB];
	_ =	sdelay $0x3  }
0x92: {  	_ =	strace s17  }
0x93: {  	s2 =	sld [smem:$0x3FFC];
	_ =	sdelay $0x3  }
0x94: {  	_ =	strace s2  }
0x95: {  	s2 =	sld [smem:$0x3FFD];
	_ =	sdelay $0x3  }
0x96: {  	_ =	strace s2  }
0x97: {  	_ =	strace $0x8FFFFFFF  }
0x98: {  	s18 =	sld [smem:$0x3FDB];
	_ =	sdelay $0x1  }
0x99: {  	s19 =	simm.s32 $_scs_section_size  }
0x9a: {  	s4 =	simm.s32 $_size__tile_overlayer_lowered;
	s5 =	simm.s32 $_tile_overlayer_lowered  }
0x9b: {  	s22 =	simm.s32 $0x1BFF;
	s21 =	sshll.u32 s5, $0x1;
	s2 =	sadd.s32 s19, s18  }
0x9c: {  	s6 =	simm.s32 $0x0;
	s20 =	sshll.u32 s4, $0x1;
	s4 =	sadd.s32 s21, s2  }
0x9d: {  	[timem:s6], [sflag:s22] =	dma.local [hbm:s4], s20  }
0x9e: {  	_ =	swait.ge [sflag:s22], s20  }
0x9f: {  	s3 =	ssub.s32 $0x0, s20;
	[sflag:s22] =	ssyncset.done $0x0  }
0xa0: {  	[sflag:s22] =	ssyncadd.s32 s3;
	_ =	sdelay $0x1  }
0xa1: {  	s23 =	simm.s32 $0x1B8B  }
0xa2: {  	_ =	swait.ge [sflag:s23], $0x1  }
0xa3: {  	[sflag:s23] =	ssyncset.done $0x0  }
0xa4: {  	s25 =	simm.s32 $0x1B8E;
	s24 =	sld [smem:$0x3FFE];
	[sflag:s23] =	ssyncadd.s32 $0xFFFFFFFF  }
0xa5: {  	s26 =	simm.s32 $execute0_lowered;
	[smem:$0x3FD2] =	sst s25  }
0xa6: {  	s4 =	sshll.u32 s26, $0x1;
	_ =	strace $0x8000004C;
	[dreg:$0x1] =	wrdreg $0xFFFFFFFF  }
0xa7: {  	s28 =	simm.s32 $_size_execute0_lowered;
	s2 =	sadd.s32 s2, s4;
	[dreg:$0x0] =	wrdreg $0x0  }
0xa8: {  	s4 =	sshll.u32 s28, $0x1;
	[dreg:$0x2] =	wrdreg s2  }
0xa9: {  	[dreg:$0x3] =	wrdreg s4  }
0xaa: {  	[dreg:$0x4] =	wrdreg $0xC0  }
0xab: {  	_ =	task [dreg:s6], $0x5FFFF  }
0xac: {  	[dreg:$0x1] =	wrdreg $0xFFFFFFFF  }
0xad: {  	[dreg:$0x0] =	wrdreg $0x60  }
0xae: {  	[dreg:$0x2] =	wrdreg s24  }
0xaf: {  	[dreg:$0x3] =	wrdreg $0x91000  }
0xb0: {  	[dreg:$0x4] =	wrdreg $0x9  }
0xb1: {  	_ =	task.clear_ibuf [dreg:s6], $0x5FFFF;
	_ =	strace $0x9000004C  }
0xb2: {  	s29 =	simm.s32 $0x9;
	_ =	strace $0x8000004E  }
0xb3: {  	_ =	swait.ge [sflag:s29], $0x1  }
0xb4: {  	[sflag:s29] =	ssyncadd.s32 $0xFFFFFFFF  }
0xb5: {  	_ =	strace $0x9000004E  }
0xb6: {  	_ =	sfence  }
0xb7: {  	s30 =	sld [smem:$0x0];
	_ =	sdelay $0x2  }
0xb8: {  	s31 =	sshll.u32 s1, $0xD;
	s1 =	sshrl.u32 s1, $0x2  }
0xb9: {  	s3 =	sand.u32 $0x4000, s31;
	s1 =	sadd.s32 s1, s30  }
0xba: {  	s0 =	sor.u32 s3, s0;
	s1 =	sshll.u32 s1, $0x11  }
0xbb: {  	s0 =	sor.u32 s1, s0  }
0xbc: {  	s0 =	sadd.s32 $0x8F2B, s0  }
0xbd: {  	[sflag:s0] =	ssyncadd.remote.s32 $0x1  }
0xbe: {  	_ =	sfence.sel $0xFFFF  }
0xbf: {  	[dreg:$0x0] =	wrdreg $0xFFFFFFFF;
	(pc) =	sbr.abs _section_cstart, $3  }
0xc0: {  	[dreg:$0x1] =	wrdreg $0xFFFFFFFF  }
0xc1: {  	_ =	task.clear_ibuf [dreg:s6], $0x2FFFF;
	_ =	strace $0x9FFFFFFF  }
0xc2: {  	(tm) =	ssettm $0x7FFFFFFF  }
0xc3: {  	_ =	shalt  }
tec
execute0_lowered:
.L_overlay_start_1:
0x0: {  	(tag) =	ssettag $0x1  }
0x1: {  	s7 =	rddreg [dreg:$0x0]  }
0x2: {  	s2 =	rddreg [dreg:$0x1]  }
0x3: {  	s0 =	rddreg [dreg:$0x2]  }
0x4: {  	s3 =	simm.s32 $0x0;
	s1 =	stileid.u32;
	s4 =	srdreg.scid  }
0x5: {  	s15 =	simm.s32 $0x80;
	s16 =	simm.s32 $0x1100;
	s17 =	simm.s32 $0x5100  }
0x6: {  	s18 =	simm.s32 $0x1;
	s19 =	simm.s32 $0x1000;
	s20 =	simm.s32 $0x2  }
0x7: {  	s21 =	simm.s32 $0x1080;
	s22 =	simm.s32 $0x3;
	s23 =	simm.s32 $0x4  }
0x8: {  	[smem:$0x7FF] =	sst s3;
	s8 =	smul.u32 $0x280, s1;
	s9 =	sand.u32 $0x1, s4  }
0x9: {  	s4 =	sadd.s32 $0x6600, s7;
	s5 =	sadd.s32 $0x68800, s7;
	s6 =	sadd.s32 $0x54800, s7  }
0xa: {  	s30 =	sshll.u32 s1, $0x6;
	s31 =	smul.u32 $0x5000, s1;
	_ =	strace $0x8000004D  }
0xb: {  	s10 =	smul.u32 $0x2710, s9;
	s12 =	ssub.s32 $0x2, s9;
	s8 =	smin.u32 s8, $0x2490  }
0xc: {  	s9 =	smul.u32 $0x50000, s9;
	s13 =	sshrl.u32 s12, $0x1;
	s11 =	sshll.u32 s8, $0x4  }
0xd: {  	s10 =	sadd.s32 s10, s8;
	s12 =	ssub.s32 s12, s13;
	s29 =	sshll.u32 s8, $0x7  }
0xe: {  	s8 =	sor.u32 $0x1C05, s30;
	s9 =	sadd.s32 s31, s9;
	s13 =	simm.s32 $0x5  }
0xf: {  	s11 =	sadd.s32 s11, s7;
	s10 =	sshll.u32 s10, $0x4;
	s14 =	sadd.s32 s29, s2  }
0x10: {  	s10 =	sadd.s32 s10, s7;
	s7 =	sadd.s32 $0x7C800, s11;
	s11 =	smax.u32 s12, $0x1  }
0x11: {  	s12 =	sshrl.u32 s14, $0x3;
	s14 =	simm.s32 $0x800;
	s10 =	sadd.s32 $0xA3A00, s10  }
.LBB2_1:
0x12: {  	[spmem:s12], [sflag:s8] =	dma.local [hbm:s7], $0x2800  }
0x13: {  	_ =	swait.ge [sflag:s13], $0x2800  }
0x14: {  	[sflag:s13] =	ssyncset.done $0x0  }
0x15: {  	[sflag:s13] =	ssyncadd.s32 $0xFFFFD800  }
0x16: {  	s24 =	simm.s32 $0x0;
	[bflag:$0x0] =	sbarrier.arrive $0xFFFF  }
.LBB2_2:
0x17: {  	s25 =	sshll.u32 s24, $0xB  }
0x18: {  	s25 =	sadd.s32 s25, s9  }
0x19: {  	s25 =	sshrl.u32 s25, $0x3  }
0x1a: {  	s28 =	simm.s32 $0x0;
	s26 =	sadd.s32 s5, s25  }
0x1b: {  	[tilespmem:s28], [sflag:$0x5] =	stream.linear.gather [hbm4b:s26+s28], $0x800, $0x38;
	[tilespmem:$0x1C9C0] =	vst v63  }
0x1c: {  	_ =	swait.ge [sflag:s13], $0x800  }
0x1d: {  	[sflag:s13] =	ssyncset.done $0x0  }
0x1e: {  	s25 =	sadd.s32 s6, s25;
	[sflag:s13] =	ssyncadd.s32 $0xFFFFF800  }
0x1f: {  	[tilespmem:s14], [sflag:$0x5] =	stream.linear.gather [hbm4b:s25+s28], $0x800, $0x38;
	[tilespmem:$0x1C9C0] =	vst v63  }
0x20: {  	_ =	swait.ge [sflag:s13], $0x800  }
0x21: {  	[sflag:s13] =	ssyncset.done $0x0  }
0x22: {  	s30 =	simm.s32 $0x0;
	[sflag:s13] =	ssyncadd.s32 $0xFFFFF800  }
0x23: {  	v0 =	vld [tilespmem:s30+$0x800];
	_ =	sdelay $0x4  }
0x24: {  	[tilespmem:$0x1000] =	vst v0  }
0x25: {  	v0 =	vld [tilespmem:s30+$0x810];
	_ =	sdelay $0x4  }
0x26: {  	[tilespmem:$0x1010] =	vst v0  }
0x27: {  	v0 =	vld [tilespmem:s30+$0x820];
	_ =	sdelay $0x4  }
0x28: {  	[tilespmem:$0x1020] =	vst v0  }
0x29: {  	v0 =	vld [tilespmem:s30+$0x830];
	_ =	sdelay $0x4  }
0x2a: {  	[tilespmem:$0x1030] =	vst v0  }
0x2b: {  	v0 =	vld [tilespmem:s30+$0x840];
	_ =	sdelay $0x4  }
0x2c: {  	[tilespmem:$0x1040] =	vst v0  }
0x2d: {  	v0 =	vld [tilespmem:s30+$0x850];
	_ =	sdelay $0x4  }
0x2e: {  	[tilespmem:$0x1050] =	vst v0  }
0x2f: {  	v0 =	vld [tilespmem:s30+$0x860];
	_ =	sdelay $0x4  }
0x30: {  	[tilespmem:$0x1060] =	vst v0  }
0x31: {  	v0 =	vld [tilespmem:s30+$0x870];
	_ =	sdelay $0x4  }
0x32: {  	[tilespmem:$0x1070] =	vst v0  }
0x33: {  	v0 =	vld [tilespmem:s30+$0x880];
	_ =	sdelay $0x4  }
0x34: {  	[tilespmem:$0x1080] =	vst v0  }
0x35: {  	v0 =	vld [tilespmem:s30+$0x890];
	_ =	sdelay $0x4  }
0x36: {  	[tilespmem:$0x1090] =	vst v0  }
0x37: {  	v0 =	vld [tilespmem:s30+$0x8A0];
	_ =	sdelay $0x4  }
0x38: {  	[tilespmem:$0x10A0] =	vst v0  }
0x39: {  	v0 =	vld [tilespmem:s30+$0x8B0];
	_ =	sdelay $0x4  }
0x3a: {  	[tilespmem:$0x10B0] =	vst v0  }
0x3b: {  	v0 =	vld [tilespmem:s30+$0x8C0];
	_ =	sdelay $0x4  }
0x3c: {  	[tilespmem:$0x10C0] =	vst v0  }
0x3d: {  	v0 =	vld [tilespmem:s30+$0x8D0];
	_ =	sdelay $0x4  }
0x3e: {  	[tilespmem:$0x10D0] =	vst v0  }
0x3f: {  	v0 =	vld [tilespmem:s30+$0x8E0];
	_ =	sdelay $0x4  }
0x40: {  	[tilespmem:$0x10E0] =	vst v0  }
0x41: {  	v0 =	vld [tilespmem:s30+$0x8F0];
	_ =	sdelay $0x4  }
0x42: {  	[tilespmem:$0x10F0] =	vst v0  }
0x43: {  	[tilespmem:s16], [sflag:$0x1] =	stream.indirect.gather [hbm4b:s4+s15], $0x80, s30, s15, $0xb8;
	[tilespmem:$0x1C9C0] =	vst v63  }
0x44: {  	s31 =	simm.s32 $0x80  }
0x45: {  	[tilespmem:s17], [sflag:$0x2] =	stream.indirect.gather [hbm4b:s4+s15], $0x80, s31, s15, $0xb8;
	[tilespmem:$0x1C9C0] =	vst v63  }
0x46: {  	_ =	swait.ge [sflag:s18], $0x4000  }
0x47: {  	[sflag:s18] =	ssyncset.done $0x0  }
0x48: {  	[sflag:s18] =	ssyncadd.s32 $0xFFFFC000  }
0x49: {  	[spmem:s2] =	stream.indirect.scatter.add.f32 [tilespmem:s16], [sflag:$0x3], $0x80, s19, s15, $0xb8;
	[tilespmem:$0x1C9C0] =	vst v63  }
0x4a: {  	_ =	swait.ge [sflag:s20], $0x4000  }
0x4b: {  	[sflag:s20] =	ssyncset.done $0x0  }
0x4c: {  	[sflag:s20] =	ssyncadd.s32 $0xFFFFC000  }
0x4d: {  	[spmem:s2] =	stream.indirect.scatter.add.f32 [tilespmem:s17], [sflag:$0x4], $0x80, s21, s15, $0xb8;
	[tilespmem:$0x1C9C0] =	vst v63  }
0x4e: {  	_ =	swait.ge [sflag:s22], $0x4000  }
0x4f: {  	[sflag:s22] =	ssyncset.done $0x0  }
0x50: {  	[sflag:s22] =	ssyncadd.s32 $0xFFFFC000  }
0x51: {  	_ =	swait.ge [sflag:s23], $0x4000  }
0x52: {  	s29 =	simm.s32 $0x800;
	s25 =	simm.s32 $0x400;
	[sflag:s23] =	ssyncset.done $0x0  }
.LBB2_3:
0x53: {  	s28 =	sshra.s32 s25, $0x2  }
0x54: {  	[sflag:s23] =	ssyncadd.s32 $0xFFFFC000;
	s25 =	smov.u32 s29;
	s26 =	sadd.s32 $0x400, s29  }
0x55: {  	p0 =	sne.s32 s29, $0x1C00;
	v0 =	vld [tilespmem:s28+$0x800];
	_ =	sdelay $0x4  }
0x56: {  	[tilespmem:$0x1000] =	vst v0  }
0x57: {  	v0 =	vld [tilespmem:s28+$0x810];
	_ =	sdelay $0x4  }
0x58: {  	[tilespmem:$0x1010] =	vst v0  }
0x59: {  	v0 =	vld [tilespmem:s28+$0x820];
	_ =	sdelay $0x4  }
0x5a: {  	[tilespmem:$0x1020] =	vst v0  }
0x5b: {  	v0 =	vld [tilespmem:s28+$0x830];
	_ =	sdelay $0x4  }
0x5c: {  	[tilespmem:$0x1030] =	vst v0  }
0x5d: {  	v0 =	vld [tilespmem:s28+$0x840];
	_ =	sdelay $0x4  }
0x5e: {  	[tilespmem:$0x1040] =	vst v0  }
0x5f: {  	v0 =	vld [tilespmem:s28+$0x850];
	_ =	sdelay $0x4  }
0x60: {  	[tilespmem:$0x1050] =	vst v0  }
0x61: {  	v0 =	vld [tilespmem:s28+$0x860];
	_ =	sdelay $0x4  }
0x62: {  	[tilespmem:$0x1060] =	vst v0  }
0x63: {  	v0 =	vld [tilespmem:s28+$0x870];
	_ =	sdelay $0x4  }
0x64: {  	[tilespmem:$0x1070] =	vst v0  }
0x65: {  	v0 =	vld [tilespmem:s28+$0x880];
	_ =	sdelay $0x4  }
0x66: {  	[tilespmem:$0x1080] =	vst v0  }
0x67: {  	v0 =	vld [tilespmem:s28+$0x890];
	_ =	sdelay $0x4  }
0x68: {  	[tilespmem:$0x1090] =	vst v0  }
0x69: {  	v0 =	vld [tilespmem:s28+$0x8A0];
	_ =	sdelay $0x4  }
0x6a: {  	[tilespmem:$0x10A0] =	vst v0  }
0x6b: {  	v0 =	vld [tilespmem:s28+$0x8B0];
	_ =	sdelay $0x4  }
0x6c: {  	[tilespmem:$0x10B0] =	vst v0  }
0x6d: {  	v0 =	vld [tilespmem:s28+$0x8C0];
	_ =	sdelay $0x4  }
0x6e: {  	[tilespmem:$0x10C0] =	vst v0  }
0x6f: {  	v0 =	vld [tilespmem:s28+$0x8D0];
	_ =	sdelay $0x4  }
0x70: {  	[tilespmem:$0x10D0] =	vst v0  }
0x71: {  	v0 =	vld [tilespmem:s28+$0x8E0];
	_ =	sdelay $0x4  }
0x72: {  	[tilespmem:$0x10E0] =	vst v0  }
0x73: {  	v0 =	vld [tilespmem:s28+$0x8F0];
	_ =	sdelay $0x4  }
0x74: {  	[tilespmem:$0x10F0] =	vst v0  }
0x75: {  	[tilespmem:s16], [sflag:$0x1] =	stream.indirect.gather [hbm4b:s4+s15], $0x80, s28, s15, $0xb8;
	[tilespmem:$0x1C9C0] =	vst v63  }
0x76: {  	s28 =	sadd.s32 $0x80, s28  }
0x77: {  	[tilespmem:s17], [sflag:$0x2] =	stream.indirect.gather [hbm4b:s4+s15], $0x80, s28, s15, $0xb8;
	[tilespmem:$0x1C9C0] =	vst v63  }
0x78: {  	_ =	swait.ge [sflag:s18], $0x4000  }
0x79: {  	[sflag:s18] =	ssyncset.done $0x0  }
0x7a: {  	[sflag:s18] =	ssyncadd.s32 $0xFFFFC000  }
0x7b: {  	[spmem:s2] =	stream.indirect.scatter.add.f32 [tilespmem:s16], [sflag:$0x3], $0x80, s19, s15, $0xb8;
	[tilespmem:$0x1C9C0] =	vst v63  }
0x7c: {  	_ =	swait.ge [sflag:s20], $0x4000  }
0x7d: {  	[sflag:s20] =	ssyncset.done $0x0  }
0x7e: {  	[sflag:s20] =	ssyncadd.s32 $0xFFFFC000  }
0x7f: {  	[spmem:s2] =	stream.indirect.scatter.add.f32 [tilespmem:s17], [sflag:$0x4], $0x80, s21, s15, $0xb8;
	[tilespmem:$0x1C9C0] =	vst v63  }
.Ltmp0:
0x80: {  	_ =	swait.ge [sflag:s22], $0x4000;
	(pc) =	sbr.rel @p0 .LBB2_3-.Ltmp0, $4  }
0x81: {  	[sflag:s22] =	ssyncset.done $0x0  }
0x82: {  	[sflag:s22] =	ssyncadd.s32 $0xFFFFC000  }
0x83: {  	_ =	swait.ge [sflag:s23], $0x4000  }
0x84: {  	s29 =	smov.u32 s26;
	[sflag:s23] =	ssyncset.done $0x0  }
0x85: {  	s25 =	sshra.s32 s25, $0x2;
	[sflag:s23] =	ssyncadd.s32 $0xFFFFC000  }
0x86: {  	v0 =	vld [tilespmem:s25+$0x800];
	_ =	sdelay $0x4  }
0x87: {  	[tilespmem:$0x1000] =	vst v0  }
0x88: {  	v0 =	vld [tilespmem:s25+$0x810];
	_ =	sdelay $0x4  }
0x89: {  	[tilespmem:$0x1010] =	vst v0  }
0x8a: {  	v0 =	vld [tilespmem:s25+$0x820];
	_ =	sdelay $0x4  }
0x8b: {  	[tilespmem:$0x1020] =	vst v0  }
0x8c: {  	v0 =	vld [tilespmem:s25+$0x830];
	_ =	sdelay $0x4  }
0x8d: {  	[tilespmem:$0x1030] =	vst v0  }
0x8e: {  	v0 =	vld [tilespmem:s25+$0x840];
	_ =	sdelay $0x4  }
0x8f: {  	[tilespmem:$0x1040] =	vst v0  }
0x90: {  	v0 =	vld [tilespmem:s25+$0x850];
	_ =	sdelay $0x4  }
0x91: {  	[tilespmem:$0x1050] =	vst v0  }
0x92: {  	v0 =	vld [tilespmem:s25+$0x860];
	_ =	sdelay $0x4  }
0x93: {  	[tilespmem:$0x1060] =	vst v0  }
0x94: {  	v0 =	vld [tilespmem:s25+$0x870];
	_ =	sdelay $0x4  }
0x95: {  	[tilespmem:$0x1070] =	vst v0  }
0x96: {  	v0 =	vld [tilespmem:s25+$0x880];
	_ =	sdelay $0x4  }
0x97: {  	[tilespmem:$0x1080] =	vst v0  }
0x98: {  	v0 =	vld [tilespmem:s25+$0x890];
	_ =	sdelay $0x4  }
0x99: {  	[tilespmem:$0x1090] =	vst v0  }
0x9a: {  	v0 =	vld [tilespmem:s25+$0x8A0];
	_ =	sdelay $0x4  }
0x9b: {  	[tilespmem:$0x10A0] =	vst v0  }
0x9c: {  	v0 =	vld [tilespmem:s25+$0x8B0];
	_ =	sdelay $0x4  }
0x9d: {  	[tilespmem:$0x10B0] =	vst v0  }
0x9e: {  	v0 =	vld [tilespmem:s25+$0x8C0];
	_ =	sdelay $0x4  }
0x9f: {  	[tilespmem:$0x10C0] =	vst v0  }
0xa0: {  	v0 =	vld [tilespmem:s25+$0x8D0];
	_ =	sdelay $0x4  }
0xa1: {  	[tilespmem:$0x10D0] =	vst v0  }
0xa2: {  	v0 =	vld [tilespmem:s25+$0x8E0];
	_ =	sdelay $0x4  }
0xa3: {  	[tilespmem:$0x10E0] =	vst v0  }
0xa4: {  	v0 =	vld [tilespmem:s25+$0x8F0];
	_ =	sdelay $0x4  }
0xa5: {  	[tilespmem:$0x10F0] =	vst v0  }
0xa6: {  	[tilespmem:s16], [sflag:$0x1] =	stream.indirect.gather [hbm4b:s4+s15], $0x80, s25, s15, $0xb8;
	[tilespmem:$0x1C9C0] =	vst v63  }
0xa7: {  	s25 =	sadd.s32 $0x80, s25  }
0xa8: {  	[tilespmem:s17], [sflag:$0x2] =	stream.indirect.gather [hbm4b:s4+s15], $0x80, s25, s15, $0xb8;
	[tilespmem:$0x1C9C0] =	vst v63  }
0xa9: {  	_ =	swait.ge [sflag:s18], $0x4000  }
0xaa: {  	[sflag:s18] =	ssyncset.done $0x0  }
0xab: {  	[sflag:s18] =	ssyncadd.s32 $0xFFFFC000  }
0xac: {  	[spmem:s2] =	stream.indirect.scatter.add.f32 [tilespmem:s16], [sflag:$0x3], $0x80, s19, s15, $0xb8;
	[tilespmem:$0x1C9C0] =	vst v63  }
0xad: {  	_ =	swait.ge [sflag:s20], $0x4000  }
0xae: {  	[sflag:s20] =	ssyncset.done $0x0  }
0xaf: {  	s24 =	sadd.s32 $0x1, s24;
	[sflag:s20] =	ssyncadd.s32 $0xFFFFC000  }
0xb0: {  	[spmem:s2] =	stream.indirect.scatter.add.f32 [tilespmem:s17], [sflag:$0x4], $0x80, s21, s15, $0xb8;
	[tilespmem:$0x1C9C0] =	vst v63  }
0xb1: {  	p0 =	sne.s32 s24, $0xA;
	_ =	swait.ge [sflag:s22], $0x4000  }
.Ltmp1:
0xb2: {  	[sflag:s22] =	ssyncset.done $0x0;
	(pc) =	sbr.rel @p0 .LBB2_2-.Ltmp1, $4  }
0xb3: {  	[sflag:s22] =	ssyncadd.s32 $0xFFFFC000  }
0xb4: {  	_ =	swait.ge [sflag:s23], $0x4000  }
0xb5: {  	[sflag:s23] =	ssyncset.done $0x0  }
0xb6: {  	[sflag:s23] =	ssyncadd.s32 $0xFFFFC000  }
0xb7: {  	s3 =	sadd.s32 $0x1, s3  }
0xb8: {  	p0 =	sne.s32 s3, s11  }
.Ltmp2:
0xb9: {  	[bflag:$0x0] =	sbarrier.arrive $0xFFFF;
	(pc) =	sbr.rel @p0 .LBB2_1-.Ltmp2, $4  }
0xba: {  	[hbm:s10], [sflag:s8] =	dma.local [spmem:s12], $0x2800  }
0xbb: {  	_ =	swait.ge [sflag:s13], $0x2800  }
0xbc: {  	[sflag:s13] =	ssyncset.done $0x0  }
0xbd: {  	[sflag:s13] =	ssyncadd.s32 $0xFFFFD800  }
0xbe: {  	_ =	sfence.sel $0x180000  }
0xbf: {  	[bflag:$0x0] =	sbarrier.arrive $0xFFFF  }
0xc0: {  	p0 =	sne.s32 s1, $0x0;
	_ =	strace $0x9000004D  }
0xc1: {  	s0 =	sadd.s32 @!p0 $0x100000, s0;
	[bflag:$0x2] =	sbarrier.arrive $0xFFFF  }
0xc2: {  	[sflag:s0] =	ssyncadd.tile.s32 @!p0 $0x1;
	_ =	shalt  }
.Lfunc_end2:
_tile_overlayer_lowered:
.L_overlay_start_2:
0xc3: {  	(tag) =	ssettag $0x2  }
0xc4: {  	s0 =	rddreg [dreg:$0x0];
	s2 =	stileid.u32  }
0xc5: {  	s1 =	rddreg [dreg:$0x1];
	p0 =	sne.s32 s2, $0x0  }
0xc6: {  	s3 =	rddreg [dreg:$0x2];
	[bflag:$0x3] =	sbarrier.arrive $0xFFFF;
	s2 =	simm.s32 @!p0 $0x1C05  }
0xc7: {  	[timem:s3], [sflag:s2] =	dma.local @!p0 [hbm:s0], s1  }
0xc8: {  	s0 =	simm.s32 @!p0 $0x5  }
0xc9: {  	_ =	swait.ge @!p0 [sflag:s0], s1  }
0xca: {  	s1 =	ssub.s32 @!p0 $0x0, s1;
	[sflag:s0] =	ssyncset.done @!p0 $0x0  }
0xcb: {  	[sflag:s0] =	ssyncadd.s32 @!p0 s1  }
0xcc: {  	[bflag:$0x3] =	sbarrier.arrive $0xFFFF  }
0xcd: {  	_ =	shalt  }

// kernel: kernel.9.cloned.1.call-start
scs
__scs_entry_jumppad:
0x0: {  	(pc) =	sbr.rel $0x88, $3  }
0x1: {  	(tag) =	ssettag $0x0;
	lr =	simm.s32 $0x1  }
0x2: {  	[smem:$0x3F79] =	sst lr;
	_ =	strace $0xD0000000  }
0x3: {  	_ = 	snop  }
0x4: {  	_ = 	snop  }
0x5: {  	_ = 	snop  }
0x6: {  	_ = 	snop  }
0x7: {  	_ = 	snop  }
__scs_overlays_trampoline_lowered:
0x8: {  	[smem:$0x3F88] =	sst s0  }
0x9: {  	[smem:$0x3F89] =	sst s1  }
0xa: {  	[smem:$0x3F8A] =	sst s2  }
0xb: {  	[smem:$0x3F8B] =	sst s3  }
0xc: {  	[smem:$0x3F8C] =	sst s4  }
0xd: {  	[smem:$0x3F8D] =	sst s5  }
0xe: {  	[smem:$0x3F8E] =	sst s6  }
0xf: {  	[smem:$0x3F8F] =	sst s7  }
0x10: {  	[smem:$0x3F90] =	sst s8  }
0x11: {  	[smem:$0x3F91] =	sst s9;
	s0 =	simm.s32 @!p0 $0x0  }
0x12: {  	s1 =	sld [smem:$0x3F77];
	s0 =	simm.s32 @p0 $0x1  }
0x13: {  	[smem:$0x3F92] =	sst s0;
	s0 =	simm.s32 @!p1 $0x0  }
0x14: {  	s2 =	sld [smem:$0x3F76];
	s0 =	simm.s32 @p1 $0x1  }
0x15: {  	[smem:$0x3F93] =	sst s0;
	s0 =	simm.s32 @!p2 $0x0  }
0x16: {  	s3 =	sld [smem:$0x3FDB];
	s0 =	simm.s32 @p2 $0x1  }
0x17: {  	s4 =	simm.s32 $0x1BF5;
	[smem:$0x3F95] =	sst s0  }
0x18: {  	s0 =	sld [smem:$0x3F78];
	_ =	swait.ge [sflag:s4], $0x0  }
0x19: {  	s7 =	sld [smem:$0x3F79]  }
0x1a: {  	s8 =	sadd.s32 $0xFFFFE003, lr  }
0x1b: {  	s9 =	sadd.s32 $0xFFFFFEF7, lr;
	s5 =	simm.s32 $0xFFFFFFFF;
	p2 =	slt.u32 s8, $0xFFFFF086  }
0x1c: {  	p1 =	slt.u32 s9, $0xF7A;
	s5 =	simm.s32 @!p2 $0x0  }
0x1d: {  	s5 =	simm.s32 @p1 $0x1;
	p0 =	seq.s32 s7, s2  }
0x1e: {  	s7 =	smul.u32 @!p0 $0xF7A, s2;
	p2 =	seq.s32 @!p0 s5, $0x0  }
0x1f: {  	s9 =	smul.u32 $0xF7A, s1;
	s8 =	simm.s32 @!p0 $0x1BF5;
	p2 =	por !p2, p0  }
0x20: {  	[sflag:s8] =	ssyncset.s32 @!p0 $0xFFFFF086;
	s6 =	sadd.s32 @!p0 s3, s7;
	s7 =	simm.s32 @!p0 $0x108  }
0x21: {  	s3 =	sadd.s32 s3, s9;
	s6 =	sadd.s32 @!p0 $0x88, s6;
	s7 =	simm.s32 @p2 $0x1082  }
0x22: {  	[simem:s7], [sflag:s8] =	dma.local @!p0 [hbm:s6], $0xF7A  }
0x23: {  	s9 =	sor.u32 $0xD0000000, s2;
	s6 =	simm.s32 $0x108;
	_ =	swait.ge @!p0 [sflag:s8], $0x0  }
0x24: {  	s3 =	sadd.s32 $0x88, s3;
	s6 =	simm.s32 @!p1 $0x1082;
	[sflag:s4] =	ssyncset.s32 $0xFFFFF086  }
0x25: {  	[simem:s6], [sflag:s4] =	dma.local [hbm:s3], $0xF7A  }
0x26: {  	[smem:$0x3F79] =	sst s1;
	(tag) =	ssettag s2;
	_ =	strace s9  }
0x27: {  	s1 =	sld [smem:$0x3F89]  }
0x28: {  	s2 =	sld [smem:$0x3F8A]  }
0x29: {  	s4 =	sld [smem:$0x3F8C]  }
0x2a: {  	p0 =	seq.s32 s5, $0x0;
	s5 =	sld [smem:$0x3F8D]  }
0x2b: {  	s6 =	sld [smem:$0x3F8E]  }
0x2c: {  	s7 =	sld [smem:$0x3F8F]  }
0x2d: {  	s3 =	simm.s32 $0x108;
	s8 =	sld [smem:$0x3F90]  }
0x2e: {  	s3 =	simm.s32 @!p0 $0x1082;
	s9 =	sld [smem:$0x3F91]  }
0x2f: {  	lr =	sadd.s32 s0, s3;
	s0 =	sld [smem:$0x3F88]  }
0x30: {  	s3 =	sld [smem:$0x3F8B]  }
0x31: {  	[smem:$0x3F94] =	sst s10  }
0x32: {  	s10 =	sld [smem:$0x3F92];
	_ =	sdelay $0x3  }
0x33: {  	p0 =	seq.s32 s10, $0x1;
	s10 =	sld [smem:$0x3F94];
	_ =	sdelay $0x3  }
0x34: {  	[smem:$0x3F94] =	sst s10  }
0x35: {  	s10 =	sld [smem:$0x3F93];
	_ =	sdelay $0x3  }
0x36: {  	p1 =	seq.s32 s10, $0x1;
	s10 =	sld [smem:$0x3F94];
	_ =	sdelay $0x3  }
0x37: {  	[smem:$0x3F94] =	sst s10  }
0x38: {  	s10 =	sld [smem:$0x3F95]  }
0x39: {  	_ = 	snop;
	(pc) =	sbr.ind lr, $3  }
0x3a: {  	_ = 	snop  }
0x3b: {  	_ = 	snop  }
0x3c: {  	p2 =	seq.s32 s10, $0x1;
	s10 =	sld [smem:$0x3F94]  }
0x3d: {  	_ =	shalt  }
0x3e: {  	_ =	shalt  }
0x3f: {  	_ =	shalt  }
0x40: {  	_ =	shalt  }
0x41: {  	_ =	shalt  }
0x42: {  	_ =	shalt  }
0x43: {  	_ =	shalt  }
0x44: {  	_ =	shalt  }
0x45: {  	_ =	shalt  }
0x46: {  	_ =	shalt  }
0x47: {  	_ =	shalt  }
0x48: {  	_ =	shalt  }
0x49: {  	_ =	shalt  }
0x4a: {  	_ =	shalt  }
0x4b: {  	_ =	shalt  }
0x4c: {  	_ =	shalt  }
0x4d: {  	_ =	shalt  }
0x4e: {  	_ =	shalt  }
0x4f: {  	_ =	shalt  }
0x50: {  	_ =	shalt  }
0x51: {  	_ =	shalt  }
0x52: {  	_ =	shalt  }
0x53: {  	_ =	shalt  }
0x54: {  	_ =	shalt  }
0x55: {  	_ =	shalt  }
0x56: {  	_ =	shalt  }
0x57: {  	_ =	shalt  }
0x58: {  	_ =	shalt  }
0x59: {  	_ =	shalt  }
0x5a: {  	_ =	shalt  }
0x5b: {  	_ =	shalt  }
0x5c: {  	_ =	shalt  }
0x5d: {  	_ =	shalt  }
0x5e: {  	_ =	shalt  }
0x5f: {  	_ =	shalt  }
0x60: {  	_ =	shalt  }
0x61: {  	_ =	shalt  }
0x62: {  	_ =	shalt  }
0x63: {  	_ =	shalt  }
0x64: {  	_ =	shalt  }
0x65: {  	_ =	shalt  }
0x66: {  	_ =	shalt  }
0x67: {  	_ =	shalt  }
0x68: {  	_ =	shalt  }
0x69: {  	_ =	shalt  }
0x6a: {  	_ =	shalt  }
0x6b: {  	_ =	shalt  }
0x6c: {  	_ =	shalt  }
0x6d: {  	_ =	shalt  }
0x6e: {  	_ =	shalt  }
0x6f: {  	_ =	shalt  }
0x70: {  	_ =	shalt  }
0x71: {  	_ =	shalt  }
0x72: {  	_ =	shalt  }
0x73: {  	_ =	shalt  }
0x74: {  	_ =	shalt  }
0x75: {  	_ =	shalt  }
0x76: {  	_ =	shalt  }
0x77: {  	_ =	shalt  }
0x78: {  	_ =	shalt  }
0x79: {  	_ =	shalt  }
0x7a: {  	_ =	shalt  }
0x7b: {  	_ =	shalt  }
0x7c: {  	_ =	shalt  }
0x7d: {  	_ =	shalt  }
0x7e: {  	_ =	shalt  }
0x7f: {  	_ =	shalt  }
0x80: {  	_ =	shalt  }
0x81: {  	_ =	shalt  }
0x82: {  	_ =	shalt  }
0x83: {  	_ =	shalt  }
0x84: {  	_ =	shalt  }
0x85: {  	_ =	shalt  }
0x86: {  	_ =	shalt  }
0x87: {  	_ =	shalt  }
.Lfunc_end0:
.L_simem_size_0:
called_computation_lowered:
.L_overlay_start_0:
0x88: {  	s2 =	sld [smem:$0x3FD9]  }
0x89: {  	s3 =	sld [smem:$0x3FFE];
	_ =	sdelay $0x1  }
0x8a: {  	s1 =	srdreg.scid  }
0x8b: {  	s0 =	sand.u32 $0x1, s1  }
0x8c: {  	s16 =	sshll.u32 s0, $0xA;
	s2 =	sadd.s32 s3, s2  }
0x8d: {  	s2 =	sadd.s32 s2, s16  }
0x8e: {  	[smem:$0x3FA0] =	sst s2  }
0x8f: {  	_ = 	snop  }
0x90: {  	(tm) =	ssettm $0x1  }
0x91: {  	s17 =	sld [smem:$0x3FFB];
	_ =	sdelay $0x3  }
0x92: {  	_ =	strace s17  }
0x93: {  	s2 =	sld [smem:$0x3FFC];
	_ =	sdelay $0x3  }
0x94: {  	_ =	strace s2  }
0x95: {  	s2 =	sld [smem:$0x3FFD];
	_ =	sdelay $0x3  }
0x96: {  	_ =	strace s2  }
0x97: {  	_ =	strace $0x8FFFFFFF  }
0x98: {  	s18 =	sld [smem:$0x3FDB];
	_ =	sdelay $0x1  }
0x99: {  	s19 =	simm.s32 $_scs_section_size  }
0x9a: {  	s4 =	simm.s32 $_size__tile_overlayer_lowered;
	s5 =	simm.s32 $_tile_overlayer_lowered  }
0x9b: {  	s22 =	simm.s32 $0x1BFF;
	s21 =	sshll.u32 s5, $0x1;
	s2 =	sadd.s32 s19, s18  }
0x9c: {  	s6 =	simm.s32 $0x0;
	s20 =	sshll.u32 s4, $0x1;
	s4 =	sadd.s32 s21, s2  }
0x9d: {  	[timem:s6], [sflag:s22] =	dma.local [hbm:s4], s20  }
0x9e: {  	_ =	swait.ge [sflag:s22], s20  }
0x9f: {  	s3 =	ssub.s32 $0x0, s20;
	[sflag:s22] =	ssyncset.done $0x0  }
0xa0: {  	[sflag:s22] =	ssyncadd.s32 s3;
	_ =	sdelay $0x1  }
0xa1: {  	s23 =	simm.s32 $0x1B8B  }
0xa2: {  	_ =	swait.ge [sflag:s23], $0x1  }
0xa3: {  	[sflag:s23] =	ssyncset.done $0x0  }
0xa4: {  	s25 =	simm.s32 $0x1B8E;
	s24 =	sld [smem:$0x3FFE];
	[sflag:s23] =	ssyncadd.s32 $0xFFFFFFFF  }
0xa5: {  	s26 =	simm.s32 $execute0_lowered;
	[smem:$0x3FD2] =	sst s25  }
0xa6: {  	s4 =	sshll.u32 s26, $0x1;
	_ =	strace $0x80000046;
	[dreg:$0x1] =	wrdreg $0xFFFFFFFF  }
0xa7: {  	s28 =	simm.s32 $_size_execute0_lowered;
	s2 =	sadd.s32 s2, s4;
	[dreg:$0x0] =	wrdreg $0x0  }
0xa8: {  	s4 =	sshll.u32 s28, $0x1;
	[dreg:$0x2] =	wrdreg s2  }
0xa9: {  	[dreg:$0x3] =	wrdreg s4  }
0xaa: {  	[dreg:$0x4] =	wrdreg $0xC0  }
0xab: {  	_ =	task [dreg:s6], $0x5FFFF  }
0xac: {  	[dreg:$0x1] =	wrdreg $0xFFFFFFFF  }
0xad: {  	[dreg:$0x0] =	wrdreg $0x60  }
0xae: {  	[dreg:$0x2] =	wrdreg s24  }
0xaf: {  	[dreg:$0x3] =	wrdreg $0x91000  }
0xb0: {  	[dreg:$0x4] =	wrdreg $0x9  }
0xb1: {  	_ =	task.clear_ibuf [dreg:s6], $0x5FFFF;
	_ =	strace $0x90000046  }
0xb2: {  	s29 =	simm.s32 $0x9;
	_ =	strace $0x80000048  }
0xb3: {  	_ =	swait.ge [sflag:s29], $0x1  }
0xb4: {  	[sflag:s29] =	ssyncadd.s32 $0xFFFFFFFF  }
0xb5: {  	_ =	strace $0x90000048  }
0xb6: {  	_ =	sfence  }
0xb7: {  	s30 =	sld [smem:$0x0];
	_ =	sdelay $0x2  }
0xb8: {  	s31 =	sshll.u32 s1, $0xD;
	s1 =	sshrl.u32 s1, $0x2  }
0xb9: {  	s3 =	sand.u32 $0x4000, s31;
	s1 =	sadd.s32 s1, s30  }
0xba: {  	s0 =	sor.u32 s3, s0;
	s1 =	sshll.u32 s1, $0x11  }
0xbb: {  	s0 =	sor.u32 s1, s0  }
0xbc: {  	s0 =	sadd.s32 $0x8F2B, s0  }
0xbd: {  	[sflag:s0] =	ssyncadd.remote.s32 $0x1  }
0xbe: {  	_ =	sfence.sel $0xFFFF  }
0xbf: {  	[dreg:$0x0] =	wrdreg $0xFFFFFFFF;
	(pc) =	sbr.abs _section_cstart, $3  }
0xc0: {  	[dreg:$0x1] =	wrdreg $0xFFFFFFFF  }
0xc1: {  	_ =	task.clear_ibuf [dreg:s6], $0x2FFFF;
	_ =	strace $0x9FFFFFFF  }
0xc2: {  	(tm) =	ssettm $0x7FFFFFFF  }
0xc3: {  	_ =	shalt  }
tec
execute0_lowered:
.L_overlay_start_1:
0x0: {  	(tag) =	ssettag $0x1  }
0x1: {  	s7 =	rddreg [dreg:$0x0]  }
0x2: {  	s2 =	rddreg [dreg:$0x1]  }
0x3: {  	s0 =	rddreg [dreg:$0x2]  }
0x4: {  	s3 =	simm.s32 $0x0;
	s1 =	stileid.u32;
	s4 =	srdreg.scid  }
0x5: {  	s15 =	simm.s32 $0x80;
	s16 =	simm.s32 $0x1100;
	s17 =	simm.s32 $0x5100  }
0x6: {  	s18 =	simm.s32 $0x1;
	s19 =	simm.s32 $0x1000;
	s20 =	simm.s32 $0x2  }
0x7: {  	s21 =	simm.s32 $0x1080;
	s22 =	simm.s32 $0x3;
	s23 =	simm.s32 $0x4  }
0x8: {  	[smem:$0x7FF] =	sst s3;
	s8 =	smul.u32 $0x280, s1;
	s9 =	sand.u32 $0x1, s4  }
0x9: {  	s4 =	sadd.s32 $0x6600, s7;
	s5 =	sadd.s32 $0x68800, s7;
	s6 =	sadd.s32 $0x54800, s7  }
0xa: {  	s30 =	sshll.u32 s1, $0x6;
	s31 =	smul.u32 $0x5000, s1;
	_ =	strace $0x80000047  }
0xb: {  	s10 =	smul.u32 $0x2710, s9;
	s12 =	ssub.s32 $0x2, s9;
	s8 =	smin.u32 s8, $0x2490  }
0xc: {  	s9 =	smul.u32 $0x50000, s9;
	s13 =	sshrl.u32 s12, $0x1;
	s11 =	sshll.u32 s8, $0x4  }
0xd: {  	s10 =	sadd.s32 s10, s8;
	s12 =	ssub.s32 s12, s13;
	s29 =	sshll.u32 s8, $0x7  }
0xe: {  	s8 =	sor.u32 $0x1C05, s30;
	s9 =	sadd.s32 s31, s9;
	s13 =	simm.s32 $0x5  }
0xf: {  	s11 =	sadd.s32 s11, s7;
	s10 =	sshll.u32 s10, $0x4;
	s14 =	sadd.s32 s29, s2  }
0x10: {  	s10 =	sadd.s32 s10, s7;
	s7 =	sadd.s32 $0x7C800, s11;
	s11 =	smax.u32 s12, $0x1  }
0x11: {  	s12 =	sshrl.u32 s14, $0x3;
	s14 =	simm.s32 $0x800;
	s10 =	sadd.s32 $0xA3A00, s10  }
.LBB2_1:
0x12: {  	[spmem:s12], [sflag:s8] =	dma.local [hbm:s7], $0x2800  }
0x13: {  	_ =	swait.ge [sflag:s13], $0x2800  }
0x14: {  	[sflag:s13] =	ssyncset.done $0x0  }
0x15: {  	[sflag:s13] =	ssyncadd.s32 $0xFFFFD800  }
0x16: {  	s24 =	simm.s32 $0x0;
	[bflag:$0x0] =	sbarrier.arrive $0xFFFF  }
.LBB2_2:
0x17: {  	s25 =	sshll.u32 s24, $0xB  }
0x18: {  	s25 =	sadd.s32 s25, s9  }
0x19: {  	s25 =	sshrl.u32 s25, $0x3  }
0x1a: {  	s28 =	simm.s32 $0x0;
	s26 =	sadd.s32 s5, s25  }
0x1b: {  	[tilespmem:s28], [sflag:$0x5] =	stream.linear.gather [hbm4b:s26+s28], $0x800, $0x38;
	[tilespmem:$0x1C9C0] =	vst v63  }
0x1c: {  	_ =	swait.ge [sflag:s13], $0x800  }
0x1d: {  	[sflag:s13] =	ssyncset.done $0x0  }
0x1e: {  	s25 =	sadd.s32 s6, s25;
	[sflag:s13] =	ssyncadd.s32 $0xFFFFF800  }
0x1f: {  	[tilespmem:s14], [sflag:$0x5] =	stream.linear.gather [hbm4b:s25+s28], $0x800, $0x38;
	[tilespmem:$0x1C9C0] =	vst v63  }
0x20: {  	_ =	swait.ge [sflag:s13], $0x800  }
0x21: {  	[sflag:s13] =	ssyncset.done $0x0  }
0x22: {  	s30 =	simm.s32 $0x0;
	[sflag:s13] =	ssyncadd.s32 $0xFFFFF800  }
0x23: {  	v0 =	vld [tilespmem:s30+$0x800];
	_ =	sdelay $0x4  }
0x24: {  	[tilespmem:$0x1000] =	vst v0  }
0x25: {  	v0 =	vld [tilespmem:s30+$0x810];
	_ =	sdelay $0x4  }
0x26: {  	[tilespmem:$0x1010] =	vst v0  }
0x27: {  	v0 =	vld [tilespmem:s30+$0x820];
	_ =	sdelay $0x4  }
0x28: {  	[tilespmem:$0x1020] =	vst v0  }
0x29: {  	v0 =	vld [tilespmem:s30+$0x830];
	_ =	sdelay $0x4  }
0x2a: {  	[tilespmem:$0x1030] =	vst v0  }
0x2b: {  	v0 =	vld [tilespmem:s30+$0x840];
	_ =	sdelay $0x4  }
0x2c: {  	[tilespmem:$0x1040] =	vst v0  }
0x2d: {  	v0 =	vld [tilespmem:s30+$0x850];
	_ =	sdelay $0x4  }
0x2e: {  	[tilespmem:$0x1050] =	vst v0  }
0x2f: {  	v0 =	vld [tilespmem:s30+$0x860];
	_ =	sdelay $0x4  }
0x30: {  	[tilespmem:$0x1060] =	vst v0  }
0x31: {  	v0 =	vld [tilespmem:s30+$0x870];
	_ =	sdelay $0x4  }
0x32: {  	[tilespmem:$0x1070] =	vst v0  }
0x33: {  	v0 =	vld [tilespmem:s30+$0x880];
	_ =	sdelay $0x4  }
0x34: {  	[tilespmem:$0x1080] =	vst v0  }
0x35: {  	v0 =	vld [tilespmem:s30+$0x890];
	_ =	sdelay $0x4  }
0x36: {  	[tilespmem:$0x1090] =	vst v0  }
0x37: {  	v0 =	vld [tilespmem:s30+$0x8A0];
	_ =	sdelay $0x4  }
0x38: {  	[tilespmem:$0x10A0] =	vst v0  }
0x39: {  	v0 =	vld [tilespmem:s30+$0x8B0];
	_ =	sdelay $0x4  }
0x3a: {  	[tilespmem:$0x10B0] =	vst v0  }
0x3b: {  	v0 =	vld [tilespmem:s30+$0x8C0];
	_ =	sdelay $0x4  }
0x3c: {  	[tilespmem:$0x10C0] =	vst v0  }
0x3d: {  	v0 =	vld [tilespmem:s30+$0x8D0];
	_ =	sdelay $0x4  }
0x3e: {  	[tilespmem:$0x10D0] =	vst v0  }
0x3f: {  	v0 =	vld [tilespmem:s30+$0x8E0];
	_ =	sdelay $0x4  }
0x40: {  	[tilespmem:$0x10E0] =	vst v0  }
0x41: {  	v0 =	vld [tilespmem:s30+$0x8F0];
	_ =	sdelay $0x4  }
0x42: {  	[tilespmem:$0x10F0] =	vst v0  }
0x43: {  	[tilespmem:s16], [sflag:$0x1] =	stream.indirect.gather [hbm4b:s4+s15], $0x80, s30, s15, $0xb8;
	[tilespmem:$0x1C9C0] =	vst v63  }
0x44: {  	s31 =	simm.s32 $0x80  }
0x45: {  	[tilespmem:s17], [sflag:$0x2] =	stream.indirect.gather [hbm4b:s4+s15], $0x80, s31, s15, $0xb8;
	[tilespmem:$0x1C9C0] =	vst v63  }
0x46: {  	_ =	swait.ge [sflag:s18], $0x4000  }
0x47: {  	[sflag:s18] =	ssyncset.done $0x0  }
0x48: {  	[sflag:s18] =	ssyncadd.s32 $0xFFFFC000  }
0x49: {  	[spmem:s2] =	stream.indirect.scatter.add.f32 [tilespmem:s16], [sflag:$0x3], $0x80, s19, s15, $0xb8;
	[tilespmem:$0x1C9C0] =	vst v63  }
0x4a: {  	_ =	swait.ge [sflag:s20], $0x4000  }
0x4b: {  	[sflag:s20] =	ssyncset.done $0x0  }
0x4c: {  	[sflag:s20] =	ssyncadd.s32 $0xFFFFC000  }
0x4d: {  	[spmem:s2] =	stream.indirect.scatter.add.f32 [tilespmem:s17], [sflag:$0x4], $0x80, s21, s15, $0xb8;
	[tilespmem:$0x1C9C0] =	vst v63  }
0x4e: {  	_ =	swait.ge [sflag:s22], $0x4000  }
0x4f: {  	[sflag:s22] =	ssyncset.done $0x0  }
0x50: {  	[sflag:s22] =	ssyncadd.s32 $0xFFFFC000  }
0x51: {  	_ =	swait.ge [sflag:s23], $0x4000  }
0x52: {  	s29 =	simm.s32 $0x800;
	s25 =	simm.s32 $0x400;
	[sflag:s23] =	ssyncset.done $0x0  }
.LBB2_3:
0x53: {  	s28 =	sshra.s32 s25, $0x2  }
0x54: {  	[sflag:s23] =	ssyncadd.s32 $0xFFFFC000;
	s25 =	smov.u32 s29;
	s26 =	sadd.s32 $0x400, s29  }
0x55: {  	p0 =	sne.s32 s29, $0x1C00;
	v0 =	vld [tilespmem:s28+$0x800];
	_ =	sdelay $0x4  }
0x56: {  	[tilespmem:$0x1000] =	vst v0  }
0x57: {  	v0 =	vld [tilespmem:s28+$0x810];
	_ =	sdelay $0x4  }
0x58: {  	[tilespmem:$0x1010] =	vst v0  }
0x59: {  	v0 =	vld [tilespmem:s28+$0x820];
	_ =	sdelay $0x4  }
0x5a: {  	[tilespmem:$0x1020] =	vst v0  }
0x5b: {  	v0 =	vld [tilespmem:s28+$0x830];
	_ =	sdelay $0x4  }
0x5c: {  	[tilespmem:$0x1030] =	vst v0  }
0x5d: {  	v0 =	vld [tilespmem:s28+$0x840];
	_ =	sdelay $0x4  }
0x5e: {  	[tilespmem:$0x1040] =	vst v0  }
0x5f: {  	v0 =	vld [tilespmem:s28+$0x850];
	_ =	sdelay $0x4  }
0x60: {  	[tilespmem:$0x1050] =	vst v0  }
0x61: {  	v0 =	vld [tilespmem:s28+$0x860];
	_ =	sdelay $0x4  }
0x62: {  	[tilespmem:$0x1060] =	vst v0  }
0x63: {  	v0 =	vld [tilespmem:s28+$0x870];
	_ =	sdelay $0x4  }
0x64: {  	[tilespmem:$0x1070] =	vst v0  }
0x65: {  	v0 =	vld [tilespmem:s28+$0x880];
	_ =	sdelay $0x4  }
0x66: {  	[tilespmem:$0x1080] =	vst v0  }
0x67: {  	v0 =	vld [tilespmem:s28+$0x890];
	_ =	sdelay $0x4  }
0x68: {  	[tilespmem:$0x1090] =	vst v0  }
0x69: {  	v0 =	vld [tilespmem:s28+$0x8A0];
	_ =	sdelay $0x4  }
0x6a: {  	[tilespmem:$0x10A0] =	vst v0  }
0x6b: {  	v0 =	vld [tilespmem:s28+$0x8B0];
	_ =	sdelay $0x4  }
0x6c: {  	[tilespmem:$0x10B0] =	vst v0  }
0x6d: {  	v0 =	vld [tilespmem:s28+$0x8C0];
	_ =	sdelay $0x4  }
0x6e: {  	[tilespmem:$0x10C0] =	vst v0  }
0x6f: {  	v0 =	vld [tilespmem:s28+$0x8D0];
	_ =	sdelay $0x4  }
0x70: {  	[tilespmem:$0x10D0] =	vst v0  }
0x71: {  	v0 =	vld [tilespmem:s28+$0x8E0];
	_ =	sdelay $0x4  }
0x72: {  	[tilespmem:$0x10E0] =	vst v0  }
0x73: {  	v0 =	vld [tilespmem:s28+$0x8F0];
	_ =	sdelay $0x4  }
0x74: {  	[tilespmem:$0x10F0] =	vst v0  }
0x75: {  	[tilespmem:s16], [sflag:$0x1] =	stream.indirect.gather [hbm4b:s4+s15], $0x80, s28, s15, $0xb8;
	[tilespmem:$0x1C9C0] =	vst v63  }
0x76: {  	s28 =	sadd.s32 $0x80, s28  }
0x77: {  	[tilespmem:s17], [sflag:$0x2] =	stream.indirect.gather [hbm4b:s4+s15], $0x80, s28, s15, $0xb8;
	[tilespmem:$0x1C9C0] =	vst v63  }
0x78: {  	_ =	swait.ge [sflag:s18], $0x4000  }
0x79: {  	[sflag:s18] =	ssyncset.done $0x0  }
0x7a: {  	[sflag:s18] =	ssyncadd.s32 $0xFFFFC000  }
0x7b: {  	[spmem:s2] =	stream.indirect.scatter.add.f32 [tilespmem:s16], [sflag:$0x3], $0x80, s19, s15, $0xb8;
	[tilespmem:$0x1C9C0] =	vst v63  }
0x7c: {  	_ =	swait.ge [sflag:s20], $0x4000  }
0x7d: {  	[sflag:s20] =	ssyncset.done $0x0  }
0x7e: {  	[sflag:s20] =	ssyncadd.s32 $0xFFFFC000  }
0x7f: {  	[spmem:s2] =	stream.indirect.scatter.add.f32 [tilespmem:s17], [sflag:$0x4], $0x80, s21, s15, $0xb8;
	[tilespmem:$0x1C9C0] =	vst v63  }
.Ltmp0:
0x80: {  	_ =	swait.ge [sflag:s22], $0x4000;
	(pc) =	sbr.rel @p0 .LBB2_3-.Ltmp0, $4  }
0x81: {  	[sflag:s22] =	ssyncset.done $0x0  }
0x82: {  	[sflag:s22] =	ssyncadd.s32 $0xFFFFC000  }
0x83: {  	_ =	swait.ge [sflag:s23], $0x4000  }
0x84: {  	s29 =	smov.u32 s26;
	[sflag:s23] =	ssyncset.done $0x0  }
0x85: {  	s25 =	sshra.s32 s25, $0x2;
	[sflag:s23] =	ssyncadd.s32 $0xFFFFC000  }
0x86: {  	v0 =	vld [tilespmem:s25+$0x800];
	_ =	sdelay $0x4  }
0x87: {  	[tilespmem:$0x1000] =	vst v0  }
0x88: {  	v0 =	vld [tilespmem:s25+$0x810];
	_ =	sdelay $0x4  }
0x89: {  	[tilespmem:$0x1010] =	vst v0  }
0x8a: {  	v0 =	vld [tilespmem:s25+$0x820];
	_ =	sdelay $0x4  }
0x8b: {  	[tilespmem:$0x1020] =	vst v0  }
0x8c: {  	v0 =	vld [tilespmem:s25+$0x830];
	_ =	sdelay $0x4  }
0x8d: {  	[tilespmem:$0x1030] =	vst v0  }
0x8e: {  	v0 =	vld [tilespmem:s25+$0x840];
	_ =	sdelay $0x4  }
0x8f: {  	[tilespmem:$0x1040] =	vst v0  }
0x90: {  	v0 =	vld [tilespmem:s25+$0x850];
	_ =	sdelay $0x4  }
0x91: {  	[tilespmem:$0x1050] =	vst v0  }
0x92: {  	v0 =	vld [tilespmem:s25+$0x860];
	_ =	sdelay $0x4  }
0x93: {  	[tilespmem:$0x1060] =	vst v0  }
0x94: {  	v0 =	vld [tilespmem:s25+$0x870];
	_ =	sdelay $0x4  }
0x95: {  	[tilespmem:$0x1070] =	vst v0  }
0x96: {  	v0 =	vld [tilespmem:s25+$0x880];
	_ =	sdelay $0x4  }
0x97: {  	[tilespmem:$0x1080] =	vst v0  }
0x98: {  	v0 =	vld [tilespmem:s25+$0x890];
	_ =	sdelay $0x4  }
0x99: {  	[tilespmem:$0x1090] =	vst v0  }
0x9a: {  	v0 =	vld [tilespmem:s25+$0x8A0];
	_ =	sdelay $0x4  }
0x9b: {  	[tilespmem:$0x10A0] =	vst v0  }
0x9c: {  	v0 =	vld [tilespmem:s25+$0x8B0];
	_ =	sdelay $0x4  }
0x9d: {  	[tilespmem:$0x10B0] =	vst v0  }
0x9e: {  	v0 =	vld [tilespmem:s25+$0x8C0];
	_ =	sdelay $0x4  }
0x9f: {  	[tilespmem:$0x10C0] =	vst v0  }
0xa0: {  	v0 =	vld [tilespmem:s25+$0x8D0];
	_ =	sdelay $0x4  }
0xa1: {  	[tilespmem:$0x10D0] =	vst v0  }
0xa2: {  	v0 =	vld [tilespmem:s25+$0x8E0];
	_ =	sdelay $0x4  }
0xa3: {  	[tilespmem:$0x10E0] =	vst v0  }
0xa4: {  	v0 =	vld [tilespmem:s25+$0x8F0];
	_ =	sdelay $0x4  }
0xa5: {  	[tilespmem:$0x10F0] =	vst v0  }
0xa6: {  	[tilespmem:s16], [sflag:$0x1] =	stream.indirect.gather [hbm4b:s4+s15], $0x80, s25, s15, $0xb8;
	[tilespmem:$0x1C9C0] =	vst v63  }
0xa7: {  	s25 =	sadd.s32 $0x80, s25  }
0xa8: {  	[tilespmem:s17], [sflag:$0x2] =	stream.indirect.gather [hbm4b:s4+s15], $0x80, s25, s15, $0xb8;
	[tilespmem:$0x1C9C0] =	vst v63  }
0xa9: {  	_ =	swait.ge [sflag:s18], $0x4000  }
0xaa: {  	[sflag:s18] =	ssyncset.done $0x0  }
0xab: {  	[sflag:s18] =	ssyncadd.s32 $0xFFFFC000  }
0xac: {  	[spmem:s2] =	stream.indirect.scatter.add.f32 [tilespmem:s16], [sflag:$0x3], $0x80, s19, s15, $0xb8;
	[tilespmem:$0x1C9C0] =	vst v63  }
0xad: {  	_ =	swait.ge [sflag:s20], $0x4000  }
0xae: {  	[sflag:s20] =	ssyncset.done $0x0  }
0xaf: {  	s24 =	sadd.s32 $0x1, s24;
	[sflag:s20] =	ssyncadd.s32 $0xFFFFC000  }
0xb0: {  	[spmem:s2] =	stream.indirect.scatter.add.f32 [tilespmem:s17], [sflag:$0x4], $0x80, s21, s15, $0xb8;
	[tilespmem:$0x1C9C0] =	vst v63  }
0xb1: {  	p0 =	sne.s32 s24, $0xA;
	_ =	swait.ge [sflag:s22], $0x4000  }
.Ltmp1:
0xb2: {  	[sflag:s22] =	ssyncset.done $0x0;
	(pc) =	sbr.rel @p0 .LBB2_2-.Ltmp1, $4  }
0xb3: {  	[sflag:s22] =	ssyncadd.s32 $0xFFFFC000  }
0xb4: {  	_ =	swait.ge [sflag:s23], $0x4000  }
0xb5: {  	[sflag:s23] =	ssyncset.done $0x0  }
0xb6: {  	[sflag:s23] =	ssyncadd.s32 $0xFFFFC000  }
0xb7: {  	s3 =	sadd.s32 $0x1, s3  }
0xb8: {  	p0 =	sne.s32 s3, s11  }
.Ltmp2:
0xb9: {  	[bflag:$0x0] =	sbarrier.arrive $0xFFFF;
	(pc) =	sbr.rel @p0 .LBB2_1-.Ltmp2, $4  }
0xba: {  	[hbm:s10], [sflag:s8] =	dma.local [spmem:s12], $0x2800  }
0xbb: {  	_ =	swait.ge [sflag:s13], $0x2800  }
0xbc: {  	[sflag:s13] =	ssyncset.done $0x0  }
0xbd: {  	[sflag:s13] =	ssyncadd.s32 $0xFFFFD800  }
0xbe: {  	_ =	sfence.sel $0x180000  }
0xbf: {  	[bflag:$0x0] =	sbarrier.arrive $0xFFFF  }
0xc0: {  	p0 =	sne.s32 s1, $0x0;
	_ =	strace $0x90000047  }
0xc1: {  	s0 =	sadd.s32 @!p0 $0x100000, s0;
	[bflag:$0x2] =	sbarrier.arrive $0xFFFF  }
0xc2: {  	[sflag:s0] =	ssyncadd.tile.s32 @!p0 $0x1;
	_ =	shalt  }
.Lfunc_end2:
_tile_overlayer_lowered:
.L_overlay_start_2:
0xc3: {  	(tag) =	ssettag $0x2  }
0xc4: {  	s0 =	rddreg [dreg:$0x0];
	s2 =	stileid.u32  }
0xc5: {  	s1 =	rddreg [dreg:$0x1];
	p0 =	sne.s32 s2, $0x0  }
0xc6: {  	s3 =	rddreg [dreg:$0x2];
	[bflag:$0x3] =	sbarrier.arrive $0xFFFF;
	s2 =	simm.s32 @!p0 $0x1C05  }
0xc7: {  	[timem:s3], [sflag:s2] =	dma.local @!p0 [hbm:s0], s1  }
0xc8: {  	s0 =	simm.s32 @!p0 $0x5  }
0xc9: {  	_ =	swait.ge @!p0 [sflag:s0], s1  }
0xca: {  	s1 =	ssub.s32 @!p0 $0x0, s1;
	[sflag:s0] =	ssyncset.done @!p0 $0x0  }
0xcb: {  	[sflag:s0] =	ssyncadd.s32 @!p0 s1  }
0xcc: {  	[bflag:$0x3] =	sbarrier.arrive $0xFFFF  }
0xcd: {  	_ =	shalt  }

</sc_bundles>
